<compile_context>
chip_gen: v7x
topology: tpu7x:2x2x1
jax: 0.10.2.dev20260603
libtpu: 0.0.44.dev20260713+nightly
codegen_flags: <defaults>
</compile_context>

<pallas_src>
import functools

import jax
import jax.numpy as jnp
from jax import lax
from jax.experimental import pallas as pl
from jax.experimental.pallas import tpu as pltpu
from jax.experimental.pallas import tpu_sc as plsc

BN_EPS = 1e-5

NC = 2
NS = 16
NW = NC * NS
CHUNK = 128


def _sc_mesh():
    return plsc.VectorSubcoreMesh(core_axis_name="c", subcore_axis_name="s")


def _make_deg_kernel(n, k, acc_rows):
    zpt = acc_rows // NS

    @functools.partial(
        pl.kernel,
        out_type=jax.ShapeDtypeStruct((NC, acc_rows, 16), jnp.float32),
        mesh=_sc_mesh(),
        compiler_params=pltpu.CompilerParams(use_tc_tiling_on_sc=False),
        scratch_types=[
            pltpu.VMEM((k, CHUNK), jnp.int32),
            pltpu.VMEM((CHUNK, 16), jnp.float32),
            pltpu.VMEM((CHUNK, 16), jnp.float32),
            pltpu.VMEM_SHARED((acc_rows, 16), jnp.float32),
            pltpu.SemaphoreType.DMA,
        ],
    )
    def deg_kernel(dst_hbm, degp_hbm, dst_v, ones_v, zero_v, acc, sem):
        cid = lax.axis_index("c")
        sid = lax.axis_index("s")
        wid = cid * NS + sid

        def _fill(r, carry):
            ones_v[r, :] = jnp.ones((16,), jnp.float32)
            zero_v[r, :] = jnp.zeros((16,), jnp.float32)
            return carry

        lax.fori_loop(0, CHUNK, _fill, 0)

        def _zero(c, carry):
            pltpu.sync_copy(zero_v, acc.at[pl.ds(sid * zpt + c * CHUNK, CHUNK)])
            return carry

        lax.fori_loop(0, zpt // CHUNK, _zero, 0)
        plsc.subcore_barrier()

        pltpu.sync_copy(dst_hbm.at[wid], dst_v)

        def _fire(j, carry):
            pltpu.async_copy(ones_v, acc.at[dst_v.at[j]], sem, add=True)
            return carry

        lax.fori_loop(0, k, _fire, 0)

        def _drain(j, carry):
            pltpu.make_async_copy(ones_v, acc.at[dst_v.at[j]], sem).wait()
            return carry

        lax.fori_loop(0, k, _drain, 0)
        plsc.subcore_barrier()

        pltpu.sync_copy(acc.at[pl.ds(sid * zpt, zpt)],
                        degp_hbm.at[cid, pl.ds(sid * zpt, zpt)])

    return deg_kernel


ECHUNK = 112
EPH = 24


def _make_edge_kernel(n, d, k, acc_rows):
    zpt = acc_rows // NS
    phases = []
    j0 = 0
    while j0 < k:
        phases.append((j0, min(EPH, k - j0)))
        j0 += EPH
    assert all(cnt % 3 == 0 for _, cnt in phases)

    @functools.partial(
        pl.kernel,
        out_type=jax.ShapeDtypeStruct((NC, acc_rows, d), jnp.float32),
        mesh=_sc_mesh(),
        scratch_types=[
            pltpu.VMEM((EPH, ECHUNK), jnp.int32),
            pltpu.VMEM((EPH, ECHUNK), jnp.int32),
            [pltpu.VMEM((ECHUNK, d), jnp.float32) for _ in range(3)],
            pltpu.VMEM_SHARED((acc_rows, d), jnp.float32),
            [pltpu.SemaphoreType.DMA for _ in range(3)],
            [pltpu.SemaphoreType.DMA for _ in range(3)],
        ],
    )
    def edge_kernel(hp_hbm, src_hbm, dst_hbm, p_hbm,
                    src_v, dst_v, rows, acc, gsem, ssem):
        cid = lax.axis_index("c")
        sid = lax.axis_index("s")
        wid = cid * NS + sid

        def _fill(r, carry):
            for c in range(d // 16):
                rows[0][r, pl.ds(c * 16, 16)] = jnp.zeros((16,), jnp.float32)
            return carry

        lax.fori_loop(0, ECHUNK, _fill, 0)

        def _zero(c, carry):
            pltpu.sync_copy(rows[0],
                            acc.at[pl.ds(sid * zpt + c * ECHUNK, ECHUNK)])
            return carry

        lax.fori_loop(0, zpt // ECHUNK, _zero, 0)
        rem = zpt % ECHUNK
        if rem:
            pltpu.sync_copy(
                rows[0].at[pl.ds(0, rem)],
                acc.at[pl.ds(sid * zpt + (zpt // ECHUNK) * ECHUNK, rem)])
        plsc.subcore_barrier()

        def _gather(j, b):
            pltpu.async_copy(hp_hbm.at[src_v.at[j]], rows[b], gsem[b])

        def _gather_wait(j, b):
            pltpu.make_async_copy(hp_hbm.at[src_v.at[j]], rows[b],
                                  gsem[b]).wait()

        def _scatter(j, b):
            pltpu.async_copy(rows[b], acc.at[dst_v.at[j]], ssem[b], add=True)

        def _scatter_wait(j, b):
            pltpu.make_async_copy(rows[b], acc.at[dst_v.at[j]],
                                  ssem[b]).wait()

        for j0, cnt in phases:
            pltpu.sync_copy(src_hbm.at[wid, pl.ds(j0, cnt)],
                            src_v.at[pl.ds(0, cnt)])
            pltpu.sync_copy(dst_hbm.at[wid, pl.ds(j0, cnt)],
                            dst_v.at[pl.ds(0, cnt)])
            _gather(0, 0)
            _gather(1, 1)

            def _super(jj, carry):
                for b in range(3):
                    j = 3 * jj + b
                    fb = (b + 2) % 3

                    if b == 0:
                        @pl.when(jj > 0)
                        def _w():
                            _scatter_wait(j - 1, fb)
                    else:
                        _scatter_wait(j - 1, fb)

                    @pl.when(j + 2 < cnt)
                    def _g():
                        _gather(j + 2, fb)

                    _gather_wait(j, b)
                    _scatter(j, b)
                return carry

            lax.fori_loop(0, cnt // 3, _super, 0)
            _scatter_wait(cnt - 1, 2)
        plsc.subcore_barrier()

        pltpu.sync_copy(acc.at[pl.ds(sid * zpt, zpt)],
                        p_hbm.at[cid, pl.ds(sid * zpt, zpt)])

    return edge_kernel


def _mm_body(x_ref, w_ref, dg_ref, hp_ref):
    deg = dg_ref[0, :, 0:1] + dg_ref[1, :, 0:1] + 1.0
    dinv = lax.rsqrt(deg)
    h = jnp.dot(x_ref[...], w_ref[...], preferred_element_type=jnp.float32)
    hp_ref[...] = h * dinv


def _matmul_scaled(x, w, degp, rows_blk=1000):
    n, d_in = x.shape
    d_out = w.shape[1]
    grid = n // rows_blk
    return pl.pallas_call(
        _mm_body,
        grid=(grid,),
        in_specs=[
            pl.BlockSpec((rows_blk, d_in), lambda i: (i, 0)),
            pl.BlockSpec((d_in, d_out), lambda i: (0, 0)),
            pl.BlockSpec((2, rows_blk, 16), lambda i: (0, i, 0)),
        ],
        out_specs=pl.BlockSpec((rows_blk, d_out), lambda i: (i, 0)),
        out_shape=jax.ShapeDtypeStruct((n, d_out), jnp.float32),
    )(x, w, degp)


def _post_body(p_ref, hp_ref, dg_ref, b_ref, g_ref, bt_ref, out_ref):
    n = hp_ref.shape[0]
    deg = dg_ref[0, 0:n, 0:1] + dg_ref[1, 0:n, 0:1] + 1.0
    dinv = lax.rsqrt(deg)
    o = (p_ref[0, 0:n, :] + p_ref[1, 0:n, :] + hp_ref[...]) * dinv + b_ref[...]
    o = jnp.maximum(o, 0.0)
    m = jnp.sum(o, axis=0, keepdims=True) * (1.0 / n)
    c = o - m
    v = jnp.sum(c * c, axis=0, keepdims=True) * (1.0 / n)
    out_ref[...] = c * lax.rsqrt(v + BN_EPS) * g_ref[...] + bt_ref[...]


def _postprocess(p, hp, degp, bias, gamma, beta):
    n, d = hp.shape
    return pl.pallas_call(
        _post_body,
        out_shape=jax.ShapeDtypeStruct((n, d), jnp.float32),
    )(p, hp, degp, bias.reshape(1, d), gamma.reshape(1, d), beta.reshape(1, d))


def kernel(x, edge_index, W, bias, gamma, beta):
    n, d_in = x.shape
    d = W.shape[1]
    e = edge_index.shape[1]

    src = edge_index[0]
    dst = edge_index[1]

    kd = -(-e // (NW * CHUNK))
    ar_deg = -(-(n + 1) // (NS * CHUNK)) * (NS * CHUNK)
    pad_d = NW * kd * CHUNK - e
    dst_d = dst
    if pad_d:
        fill = jnp.arange(pad_d, dtype=jnp.int32)
        dst_d = jnp.concatenate([dst, n + fill % (ar_deg - n)])
    dst3 = dst_d.reshape(NW, kd, CHUNK)

    ke = -(-e // (NW * ECHUNK))
    ar_edge = -(-(n + 1) // (NS * 8)) * (NS * 8)
    pad_e = NW * ke * ECHUNK - e
    src_e, dst_e = src, dst
    if pad_e:
        fill = jnp.arange(pad_e, dtype=jnp.int32)
        src_e = jnp.concatenate([src, fill % n])
        dst_e = jnp.concatenate([dst, n + fill % (ar_edge - n)])
    src2 = src_e.reshape(NW, ke, ECHUNK)
    dst2 = dst_e.reshape(NW, ke, ECHUNK)

    degp = _make_deg_kernel(n, kd, ar_deg)(dst3)
    hp = _matmul_scaled(x, W, degp)
    p = _make_edge_kernel(n, d, ke, ar_edge)(hp, src2, dst2)
    return _postprocess(p, hp, degp, bias, gamma, beta)

# --- scband reference (transcript-rebuilt; emitter-appended) ---
"""Pipeline reference for scband-node-embedding-53549652247107 (READ-ONLY COPY).

The authoritative reference and input builder live on the scoring server;
editing this copy changes nothing except your own understanding.
"""

import jax, jax.numpy as jnp
import numpy as np

N = 10000
E = 320000
D_IN = 128
D_OUT = 128
BN_EPS = 1e-5


def setup_inputs(seed: int = 0) -> dict:
    key = jax.random.key(seed)
    k1, k2, k3 = jax.random.split(key, 3)
    x = jax.random.normal(k1, (N, D_IN), dtype=jnp.float32)
    edge_index = jax.random.randint(k2, (2, E), 0, N, dtype=jnp.int32)
    # GCNConv linear weight (glorot-ish init), bias
    W = jax.random.normal(k3, (D_IN, D_OUT), dtype=jnp.float32) * (1.0 / np.sqrt(D_IN))
    bias = jnp.zeros((D_OUT,), dtype=jnp.float32)
    # BatchNorm1d affine params
    gamma = jnp.ones((D_OUT,), dtype=jnp.float32)
    beta = jnp.zeros((D_OUT,), dtype=jnp.float32)
    return {"x": x, "edge_index": edge_index, "W": W, "bias": bias, "gamma": gamma, "beta": beta}


def reference(x, edge_index, W, bias, gamma, beta):
    n = x.shape[0]
    src = edge_index[0]
    dst = edge_index[1]
    # GCN normalization: add self-loops (improved=False -> fill value 1.0)
    loop = jnp.arange(n, dtype=src.dtype)
    src_full = jnp.concatenate([src, loop])
    dst_full = jnp.concatenate([dst, loop])
    ew = jnp.ones((src_full.shape[0],), dtype=x.dtype)
    deg = jax.ops.segment_sum(ew, dst_full, num_segments=n)
    deg_inv_sqrt = jnp.where(deg > 0, deg ** -0.5, 0.0)
    norm = deg_inv_sqrt[src_full] * ew * deg_inv_sqrt[dst_full]
    # dropout p=0.0 -> no-op; linear transform
    h = x @ W
    # message passing: gather from src, scale by norm, scatter-add to dst
    msgs = h[src_full] * norm[:, None]
    out = jax.ops.segment_sum(msgs, dst_full, num_segments=n)
    out = out + bias
    # activation
    out = jax.nn.relu(out)
    # BatchNorm1d (training mode: batch statistics, biased variance)
    mean = jnp.mean(out, axis=0)
    var = jnp.mean((out - mean) ** 2, axis=0)
    out = (out - mean) / jnp.sqrt(var + BN_EPS) * gamma + beta
    return out

if __name__ == "__main__":
    import jax
    _d = setup_inputs()
    print(jax.jit(kernel)(*tuple(_d.values())))

</pallas_src>

<mosaic_0001>
#map = affine_map<(d0, d1) -> (0, 0)>
#map1 = affine_map<(d0, d1) -> (0, 0, 0)>
module attributes {stable_mosaic.version = 14 : i64} {
  func.func @edge_kernel(%arg0: i32, %arg1: i32, %arg2: memref<10000x128xf32, #tpu.memory_space<hbm>>, %arg3: memref<32x90x112xi32, #tpu.memory_space<hbm>>, %arg4: memref<32x90x112xi32, #tpu.memory_space<hbm>>, %arg5: memref<2x10112x128xf32, #tpu.memory_space<hbm>>, %arg6: memref<24x112xi32, #tpu.memory_space<vmem>>, %arg7: memref<24x112xi32, #tpu.memory_space<vmem>>, %arg8: memref<112x128xf32, #tpu.memory_space<vmem>>, %arg9: memref<112x128xf32, #tpu.memory_space<vmem>>, %arg10: memref<112x128xf32, #tpu.memory_space<vmem>>, %arg11: memref<10112x128xf32, #tpu.memory_space<vmem_shared>>, %arg12: memref<!tpu.dma_semaphore, #tpu.memory_space<semaphore_mem>>, %arg13: memref<!tpu.dma_semaphore, #tpu.memory_space<semaphore_mem>>, %arg14: memref<!tpu.dma_semaphore, #tpu.memory_space<semaphore_mem>>, %arg15: memref<!tpu.dma_semaphore, #tpu.memory_space<semaphore_mem>>, %arg16: memref<!tpu.dma_semaphore, #tpu.memory_space<semaphore_mem>>, %arg17: memref<!tpu.dma_semaphore, #tpu.memory_space<semaphore_mem>>) attributes {dimension_semantics = [#tpu.dimension_semantics<core_parallel>, #tpu.dimension_semantics<subcore_parallel>], iteration_bounds = array<i64: 2, 16>, scalar_prefetch = 0 : i64, scratch_operands = 12 : i64, tpu.core_type = #tpu.core_type<sc_vector_subcore>, window_params = [{transform_indices = #map}, {transform_indices = #map1}, {transform_indices = #map1}, {transform_indices = #map1}]} {
    %mul3A = arith.constant 16 : i32
    %mul3A_0 = arith.muli %arg0, %mul3A : i32
    %add3A = arith.addi %mul3A_0, %arg1 : i32
    %scan3A = arith.constant 0 : i32
    %scan3A_1 = arith.constant 0 : i32
    %scan3A_2 = arith.constant 112 : i32
    %scan3A_3 = arith.addi %scan3A_1, %scan3A_2 : i32
    %scan3A_4 = arith.constant 1 : i32
    scf.for %scan3A_127 = %scan3A_1 to %scan3A_3 step %scan3A_4  : i32 {
      %broadcast_in_dim3A = arith.constant 0.000000e+00 : f32
      %broadcast_in_dim3A_128 = vector.broadcast %broadcast_in_dim3A : f32 to vector<16xf32>
      %swap3A = arith.index_cast %scan3A_127 : i32 to index
      %swap3A_129 = arith.constant 0 : index
      %swap3A_130 = tpu.vector_load %arg8[%swap3A, %swap3A_129] {strides = array<i32>} : memref<112x128xf32, #tpu.memory_space<vmem>>, vector<1x16xf32>,
      %swap3A_131 = vector.shape_cast %swap3A_130 : vector<1x16xf32> to vector<16xf32>
      %swap3A_132 = vector.shape_cast %broadcast_in_dim3A_128 : vector<16xf32> to vector<1x16xf32>
      tpu.vector_store %arg8[%swap3A, %swap3A_129], %swap3A_132 {strides = array<i32>} : memref<112x128xf32, #tpu.memory_space<vmem>>, vector<1x16xf32>,
      %broadcast_in_dim3A_133 = arith.constant 0.000000e+00 : f32
      %broadcast_in_dim3A_134 = vector.broadcast %broadcast_in_dim3A_133 : f32 to vector<16xf32>
      %swap3A_135 = arith.index_cast %scan3A_127 : i32 to index
      %swap3A_136 = arith.constant 16 : index
      %swap3A_137 = tpu.vector_load %arg8[%swap3A_135, %swap3A_136] {strides = array<i32>} : memref<112x128xf32, #tpu.memory_space<vmem>>, vector<1x16xf32>,
      %swap3A_138 = vector.shape_cast %swap3A_137 : vector<1x16xf32> to vector<16xf32>
      %swap3A_139 = vector.shape_cast %broadcast_in_dim3A_134 : vector<16xf32> to vector<1x16xf32>
      tpu.vector_store %arg8[%swap3A_135, %swap3A_136], %swap3A_139 {strides = array<i32>} : memref<112x128xf32, #tpu.memory_space<vmem>>, vector<1x16xf32>,
      %broadcast_in_dim3A_140 = arith.constant 0.000000e+00 : f32
      %broadcast_in_dim3A_141 = vector.broadcast %broadcast_in_dim3A_140 : f32 to vector<16xf32>
      %swap3A_142 = arith.index_cast %scan3A_127 : i32 to index
      %swap3A_143 = arith.constant 32 : index
      %swap3A_144 = tpu.vector_load %arg8[%swap3A_142, %swap3A_143] {strides = array<i32>} : memref<112x128xf32, #tpu.memory_space<vmem>>, vector<1x16xf32>,
      %swap3A_145 = vector.shape_cast %swap3A_144 : vector<1x16xf32> to vector<16xf32>
      %swap3A_146 = vector.shape_cast %broadcast_in_dim3A_141 : vector<16xf32> to vector<1x16xf32>
      tpu.vector_store %arg8[%swap3A_142, %swap3A_143], %swap3A_146 {strides = array<i32>} : memref<112x128xf32, #tpu.memory_space<vmem>>, vector<1x16xf32>,
      %broadcast_in_dim3A_147 = arith.constant 0.000000e+00 : f32
      %broadcast_in_dim3A_148 = vector.broadcast %broadcast_in_dim3A_147 : f32 to vector<16xf32>
      %swap3A_149 = arith.index_cast %scan3A_127 : i32 to index
      %swap3A_150 = arith.constant 48 : index
      %swap3A_151 = tpu.vector_load %arg8[%swap3A_149, %swap3A_150] {strides = array<i32>} : memref<112x128xf32, #tpu.memory_space<vmem>>, vector<1x16xf32>,
      %swap3A_152 = vector.shape_cast %swap3A_151 : vector<1x16xf32> to vector<16xf32>
      %swap3A_153 = vector.shape_cast %broadcast_in_dim3A_148 : vector<16xf32> to vector<1x16xf32>
      tpu.vector_store %arg8[%swap3A_149, %swap3A_150], %swap3A_153 {strides = array<i32>} : memref<112x128xf32, #tpu.memory_space<vmem>>, vector<1x16xf32>,
      %broadcast_in_dim3A_154 = arith.constant 0.000000e+00 : f32
      %broadcast_in_dim3A_155 = vector.broadcast %broadcast_in_dim3A_154 : f32 to vector<16xf32>
      %swap3A_156 = arith.index_cast %scan3A_127 : i32 to index
      %swap3A_157 = arith.constant 64 : index
      %swap3A_158 = tpu.vector_load %arg8[%swap3A_156, %swap3A_157] {strides = array<i32>} : memref<112x128xf32, #tpu.memory_space<vmem>>, vector<1x16xf32>,
      %swap3A_159 = vector.shape_cast %swap3A_158 : vector<1x16xf32> to vector<16xf32>
      %swap3A_160 = vector.shape_cast %broadcast_in_dim3A_155 : vector<16xf32> to vector<1x16xf32>
      tpu.vector_store %arg8[%swap3A_156, %swap3A_157], %swap3A_160 {strides = array<i32>} : memref<112x128xf32, #tpu.memory_space<vmem>>, vector<1x16xf32>,
      %broadcast_in_dim3A_161 = arith.constant 0.000000e+00 : f32
      %broadcast_in_dim3A_162 = vector.broadcast %broadcast_in_dim3A_161 : f32 to vector<16xf32>
      %swap3A_163 = arith.index_cast %scan3A_127 : i32 to index
      %swap3A_164 = arith.constant 80 : index
      %swap3A_165 = tpu.vector_load %arg8[%swap3A_163, %swap3A_164] {strides = array<i32>} : memref<112x128xf32, #tpu.memory_space<vmem>>, vector<1x16xf32>,
      %swap3A_166 = vector.shape_cast %swap3A_165 : vector<1x16xf32> to vector<16xf32>
      %swap3A_167 = vector.shape_cast %broadcast_in_dim3A_162 : vector<16xf32> to vector<1x16xf32>
      tpu.vector_store %arg8[%swap3A_163, %swap3A_164], %swap3A_167 {strides = array<i32>} : memref<112x128xf32, #tpu.memory_space<vmem>>, vector<1x16xf32>,
      %broadcast_in_dim3A_168 = arith.constant 0.000000e+00 : f32
      %broadcast_in_dim3A_169 = vector.broadcast %broadcast_in_dim3A_168 : f32 to vector<16xf32>
      %swap3A_170 = arith.index_cast %scan3A_127 : i32 to index
      %swap3A_171 = arith.constant 96 : index
      %swap3A_172 = tpu.vector_load %arg8[%swap3A_170, %swap3A_171] {strides = array<i32>} : memref<112x128xf32, #tpu.memory_space<vmem>>, vector<1x16xf32>,
      %swap3A_173 = vector.shape_cast %swap3A_172 : vector<1x16xf32> to vector<16xf32>
      %swap3A_174 = vector.shape_cast %broadcast_in_dim3A_169 : vector<16xf32> to vector<1x16xf32>
      tpu.vector_store %arg8[%swap3A_170, %swap3A_171], %swap3A_174 {strides = array<i32>} : memref<112x128xf32, #tpu.memory_space<vmem>>, vector<1x16xf32>,
      %broadcast_in_dim3A_175 = arith.constant 0.000000e+00 : f32
      %broadcast_in_dim3A_176 = vector.broadcast %broadcast_in_dim3A_175 : f32 to vector<16xf32>
      %swap3A_177 = arith.index_cast %scan3A_127 : i32 to index
      %swap3A_178 = arith.constant 112 : index
      %swap3A_179 = tpu.vector_load %arg8[%swap3A_177, %swap3A_178] {strides = array<i32>} : memref<112x128xf32, #tpu.memory_space<vmem>>, vector<1x16xf32>,
      %swap3A_180 = vector.shape_cast %swap3A_179 : vector<1x16xf32> to vector<16xf32>
      %swap3A_181 = vector.shape_cast %broadcast_in_dim3A_176 : vector<16xf32> to vector<1x16xf32>
      tpu.vector_store %arg8[%swap3A_177, %swap3A_178], %swap3A_181 {strides = array<i32>} : memref<112x128xf32, #tpu.memory_space<vmem>>, vector<1x16xf32>,
    }
    %scan3A_5 = arith.constant 112 : i32
    %scan3A_6 = arith.constant 0 : i32
    %scan3A_7 = arith.constant 0 : i32
    %scan3A_8 = arith.constant 5 : i32
    %scan3A_9 = arith.addi %scan3A_7, %scan3A_8 : i32
    %scan3A_10 = arith.constant 1 : i32
    scf.for %scan3A_127 = %scan3A_7 to %scan3A_9 step %scan3A_10  : i32 {
      %mul3A_128 = arith.constant 632 : i32
      %mul3A_129 = arith.muli %arg1, %mul3A_128 : i32
      %mul3A_130 = arith.constant 112 : i32
      %mul3A_131 = arith.muli %scan3A_127, %mul3A_130 : i32
      %add3A_132 = arith.addi %mul3A_129, %mul3A_131 : i32
      "tpu.region"() ({
        %run_scoped3A = tpu.sem_alloc : memref<!tpu.dma_semaphore, #tpu.memory_space<semaphore_mem>>
        %dma_start3A_133 = arith.constant 0 : i32
        %dma_start3A_134 = tpu.memref_slice %arg11[%add3A_132, %dma_start3A_133] : memref<10112x128xf32, #tpu.memory_space<vmem_shared>> -> memref<112x128xf32, #tpu.memory_space<vmem_shared>>
        %dma_start3A_135 = arith.constant 0 : i32
        %dma_start3A_136 = tpu.memref_slice %arg11[%add3A_132, %dma_start3A_135] : memref<10112x128xf32, #tpu.memory_space<vmem_shared>> -> memref<112x128xf32, #tpu.memory_space<vmem_shared>>
        tpu.enqueue_dma source(%arg8 : memref<112x128xf32, #tpu.memory_space<vmem>>) target(%dma_start3A_136 : memref<112x128xf32, #tpu.memory_space<vmem_shared>>) target_semaphore(%run_scoped3A : memref<!tpu.dma_semaphore, #tpu.memory_space<semaphore_mem>>)
        %dma_wait3A_137 = arith.constant 0 : i32
        %dma_wait3A_138 = tpu.memref_slice %arg11[%add3A_132, %dma_wait3A_137] : memref<10112x128xf32, #tpu.memory_space<vmem_shared>> -> memref<112x128xf32, #tpu.memory_space<vmem_shared>>
        %dma_wait3A_139 = arith.constant 0 : i32
        %dma_wait3A_140 = tpu.memref_slice %arg11[%add3A_132, %dma_wait3A_139] : memref<10112x128xf32, #tpu.memory_space<vmem_shared>> -> memref<112x128xf32, #tpu.memory_space<vmem_shared>>
        tpu.wait_dma2 semaphore(%run_scoped3A : memref<!tpu.dma_semaphore, #tpu.memory_space<semaphore_mem>>) src(%arg8 : memref<112x128xf32, #tpu.memory_space<vmem>>) dst(%dma_wait3A_140 : memref<112x128xf32, #tpu.memory_space<vmem_shared>>)
        tpu.yield
      }) : () -> ()
    }
    %scan3A_11 = arith.constant 5 : i32
    %mul3A_12 = arith.constant 632 : i32
    %mul3A_13 = arith.muli %arg1, %mul3A_12 : i32
    %add3A_14 = arith.constant 560 : i32
    %add3A_15 = arith.addi %mul3A_13, %add3A_14 : i32
    "tpu.region"() ({
      %run_scoped3A = tpu.sem_alloc : memref<!tpu.dma_semaphore, #tpu.memory_space<semaphore_mem>>
      %dma_start3A_127 = arith.constant 0 : i32
      %dma_start3A_128 = arith.constant 0 : i32
      %dma_start3A_129 = tpu.memref_slice %arg8[%dma_start3A_127, %dma_start3A_128] : memref<112x128xf32, #tpu.memory_space<vmem>> -> memref<72x128xf32, #tpu.memory_space<vmem>>
      %dma_start3A_130 = arith.constant 0 : i32
      %dma_start3A_131 = tpu.memref_slice %arg11[%add3A_15, %dma_start3A_130] : memref<10112x128xf32, #tpu.memory_space<vmem_shared>> -> memref<72x128xf32, #tpu.memory_space<vmem_shared>>
      %dma_start3A_132 = arith.constant 0 : i32
      %dma_start3A_133 = tpu.memref_slice %arg11[%add3A_15, %dma_start3A_132] : memref<10112x128xf32, #tpu.memory_space<vmem_shared>> -> memref<72x128xf32, #tpu.memory_space<vmem_shared>>
      %dma_start3A_134 = arith.constant 0 : i32
      %dma_start3A_135 = arith.constant 0 : i32
      %dma_start3A_136 = tpu.memref_slice %arg8[%dma_start3A_134, %dma_start3A_135] : memref<112x128xf32, #tpu.memory_space<vmem>> -> memref<72x128xf32, #tpu.memory_space<vmem>>
      tpu.enqueue_dma source(%dma_start3A_136 : memref<72x128xf32, #tpu.memory_space<vmem>>) target(%dma_start3A_133 : memref<72x128xf32, #tpu.memory_space<vmem_shared>>) target_semaphore(%run_scoped3A : memref<!tpu.dma_semaphore, #tpu.memory_space<semaphore_mem>>)
      %dma_wait3A_137 = arith.constant 0 : i32
      %dma_wait3A_138 = arith.constant 0 : i32
      %dma_wait3A_139 = tpu.memref_slice %arg8[%dma_wait3A_137, %dma_wait3A_138] : memref<112x128xf32, #tpu.memory_space<vmem>> -> memref<72x128xf32, #tpu.memory_space<vmem>>
      %dma_wait3A_140 = arith.constant 0 : i32
      %dma_wait3A_141 = tpu.memref_slice %arg11[%add3A_15, %dma_wait3A_140] : memref<10112x128xf32, #tpu.memory_space<vmem_shared>> -> memref<72x128xf32, #tpu.memory_space<vmem_shared>>
      %dma_wait3A_142 = arith.constant 0 : i32
      %dma_wait3A_143 = tpu.memref_slice %arg11[%add3A_15, %dma_wait3A_142] : memref<10112x128xf32, #tpu.memory_space<vmem_shared>> -> memref<72x128xf32, #tpu.memory_space<vmem_shared>>
      %dma_wait3A_144 = arith.constant 0 : i32
      %dma_wait3A_145 = arith.constant 0 : i32
      %dma_wait3A_146 = tpu.memref_slice %arg8[%dma_wait3A_144, %dma_wait3A_145] : memref<112x128xf32, #tpu.memory_space<vmem>> -> memref<72x128xf32, #tpu.memory_space<vmem>>
      tpu.wait_dma2 semaphore(%run_scoped3A : memref<!tpu.dma_semaphore, #tpu.memory_space<semaphore_mem>>) src(%dma_wait3A_146 : memref<72x128xf32, #tpu.memory_space<vmem>>) dst(%dma_wait3A_143 : memref<72x128xf32, #tpu.memory_space<vmem_shared>>)
      tpu.yield
    }) : () -> ()
    %barrier3A = arith.constant 0 : index
    tpu.barrier barrier_id(%barrier3A)
    "tpu.region"() ({
      %run_scoped3A = tpu.sem_alloc : memref<!tpu.dma_semaphore, #tpu.memory_space<semaphore_mem>>
      %dma_start3A_127 = arith.constant 0 : i32
      %dma_start3A_128 = arith.constant 0 : i32
      %dma_start3A_129 = tpu.memref_slice %arg6[%dma_start3A_127, %dma_start3A_128] : memref<24x112xi32, #tpu.memory_space<vmem>> -> memref<24x112xi32, #tpu.memory_space<vmem>>
      %dma_start3A_130 = arith.constant 0 : i32
      %dma_start3A_131 = arith.constant 0 : i32
      %dma_start3A_132 = tpu.memref_slice %arg3[%add3A, %dma_start3A_130, %dma_start3A_131] : memref<32x90x112xi32, #tpu.memory_space<hbm>> -> memref<1x24x112xi32, #tpu.memory_space<hbm>>
      %dma_start3A_133 = tpu.memref_squeeze %dma_start3A_132 : memref<1x24x112xi32, #tpu.memory_space<hbm>> -> memref<24x112xi32, #tpu.memory_space<hbm>>
      %dma_start3A_134 = arith.constant 0 : i32
      %dma_start3A_135 = arith.constant 0 : i32
      %dma_start3A_136 = tpu.memref_slice %arg6[%dma_start3A_134, %dma_start3A_135] : memref<24x112xi32, #tpu.memory_space<vmem>> -> memref<24x112xi32, #tpu.memory_space<vmem>>
      %dma_start3A_137 = arith.constant 0 : i32
      %dma_start3A_138 = arith.constant 0 : i32
      %dma_start3A_139 = tpu.memref_slice %arg3[%add3A, %dma_start3A_137, %dma_start3A_138] : memref<32x90x112xi32, #tpu.memory_space<hbm>> -> memref<1x24x112xi32, #tpu.memory_space<hbm>>
      %dma_start3A_140 = tpu.memref_squeeze %dma_start3A_139 : memref<1x24x112xi32, #tpu.memory_space<hbm>> -> memref<24x112xi32, #tpu.memory_space<hbm>>
      tpu.enqueue_dma source(%dma_start3A_140 : memref<24x112xi32, #tpu.memory_space<hbm>>) target(%dma_start3A_136 : memref<24x112xi32, #tpu.memory_space<vmem>>) target_semaphore(%run_scoped3A : memref<!tpu.dma_semaphore, #tpu.memory_space<semaphore_mem>>)
      %dma_wait3A_141 = arith.constant 0 : i32
      %dma_wait3A_142 = arith.constant 0 : i32
      %dma_wait3A_143 = tpu.memref_slice %arg6[%dma_wait3A_141, %dma_wait3A_142] : memref<24x112xi32, #tpu.memory_space<vmem>> -> memref<24x112xi32, #tpu.memory_space<vmem>>
      %dma_wait3A_144 = arith.constant 0 : i32
      %dma_wait3A_145 = arith.constant 0 : i32
      %dma_wait3A_146 = tpu.memref_slice %arg3[%add3A, %dma_wait3A_144, %dma_wait3A_145] : memref<32x90x112xi32, #tpu.memory_space<hbm>> -> memref<1x24x112xi32, #tpu.memory_space<hbm>>
      %dma_wait3A_147 = tpu.memref_squeeze %dma_wait3A_146 : memref<1x24x112xi32, #tpu.memory_space<hbm>> -> memref<24x112xi32, #tpu.memory_space<hbm>>
      %dma_wait3A_148 = arith.constant 0 : i32
      %dma_wait3A_149 = arith.constant 0 : i32
      %dma_wait3A_150 = tpu.memref_slice %arg6[%dma_wait3A_148, %dma_wait3A_149] : memref<24x112xi32, #tpu.memory_space<vmem>> -> memref<24x112xi32, #tpu.memory_space<vmem>>
      %dma_wait3A_151 = arith.constant 0 : i32
      %dma_wait3A_152 = arith.constant 0 : i32
      %dma_wait3A_153 = tpu.memref_slice %arg3[%add3A, %dma_wait3A_151, %dma_wait3A_152] : memref<32x90x112xi32, #tpu.memory_space<hbm>> -> memref<1x24x112xi32, #tpu.memory_space<hbm>>
      %dma_wait3A_154 = tpu.memref_squeeze %dma_wait3A_153 : memref<1x24x112xi32, #tpu.memory_space<hbm>> -> memref<24x112xi32, #tpu.memory_space<hbm>>
      tpu.wait_dma2 semaphore(%run_scoped3A : memref<!tpu.dma_semaphore, #tpu.memory_space<semaphore_mem>>) src(%dma_wait3A_154 : memref<24x112xi32, #tpu.memory_space<hbm>>) dst(%dma_wait3A_150 : memref<24x112xi32, #tpu.memory_space<vmem>>)
      tpu.yield
    }) : () -> ()
    "tpu.region"() ({
      %run_scoped3A = tpu.sem_alloc : memref<!tpu.dma_semaphore, #tpu.memory_space<semaphore_mem>>
      %dma_start3A_127 = arith.constant 0 : i32
      %dma_start3A_128 = arith.constant 0 : i32
      %dma_start3A_129 = tpu.memref_slice %arg7[%dma_start3A_127, %dma_start3A_128] : memref<24x112xi32, #tpu.memory_space<vmem>> -> memref<24x112xi32, #tpu.memory_space<vmem>>
      %dma_start3A_130 = arith.constant 0 : i32
      %dma_start3A_131 = arith.constant 0 : i32
      %dma_start3A_132 = tpu.memref_slice %arg4[%add3A, %dma_start3A_130, %dma_start3A_131] : memref<32x90x112xi32, #tpu.memory_space<hbm>> -> memref<1x24x112xi32, #tpu.memory_space<hbm>>
      %dma_start3A_133 = tpu.memref_squeeze %dma_start3A_132 : memref<1x24x112xi32, #tpu.memory_space<hbm>> -> memref<24x112xi32, #tpu.memory_space<hbm>>
      %dma_start3A_134 = arith.constant 0 : i32
      %dma_start3A_135 = arith.constant 0 : i32
      %dma_start3A_136 = tpu.memref_slice %arg7[%dma_start3A_134, %dma_start3A_135] : memref<24x112xi32, #tpu.memory_space<vmem>> -> memref<24x112xi32, #tpu.memory_space<vmem>>
      %dma_start3A_137 = arith.constant 0 : i32
      %dma_start3A_138 = arith.constant 0 : i32
      %dma_start3A_139 = tpu.memref_slice %arg4[%add3A, %dma_start3A_137, %dma_start3A_138] : memref<32x90x112xi32, #tpu.memory_space<hbm>> -> memref<1x24x112xi32, #tpu.memory_space<hbm>>
      %dma_start3A_140 = tpu.memref_squeeze %dma_start3A_139 : memref<1x24x112xi32, #tpu.memory_space<hbm>> -> memref<24x112xi32, #tpu.memory_space<hbm>>
      tpu.enqueue_dma source(%dma_start3A_140 : memref<24x112xi32, #tpu.memory_space<hbm>>) target(%dma_start3A_136 : memref<24x112xi32, #tpu.memory_space<vmem>>) target_semaphore(%run_scoped3A : memref<!tpu.dma_semaphore, #tpu.memory_space<semaphore_mem>>)
      %dma_wait3A_141 = arith.constant 0 : i32
      %dma_wait3A_142 = arith.constant 0 : i32
      %dma_wait3A_143 = tpu.memref_slice %arg7[%dma_wait3A_141, %dma_wait3A_142] : memref<24x112xi32, #tpu.memory_space<vmem>> -> memref<24x112xi32, #tpu.memory_space<vmem>>
      %dma_wait3A_144 = arith.constant 0 : i32
      %dma_wait3A_145 = arith.constant 0 : i32
      %dma_wait3A_146 = tpu.memref_slice %arg4[%add3A, %dma_wait3A_144, %dma_wait3A_145] : memref<32x90x112xi32, #tpu.memory_space<hbm>> -> memref<1x24x112xi32, #tpu.memory_space<hbm>>
      %dma_wait3A_147 = tpu.memref_squeeze %dma_wait3A_146 : memref<1x24x112xi32, #tpu.memory_space<hbm>> -> memref<24x112xi32, #tpu.memory_space<hbm>>
      %dma_wait3A_148 = arith.constant 0 : i32
      %dma_wait3A_149 = arith.constant 0 : i32
      %dma_wait3A_150 = tpu.memref_slice %arg7[%dma_wait3A_148, %dma_wait3A_149] : memref<24x112xi32, #tpu.memory_space<vmem>> -> memref<24x112xi32, #tpu.memory_space<vmem>>
      %dma_wait3A_151 = arith.constant 0 : i32
      %dma_wait3A_152 = arith.constant 0 : i32
      %dma_wait3A_153 = tpu.memref_slice %arg4[%add3A, %dma_wait3A_151, %dma_wait3A_152] : memref<32x90x112xi32, #tpu.memory_space<hbm>> -> memref<1x24x112xi32, #tpu.memory_space<hbm>>
      %dma_wait3A_154 = tpu.memref_squeeze %dma_wait3A_153 : memref<1x24x112xi32, #tpu.memory_space<hbm>> -> memref<24x112xi32, #tpu.memory_space<hbm>>
      tpu.wait_dma2 semaphore(%run_scoped3A : memref<!tpu.dma_semaphore, #tpu.memory_space<semaphore_mem>>) src(%dma_wait3A_154 : memref<24x112xi32, #tpu.memory_space<hbm>>) dst(%dma_wait3A_150 : memref<24x112xi32, #tpu.memory_space<vmem>>)
      tpu.yield
    }) : () -> ()
    %dma_start3A = arith.constant 0 : i32
    %dma_start3A_16 = arith.constant 0 : i32
    %dma_start3A_17 = tpu.memref_slice %arg6[%dma_start3A, %dma_start3A_16] : memref<24x112xi32, #tpu.memory_space<vmem>> -> memref<1x112xi32, #tpu.memory_space<vmem>>
    %dma_start3A_18 = tpu.memref_squeeze %dma_start3A_17 : memref<1x112xi32, #tpu.memory_space<vmem>> -> memref<112xi32, #tpu.memory_space<vmem>>
    %dma_start3A_19 = arith.constant 0 : i32
    %dma_start3A_20 = arith.constant 0 : i32
    %dma_start3A_21 = tpu.memref_slice %arg2[%dma_start3A_19, %dma_start3A_20] : memref<10000x128xf32, #tpu.memory_space<hbm>> -> memref<10000x128xf32, #tpu.memory_space<hbm>>
    tpu.enqueue_indirect_dma source(%dma_start3A_21 : memref<10000x128xf32, #tpu.memory_space<hbm>>) target(%arg8 : memref<112x128xf32, #tpu.memory_space<vmem>>) offsets(%dma_start3A_18 : memref<112xi32, #tpu.memory_space<vmem>>) semaphore(%arg12 : memref<!tpu.dma_semaphore, #tpu.memory_space<semaphore_mem>>)
    %dma_start3A_22 = arith.constant 1 : i32
    %dma_start3A_23 = arith.constant 0 : i32
    %dma_start3A_24 = tpu.memref_slice %arg6[%dma_start3A_22, %dma_start3A_23] : memref<24x112xi32, #tpu.memory_space<vmem>> -> memref<1x112xi32, #tpu.memory_space<vmem>>
    %dma_start3A_25 = tpu.memref_squeeze %dma_start3A_24 : memref<1x112xi32, #tpu.memory_space<vmem>> -> memref<112xi32, #tpu.memory_space<vmem>>
    %dma_start3A_26 = arith.constant 0 : i32
    %dma_start3A_27 = arith.constant 0 : i32
    %dma_start3A_28 = tpu.memref_slice %arg2[%dma_start3A_26, %dma_start3A_27] : memref<10000x128xf32, #tpu.memory_space<hbm>> -> memref<10000x128xf32, #tpu.memory_space<hbm>>
    tpu.enqueue_indirect_dma source(%dma_start3A_28 : memref<10000x128xf32, #tpu.memory_space<hbm>>) target(%arg9 : memref<112x128xf32, #tpu.memory_space<vmem>>) offsets(%dma_start3A_25 : memref<112xi32, #tpu.memory_space<vmem>>) semaphore(%arg13 : memref<!tpu.dma_semaphore, #tpu.memory_space<semaphore_mem>>)
    %scan3A_29 = arith.constant 0 : i32
    %scan3A_30 = arith.constant 0 : i32
    %scan3A_31 = arith.constant 8 : i32
    %scan3A_32 = arith.addi %scan3A_30, %scan3A_31 : i32
    %scan3A_33 = arith.constant 1 : i32
    scf.for %scan3A_127 = %scan3A_30 to %scan3A_32 step %scan3A_33  : i32 {
      %mul3A_128 = arith.constant 3 : i32
      %mul3A_129 = arith.muli %mul3A_128, %scan3A_127 : i32
      %add3A_130 = arith.constant 0 : i32
      %add3A_131 = arith.addi %mul3A_129, %add3A_130 : i32
      %gt3A = arith.constant 0 : i32
      %gt3A_132 = arith.cmpi sgt, %scan3A_127, %gt3A : i32
      %convert_element_type3A = arith.extui %gt3A_132 : i1 to i32
      %cond3A = arith.constant 0 : i32
      %cond3A_133 = arith.cmpi ne, %convert_element_type3A, %cond3A : i32
      scf.if %cond3A_133 {
        %sub3A_213 = arith.constant 1 : i32
        %sub3A_214 = arith.subi %add3A_131, %sub3A_213 : i32
        %dma_wait3A_215 = arith.constant 0 : i32
        %dma_wait3A_216 = tpu.memref_slice %arg7[%sub3A_214, %dma_wait3A_215] : memref<24x112xi32, #tpu.memory_space<vmem>> -> memref<1x112xi32, #tpu.memory_space<vmem>>
        %dma_wait3A_217 = tpu.memref_squeeze %dma_wait3A_216 : memref<1x112xi32, #tpu.memory_space<vmem>> -> memref<112xi32, #tpu.memory_space<vmem>>
        %dma_wait3A_218 = arith.constant 0 : i32
        %dma_wait3A_219 = arith.constant 0 : i32
        %dma_wait3A_220 = tpu.memref_slice %arg11[%dma_wait3A_218, %dma_wait3A_219] : memref<10112x128xf32, #tpu.memory_space<vmem_shared>> -> memref<10112x128xf32, #tpu.memory_space<vmem_shared>>
        tpu.wait_indirect_dma semaphore(%arg17 : memref<!tpu.dma_semaphore, #tpu.memory_space<semaphore_mem>>) src(%arg10 : memref<112x128xf32, #tpu.memory_space<vmem>>) dst(%dma_wait3A_220 : memref<10112x128xf32, #tpu.memory_space<vmem_shared>>)
      } else {
      }
      %add3A_134 = arith.constant 2 : i32
      %add3A_135 = arith.addi %add3A_131, %add3A_134 : i32
      %lt3A = arith.constant 24 : i32
      %lt3A_136 = arith.cmpi slt, %add3A_135, %lt3A : i32
      %convert_element_type3A_137 = arith.extui %lt3A_136 : i1 to i32
      %cond3A_138 = arith.constant 0 : i32
      %cond3A_139 = arith.cmpi ne, %convert_element_type3A_137, %cond3A_138 : i32
      scf.if %cond3A_139 {
        %add3A_213 = arith.constant 2 : i32
        %add3A_214 = arith.addi %add3A_131, %add3A_213 : i32
        %dma_start3A_215 = arith.constant 0 : i32
        %dma_start3A_216 = tpu.memref_slice %arg6[%add3A_214, %dma_start3A_215] : memref<24x112xi32, #tpu.memory_space<vmem>> -> memref<1x112xi32, #tpu.memory_space<vmem>>
        %dma_start3A_217 = tpu.memref_squeeze %dma_start3A_216 : memref<1x112xi32, #tpu.memory_space<vmem>> -> memref<112xi32, #tpu.memory_space<vmem>>
        %dma_start3A_218 = arith.constant 0 : i32
        %dma_start3A_219 = arith.constant 0 : i32
        %dma_start3A_220 = tpu.memref_slice %arg2[%dma_start3A_218, %dma_start3A_219] : memref<10000x128xf32, #tpu.memory_space<hbm>> -> memref<10000x128xf32, #tpu.memory_space<hbm>>
        tpu.enqueue_indirect_dma source(%dma_start3A_220 : memref<10000x128xf32, #tpu.memory_space<hbm>>) target(%arg10 : memref<112x128xf32, #tpu.memory_space<vmem>>) offsets(%dma_start3A_217 : memref<112xi32, #tpu.memory_space<vmem>>) semaphore(%arg14 : memref<!tpu.dma_semaphore, #tpu.memory_space<semaphore_mem>>)
      } else {
      }
      %dma_wait3A_140 = arith.constant 0 : i32
      %dma_wait3A_141 = tpu.memref_slice %arg6[%add3A_131, %dma_wait3A_140] : memref<24x112xi32, #tpu.memory_space<vmem>> -> memref<1x112xi32, #tpu.memory_space<vmem>>
      %dma_wait3A_142 = tpu.memref_squeeze %dma_wait3A_141 : memref<1x112xi32, #tpu.memory_space<vmem>> -> memref<112xi32, #tpu.memory_space<vmem>>
      %dma_wait3A_143 = arith.constant 0 : i32
      %dma_wait3A_144 = arith.constant 0 : i32
      %dma_wait3A_145 = tpu.memref_slice %arg2[%dma_wait3A_143, %dma_wait3A_144] : memref<10000x128xf32, #tpu.memory_space<hbm>> -> memref<10000x128xf32, #tpu.memory_space<hbm>>
      tpu.wait_indirect_dma semaphore(%arg12 : memref<!tpu.dma_semaphore, #tpu.memory_space<semaphore_mem>>) src(%dma_wait3A_145 : memref<10000x128xf32, #tpu.memory_space<hbm>>) dst(%arg8 : memref<112x128xf32, #tpu.memory_space<vmem>>)
      %dma_start3A_146 = arith.constant 0 : i32
      %dma_start3A_147 = tpu.memref_slice %arg7[%add3A_131, %dma_start3A_146] : memref<24x112xi32, #tpu.memory_space<vmem>> -> memref<1x112xi32, #tpu.memory_space<vmem>>
      %dma_start3A_148 = tpu.memref_squeeze %dma_start3A_147 : memref<1x112xi32, #tpu.memory_space<vmem>> -> memref<112xi32, #tpu.memory_space<vmem>>
      %dma_start3A_149 = arith.constant 0 : i32
      %dma_start3A_150 = arith.constant 0 : i32
      %dma_start3A_151 = tpu.memref_slice %arg11[%dma_start3A_149, %dma_start3A_150] : memref<10112x128xf32, #tpu.memory_space<vmem_shared>> -> memref<10112x128xf32, #tpu.memory_space<vmem_shared>>
      tpu.enqueue_indirect_dma source(%arg8 : memref<112x128xf32, #tpu.memory_space<vmem>>) target(%dma_start3A_151 : memref<10112x128xf32, #tpu.memory_space<vmem_shared>>) offsets(%dma_start3A_148 : memref<112xi32, #tpu.memory_space<vmem>>) semaphore(%arg15 : memref<!tpu.dma_semaphore, #tpu.memory_space<semaphore_mem>>) {add = true}
      %mul3A_152 = arith.constant 3 : i32
      %mul3A_153 = arith.muli %mul3A_152, %scan3A_127 : i32
      %add3A_154 = arith.constant 1 : i32
      %add3A_155 = arith.addi %mul3A_153, %add3A_154 : i32
      %sub3A = arith.constant 1 : i32
      %sub3A_156 = arith.subi %add3A_155, %sub3A : i32
      %dma_wait3A_157 = arith.constant 0 : i32
      %dma_wait3A_158 = tpu.memref_slice %arg7[%sub3A_156, %dma_wait3A_157] : memref<24x112xi32, #tpu.memory_space<vmem>> -> memref<1x112xi32, #tpu.memory_space<vmem>>
      %dma_wait3A_159 = tpu.memref_squeeze %dma_wait3A_158 : memref<1x112xi32, #tpu.memory_space<vmem>> -> memref<112xi32, #tpu.memory_space<vmem>>
      %dma_wait3A_160 = arith.constant 0 : i32
      %dma_wait3A_161 = arith.constant 0 : i32
      %dma_wait3A_162 = tpu.memref_slice %arg11[%dma_wait3A_160, %dma_wait3A_161] : memref<10112x128xf32, #tpu.memory_space<vmem_shared>> -> memref<10112x128xf32, #tpu.memory_space<vmem_shared>>
      tpu.wait_indirect_dma semaphore(%arg15 : memref<!tpu.dma_semaphore, #tpu.memory_space<semaphore_mem>>) src(%arg8 : memref<112x128xf32, #tpu.memory_space<vmem>>) dst(%dma_wait3A_162 : memref<10112x128xf32, #tpu.memory_space<vmem_shared>>)
      %add3A_163 = arith.constant 2 : i32
      %add3A_164 = arith.addi %add3A_155, %add3A_163 : i32
      %lt3A_165 = arith.constant 24 : i32
      %lt3A_166 = arith.cmpi slt, %add3A_164, %lt3A_165 : i32
      %convert_element_type3A_167 = arith.extui %lt3A_166 : i1 to i32
      %cond3A_168 = arith.constant 0 : i32
      %cond3A_169 = arith.cmpi ne, %convert_element_type3A_167, %cond3A_168 : i32
      scf.if %cond3A_169 {
        %add3A_213 = arith.constant 2 : i32
        %add3A_214 = arith.addi %add3A_155, %add3A_213 : i32
        %dma_start3A_215 = arith.constant 0 : i32
        %dma_start3A_216 = tpu.memref_slice %arg6[%add3A_214, %dma_start3A_215] : memref<24x112xi32, #tpu.memory_space<vmem>> -> memref<1x112xi32, #tpu.memory_space<vmem>>
        %dma_start3A_217 = tpu.memref_squeeze %dma_start3A_216 : memref<1x112xi32, #tpu.memory_space<vmem>> -> memref<112xi32, #tpu.memory_space<vmem>>
        %dma_start3A_218 = arith.constant 0 : i32
        %dma_start3A_219 = arith.constant 0 : i32
        %dma_start3A_220 = tpu.memref_slice %arg2[%dma_start3A_218, %dma_start3A_219] : memref<10000x128xf32, #tpu.memory_space<hbm>> -> memref<10000x128xf32, #tpu.memory_space<hbm>>
        tpu.enqueue_indirect_dma source(%dma_start3A_220 : memref<10000x128xf32, #tpu.memory_space<hbm>>) target(%arg8 : memref<112x128xf32, #tpu.memory_space<vmem>>) offsets(%dma_start3A_217 : memref<112xi32, #tpu.memory_space<vmem>>) semaphore(%arg12 : memref<!tpu.dma_semaphore, #tpu.memory_space<semaphore_mem>>)
      } else {
      }
      %dma_wait3A_170 = arith.constant 0 : i32
      %dma_wait3A_171 = tpu.memref_slice %arg6[%add3A_155, %dma_wait3A_170] : memref<24x112xi32, #tpu.memory_space<vmem>> -> memref<1x112xi32, #tpu.memory_space<vmem>>
      %dma_wait3A_172 = tpu.memref_squeeze %dma_wait3A_171 : memref<1x112xi32, #tpu.memory_space<vmem>> -> memref<112xi32, #tpu.memory_space<vmem>>
      %dma_wait3A_173 = arith.constant 0 : i32
      %dma_wait3A_174 = arith.constant 0 : i32
      %dma_wait3A_175 = tpu.memref_slice %arg2[%dma_wait3A_173, %dma_wait3A_174] : memref<10000x128xf32, #tpu.memory_space<hbm>> -> memref<10000x128xf32, #tpu.memory_space<hbm>>
      tpu.wait_indirect_dma semaphore(%arg13 : memref<!tpu.dma_semaphore, #tpu.memory_space<semaphore_mem>>) src(%dma_wait3A_175 : memref<10000x128xf32, #tpu.memory_space<hbm>>) dst(%arg9 : memref<112x128xf32, #tpu.memory_space<vmem>>)
      %dma_start3A_176 = arith.constant 0 : i32
      %dma_start3A_177 = tpu.memref_slice %arg7[%add3A_155, %dma_start3A_176] : memref<24x112xi32, #tpu.memory_space<vmem>> -> memref<1x112xi32, #tpu.memory_space<vmem>>
      %dma_start3A_178 = tpu.memref_squeeze %dma_start3A_177 : memref<1x112xi32, #tpu.memory_space<vmem>> -> memref<112xi32, #tpu.memory_space<vmem>>
      %dma_start3A_179 = arith.constant 0 : i32
      %dma_start3A_180 = arith.constant 0 : i32
      %dma_start3A_181 = tpu.memref_slice %arg11[%dma_start3A_179, %dma_start3A_180] : memref<10112x128xf32, #tpu.memory_space<vmem_shared>> -> memref<10112x128xf32, #tpu.memory_space<vmem_shared>>
      tpu.enqueue_indirect_dma source(%arg9 : memref<112x128xf32, #tpu.memory_space<vmem>>) target(%dma_start3A_181 : memref<10112x128xf32, #tpu.memory_space<vmem_shared>>) offsets(%dma_start3A_178 : memref<112xi32, #tpu.memory_space<vmem>>) semaphore(%arg16 : memref<!tpu.dma_semaphore, #tpu.memory_space<semaphore_mem>>) {add = true}
      %mul3A_182 = arith.constant 3 : i32
      %mul3A_183 = arith.muli %mul3A_182, %scan3A_127 : i32
      %add3A_184 = arith.constant 2 : i32
      %add3A_185 = arith.addi %mul3A_183, %add3A_184 : i32
      %sub3A_186 = arith.constant 1 : i32
      %sub3A_187 = arith.subi %add3A_185, %sub3A_186 : i32
      %dma_wait3A_188 = arith.constant 0 : i32
      %dma_wait3A_189 = tpu.memref_slice %arg7[%sub3A_187, %dma_wait3A_188] : memref<24x112xi32, #tpu.memory_space<vmem>> -> memref<1x112xi32, #tpu.memory_space<vmem>>
      %dma_wait3A_190 = tpu.memref_squeeze %dma_wait3A_189 : memref<1x112xi32, #tpu.memory_space<vmem>> -> memref<112xi32, #tpu.memory_space<vmem>>
      %dma_wait3A_191 = arith.constant 0 : i32
      %dma_wait3A_192 = arith.constant 0 : i32
      %dma_wait3A_193 = tpu.memref_slice %arg11[%dma_wait3A_191, %dma_wait3A_192] : memref<10112x128xf32, #tpu.memory_space<vmem_shared>> -> memref<10112x128xf32, #tpu.memory_space<vmem_shared>>
      tpu.wait_indirect_dma semaphore(%arg16 : memref<!tpu.dma_semaphore, #tpu.memory_space<semaphore_mem>>) src(%arg9 : memref<112x128xf32, #tpu.memory_space<vmem>>) dst(%dma_wait3A_193 : memref<10112x128xf32, #tpu.memory_space<vmem_shared>>)
      %add3A_194 = arith.constant 2 : i32
      %add3A_195 = arith.addi %add3A_185, %add3A_194 : i32
      %lt3A_196 = arith.constant 24 : i32
      %lt3A_197 = arith.cmpi slt, %add3A_195, %lt3A_196 : i32
      %convert_element_type3A_198 = arith.extui %lt3A_197 : i1 to i32
      %cond3A_199 = arith.constant 0 : i32
      %cond3A_200 = arith.cmpi ne, %convert_element_type3A_198, %cond3A_199 : i32
      scf.if %cond3A_200 {
        %add3A_213 = arith.constant 2 : i32
        %add3A_214 = arith.addi %add3A_185, %add3A_213 : i32
        %dma_start3A_215 = arith.constant 0 : i32
        %dma_start3A_216 = tpu.memref_slice %arg6[%add3A_214, %dma_start3A_215] : memref<24x112xi32, #tpu.memory_space<vmem>> -> memref<1x112xi32, #tpu.memory_space<vmem>>
        %dma_start3A_217 = tpu.memref_squeeze %dma_start3A_216 : memref<1x112xi32, #tpu.memory_space<vmem>> -> memref<112xi32, #tpu.memory_space<vmem>>
        %dma_start3A_218 = arith.constant 0 : i32
        %dma_start3A_219 = arith.constant 0 : i32
        %dma_start3A_220 = tpu.memref_slice %arg2[%dma_start3A_218, %dma_start3A_219] : memref<10000x128xf32, #tpu.memory_space<hbm>> -> memref<10000x128xf32, #tpu.memory_space<hbm>>
        tpu.enqueue_indirect_dma source(%dma_start3A_220 : memref<10000x128xf32, #tpu.memory_space<hbm>>) target(%arg9 : memref<112x128xf32, #tpu.memory_space<vmem>>) offsets(%dma_start3A_217 : memref<112xi32, #tpu.memory_space<vmem>>) semaphore(%arg13 : memref<!tpu.dma_semaphore, #tpu.memory_space<semaphore_mem>>)
      } else {
      }
      %dma_wait3A_201 = arith.constant 0 : i32
      %dma_wait3A_202 = tpu.memref_slice %arg6[%add3A_185, %dma_wait3A_201] : memref<24x112xi32, #tpu.memory_space<vmem>> -> memref<1x112xi32, #tpu.memory_space<vmem>>
      %dma_wait3A_203 = tpu.memref_squeeze %dma_wait3A_202 : memref<1x112xi32, #tpu.memory_space<vmem>> -> memref<112xi32, #tpu.memory_space<vmem>>
      %dma_wait3A_204 = arith.constant 0 : i32
      %dma_wait3A_205 = arith.constant 0 : i32
      %dma_wait3A_206 = tpu.memref_slice %arg2[%dma_wait3A_204, %dma_wait3A_205] : memref<10000x128xf32, #tpu.memory_space<hbm>> -> memref<10000x128xf32, #tpu.memory_space<hbm>>
      tpu.wait_indirect_dma semaphore(%arg14 : memref<!tpu.dma_semaphore, #tpu.memory_space<semaphore_mem>>) src(%dma_wait3A_206 : memref<10000x128xf32, #tpu.memory_space<hbm>>) dst(%arg10 : memref<112x128xf32, #tpu.memory_space<vmem>>)
      %dma_start3A_207 = arith.constant 0 : i32
      %dma_start3A_208 = tpu.memref_slice %arg7[%add3A_185, %dma_start3A_207] : memref<24x112xi32, #tpu.memory_space<vmem>> -> memref<1x112xi32, #tpu.memory_space<vmem>>
      %dma_start3A_209 = tpu.memref_squeeze %dma_start3A_208 : memref<1x112xi32, #tpu.memory_space<vmem>> -> memref<112xi32, #tpu.memory_space<vmem>>
      %dma_start3A_210 = arith.constant 0 : i32
      %dma_start3A_211 = arith.constant 0 : i32
      %dma_start3A_212 = tpu.memref_slice %arg11[%dma_start3A_210, %dma_start3A_211] : memref<10112x128xf32, #tpu.memory_space<vmem_shared>> -> memref<10112x128xf32, #tpu.memory_space<vmem_shared>>
      tpu.enqueue_indirect_dma source(%arg10 : memref<112x128xf32, #tpu.memory_space<vmem>>) target(%dma_start3A_212 : memref<10112x128xf32, #tpu.memory_space<vmem_shared>>) offsets(%dma_start3A_209 : memref<112xi32, #tpu.memory_space<vmem>>) semaphore(%arg17 : memref<!tpu.dma_semaphore, #tpu.memory_space<semaphore_mem>>) {add = true}
    }
    %scan3A_34 = arith.constant 8 : i32
    %dma_wait3A = arith.constant 23 : i32
    %dma_wait3A_35 = arith.constant 0 : i32
    %dma_wait3A_36 = tpu.memref_slice %arg7[%dma_wait3A, %dma_wait3A_35] : memref<24x112xi32, #tpu.memory_space<vmem>> -> memref<1x112xi32, #tpu.memory_space<vmem>>
    %dma_wait3A_37 = tpu.memref_squeeze %dma_wait3A_36 : memref<1x112xi32, #tpu.memory_space<vmem>> -> memref<112xi32, #tpu.memory_space<vmem>>
    %dma_wait3A_38 = arith.constant 0 : i32
    %dma_wait3A_39 = arith.constant 0 : i32
    %dma_wait3A_40 = tpu.memref_slice %arg11[%dma_wait3A_38, %dma_wait3A_39] : memref<10112x128xf32, #tpu.memory_space<vmem_shared>> -> memref<10112x128xf32, #tpu.memory_space<vmem_shared>>
    tpu.wait_indirect_dma semaphore(%arg17 : memref<!tpu.dma_semaphore, #tpu.memory_space<semaphore_mem>>) src(%arg10 : memref<112x128xf32, #tpu.memory_space<vmem>>) dst(%dma_wait3A_40 : memref<10112x128xf32, #tpu.memory_space<vmem_shared>>)
    "tpu.region"() ({
      %run_scoped3A = tpu.sem_alloc : memref<!tpu.dma_semaphore, #tpu.memory_space<semaphore_mem>>
      %dma_start3A_127 = arith.constant 0 : i32
      %dma_start3A_128 = arith.constant 0 : i32
      %dma_start3A_129 = tpu.memref_slice %arg6[%dma_start3A_127, %dma_start3A_128] : memref<24x112xi32, #tpu.memory_space<vmem>> -> memref<24x112xi32, #tpu.memory_space<vmem>>
      %dma_start3A_130 = arith.constant 24 : i32
      %dma_start3A_131 = arith.constant 0 : i32
      %dma_start3A_132 = tpu.memref_slice %arg3[%add3A, %dma_start3A_130, %dma_start3A_131] : memref<32x90x112xi32, #tpu.memory_space<hbm>> -> memref<1x24x112xi32, #tpu.memory_space<hbm>>
      %dma_start3A_133 = tpu.memref_squeeze %dma_start3A_132 : memref<1x24x112xi32, #tpu.memory_space<hbm>> -> memref<24x112xi32, #tpu.memory_space<hbm>>
      %dma_start3A_134 = arith.constant 0 : i32
      %dma_start3A_135 = arith.constant 0 : i32
      %dma_start3A_136 = tpu.memref_slice %arg6[%dma_start3A_134, %dma_start3A_135] : memref<24x112xi32, #tpu.memory_space<vmem>> -> memref<24x112xi32, #tpu.memory_space<vmem>>
      %dma_start3A_137 = arith.constant 24 : i32
      %dma_start3A_138 = arith.constant 0 : i32
      %dma_start3A_139 = tpu.memref_slice %arg3[%add3A, %dma_start3A_137, %dma_start3A_138] : memref<32x90x112xi32, #tpu.memory_space<hbm>> -> memref<1x24x112xi32, #tpu.memory_space<hbm>>
      %dma_start3A_140 = tpu.memref_squeeze %dma_start3A_139 : memref<1x24x112xi32, #tpu.memory_space<hbm>> -> memref<24x112xi32, #tpu.memory_space<hbm>>
      tpu.enqueue_dma source(%dma_start3A_140 : memref<24x112xi32, #tpu.memory_space<hbm>>) target(%dma_start3A_136 : memref<24x112xi32, #tpu.memory_space<vmem>>) target_semaphore(%run_scoped3A : memref<!tpu.dma_semaphore, #tpu.memory_space<semaphore_mem>>)
      %dma_wait3A_141 = arith.constant 0 : i32
      %dma_wait3A_142 = arith.constant 0 : i32
      %dma_wait3A_143 = tpu.memref_slice %arg6[%dma_wait3A_141, %dma_wait3A_142] : memref<24x112xi32, #tpu.memory_space<vmem>> -> memref<24x112xi32, #tpu.memory_space<vmem>>
      %dma_wait3A_144 = arith.constant 24 : i32
      %dma_wait3A_145 = arith.constant 0 : i32
      %dma_wait3A_146 = tpu.memref_slice %arg3[%add3A, %dma_wait3A_144, %dma_wait3A_145] : memref<32x90x112xi32, #tpu.memory_space<hbm>> -> memref<1x24x112xi32, #tpu.memory_space<hbm>>
      %dma_wait3A_147 = tpu.memref_squeeze %dma_wait3A_146 : memref<1x24x112xi32, #tpu.memory_space<hbm>> -> memref<24x112xi32, #tpu.memory_space<hbm>>
      %dma_wait3A_148 = arith.constant 0 : i32
      %dma_wait3A_149 = arith.constant 0 : i32
      %dma_wait3A_150 = tpu.memref_slice %arg6[%dma_wait3A_148, %dma_wait3A_149] : memref<24x112xi32, #tpu.memory_space<vmem>> -> memref<24x112xi32, #tpu.memory_space<vmem>>
      %dma_wait3A_151 = arith.constant 24 : i32
      %dma_wait3A_152 = arith.constant 0 : i32
      %dma_wait3A_153 = tpu.memref_slice %arg3[%add3A, %dma_wait3A_151, %dma_wait3A_152] : memref<32x90x112xi32, #tpu.memory_space<hbm>> -> memref<1x24x112xi32, #tpu.memory_space<hbm>>
      %dma_wait3A_154 = tpu.memref_squeeze %dma_wait3A_153 : memref<1x24x112xi32, #tpu.memory_space<hbm>> -> memref<24x112xi32, #tpu.memory_space<hbm>>
      tpu.wait_dma2 semaphore(%run_scoped3A : memref<!tpu.dma_semaphore, #tpu.memory_space<semaphore_mem>>) src(%dma_wait3A_154 : memref<24x112xi32, #tpu.memory_space<hbm>>) dst(%dma_wait3A_150 : memref<24x112xi32, #tpu.memory_space<vmem>>)
      tpu.yield
    }) : () -> ()
    "tpu.region"() ({
      %run_scoped3A = tpu.sem_alloc : memref<!tpu.dma_semaphore, #tpu.memory_space<semaphore_mem>>
      %dma_start3A_127 = arith.constant 0 : i32
      %dma_start3A_128 = arith.constant 0 : i32
      %dma_start3A_129 = tpu.memref_slice %arg7[%dma_start3A_127, %dma_start3A_128] : memref<24x112xi32, #tpu.memory_space<vmem>> -> memref<24x112xi32, #tpu.memory_space<vmem>>
      %dma_start3A_130 = arith.constant 24 : i32
      %dma_start3A_131 = arith.constant 0 : i32
      %dma_start3A_132 = tpu.memref_slice %arg4[%add3A, %dma_start3A_130, %dma_start3A_131] : memref<32x90x112xi32, #tpu.memory_space<hbm>> -> memref<1x24x112xi32, #tpu.memory_space<hbm>>
      %dma_start3A_133 = tpu.memref_squeeze %dma_start3A_132 : memref<1x24x112xi32, #tpu.memory_space<hbm>> -> memref<24x112xi32, #tpu.memory_space<hbm>>
      %dma_start3A_134 = arith.constant 0 : i32
      %dma_start3A_135 = arith.constant 0 : i32
      %dma_start3A_136 = tpu.memref_slice %arg7[%dma_start3A_134, %dma_start3A_135] : memref<24x112xi32, #tpu.memory_space<vmem>> -> memref<24x112xi32, #tpu.memory_space<vmem>>
      %dma_start3A_137 = arith.constant 24 : i32
      %dma_start3A_138 = arith.constant 0 : i32
      %dma_start3A_139 = tpu.memref_slice %arg4[%add3A, %dma_start3A_137, %dma_start3A_138] : memref<32x90x112xi32, #tpu.memory_space<hbm>> -> memref<1x24x112xi32, #tpu.memory_space<hbm>>
      %dma_start3A_140 = tpu.memref_squeeze %dma_start3A_139 : memref<1x24x112xi32, #tpu.memory_space<hbm>> -> memref<24x112xi32, #tpu.memory_space<hbm>>
      tpu.enqueue_dma source(%dma_start3A_140 : memref<24x112xi32, #tpu.memory_space<hbm>>) target(%dma_start3A_136 : memref<24x112xi32, #tpu.memory_space<vmem>>) target_semaphore(%run_scoped3A : memref<!tpu.dma_semaphore, #tpu.memory_space<semaphore_mem>>)
      %dma_wait3A_141 = arith.constant 0 : i32
      %dma_wait3A_142 = arith.constant 0 : i32
      %dma_wait3A_143 = tpu.memref_slice %arg7[%dma_wait3A_141, %dma_wait3A_142] : memref<24x112xi32, #tpu.memory_space<vmem>> -> memref<24x112xi32, #tpu.memory_space<vmem>>
      %dma_wait3A_144 = arith.constant 24 : i32
      %dma_wait3A_145 = arith.constant 0 : i32
      %dma_wait3A_146 = tpu.memref_slice %arg4[%add3A, %dma_wait3A_144, %dma_wait3A_145] : memref<32x90x112xi32, #tpu.memory_space<hbm>> -> memref<1x24x112xi32, #tpu.memory_space<hbm>>
      %dma_wait3A_147 = tpu.memref_squeeze %dma_wait3A_146 : memref<1x24x112xi32, #tpu.memory_space<hbm>> -> memref<24x112xi32, #tpu.memory_space<hbm>>
      %dma_wait3A_148 = arith.constant 0 : i32
      %dma_wait3A_149 = arith.constant 0 : i32
      %dma_wait3A_150 = tpu.memref_slice %arg7[%dma_wait3A_148, %dma_wait3A_149] : memref<24x112xi32, #tpu.memory_space<vmem>> -> memref<24x112xi32, #tpu.memory_space<vmem>>
      %dma_wait3A_151 = arith.constant 24 : i32
      %dma_wait3A_152 = arith.constant 0 : i32
      %dma_wait3A_153 = tpu.memref_slice %arg4[%add3A, %dma_wait3A_151, %dma_wait3A_152] : memref<32x90x112xi32, #tpu.memory_space<hbm>> -> memref<1x24x112xi32, #tpu.memory_space<hbm>>
      %dma_wait3A_154 = tpu.memref_squeeze %dma_wait3A_153 : memref<1x24x112xi32, #tpu.memory_space<hbm>> -> memref<24x112xi32, #tpu.memory_space<hbm>>
      tpu.wait_dma2 semaphore(%run_scoped3A : memref<!tpu.dma_semaphore, #tpu.memory_space<semaphore_mem>>) src(%dma_wait3A_154 : memref<24x112xi32, #tpu.memory_space<hbm>>) dst(%dma_wait3A_150 : memref<24x112xi32, #tpu.memory_space<vmem>>)
      tpu.yield
    }) : () -> ()
    %dma_start3A_41 = arith.constant 0 : i32
    %dma_start3A_42 = arith.constant 0 : i32
    %dma_start3A_43 = tpu.memref_slice %arg6[%dma_start3A_41, %dma_start3A_42] : memref<24x112xi32, #tpu.memory_space<vmem>> -> memref<1x112xi32, #tpu.memory_space<vmem>>
    %dma_start3A_44 = tpu.memref_squeeze %dma_start3A_43 : memref<1x112xi32, #tpu.memory_space<vmem>> -> memref<112xi32, #tpu.memory_space<vmem>>
    %dma_start3A_45 = arith.constant 0 : i32
    %dma_start3A_46 = arith.constant 0 : i32
    %dma_start3A_47 = tpu.memref_slice %arg2[%dma_start3A_45, %dma_start3A_46] : memref<10000x128xf32, #tpu.memory_space<hbm>> -> memref<10000x128xf32, #tpu.memory_space<hbm>>
    tpu.enqueue_indirect_dma source(%dma_start3A_47 : memref<10000x128xf32, #tpu.memory_space<hbm>>) target(%arg8 : memref<112x128xf32, #tpu.memory_space<vmem>>) offsets(%dma_start3A_44 : memref<112xi32, #tpu.memory_space<vmem>>) semaphore(%arg12 : memref<!tpu.dma_semaphore, #tpu.memory_space<semaphore_mem>>)
    %dma_start3A_48 = arith.constant 1 : i32
    %dma_start3A_49 = arith.constant 0 : i32
    %dma_start3A_50 = tpu.memref_slice %arg6[%dma_start3A_48, %dma_start3A_49] : memref<24x112xi32, #tpu.memory_space<vmem>> -> memref<1x112xi32, #tpu.memory_space<vmem>>
    %dma_start3A_51 = tpu.memref_squeeze %dma_start3A_50 : memref<1x112xi32, #tpu.memory_space<vmem>> -> memref<112xi32, #tpu.memory_space<vmem>>
    %dma_start3A_52 = arith.constant 0 : i32
    %dma_start3A_53 = arith.constant 0 : i32
    %dma_start3A_54 = tpu.memref_slice %arg2[%dma_start3A_52, %dma_start3A_53] : memref<10000x128xf32, #tpu.memory_space<hbm>> -> memref<10000x128xf32, #tpu.memory_space<hbm>>
    tpu.enqueue_indirect_dma source(%dma_start3A_54 : memref<10000x128xf32, #tpu.memory_space<hbm>>) target(%arg9 : memref<112x128xf32, #tpu.memory_space<vmem>>) offsets(%dma_start3A_51 : memref<112xi32, #tpu.memory_space<vmem>>) semaphore(%arg13 : memref<!tpu.dma_semaphore, #tpu.memory_space<semaphore_mem>>)
    %scan3A_55 = arith.constant 0 : i32
    %scan3A_56 = arith.constant 0 : i32
    %scan3A_57 = arith.constant 8 : i32
    %scan3A_58 = arith.addi %scan3A_56, %scan3A_57 : i32
    %scan3A_59 = arith.constant 1 : i32
    scf.for %scan3A_127 = %scan3A_56 to %scan3A_58 step %scan3A_59  : i32 {
      %mul3A_128 = arith.constant 3 : i32
      %mul3A_129 = arith.muli %mul3A_128, %scan3A_127 : i32
      %add3A_130 = arith.constant 0 : i32
      %add3A_131 = arith.addi %mul3A_129, %add3A_130 : i32
      %gt3A = arith.constant 0 : i32
      %gt3A_132 = arith.cmpi sgt, %scan3A_127, %gt3A : i32
      %convert_element_type3A = arith.extui %gt3A_132 : i1 to i32
      %cond3A = arith.constant 0 : i32
      %cond3A_133 = arith.cmpi ne, %convert_element_type3A, %cond3A : i32
      scf.if %cond3A_133 {
        %sub3A_213 = arith.constant 1 : i32
        %sub3A_214 = arith.subi %add3A_131, %sub3A_213 : i32
        %dma_wait3A_215 = arith.constant 0 : i32
        %dma_wait3A_216 = tpu.memref_slice %arg7[%sub3A_214, %dma_wait3A_215] : memref<24x112xi32, #tpu.memory_space<vmem>> -> memref<1x112xi32, #tpu.memory_space<vmem>>
        %dma_wait3A_217 = tpu.memref_squeeze %dma_wait3A_216 : memref<1x112xi32, #tpu.memory_space<vmem>> -> memref<112xi32, #tpu.memory_space<vmem>>
        %dma_wait3A_218 = arith.constant 0 : i32
        %dma_wait3A_219 = arith.constant 0 : i32
        %dma_wait3A_220 = tpu.memref_slice %arg11[%dma_wait3A_218, %dma_wait3A_219] : memref<10112x128xf32, #tpu.memory_space<vmem_shared>> -> memref<10112x128xf32, #tpu.memory_space<vmem_shared>>
        tpu.wait_indirect_dma semaphore(%arg17 : memref<!tpu.dma_semaphore, #tpu.memory_space<semaphore_mem>>) src(%arg10 : memref<112x128xf32, #tpu.memory_space<vmem>>) dst(%dma_wait3A_220 : memref<10112x128xf32, #tpu.memory_space<vmem_shared>>)
      } else {
      }
      %add3A_134 = arith.constant 2 : i32
      %add3A_135 = arith.addi %add3A_131, %add3A_134 : i32
      %lt3A = arith.constant 24 : i32
      %lt3A_136 = arith.cmpi slt, %add3A_135, %lt3A : i32
      %convert_element_type3A_137 = arith.extui %lt3A_136 : i1 to i32
      %cond3A_138 = arith.constant 0 : i32
      %cond3A_139 = arith.cmpi ne, %convert_element_type3A_137, %cond3A_138 : i32
      scf.if %cond3A_139 {
        %add3A_213 = arith.constant 2 : i32
        %add3A_214 = arith.addi %add3A_131, %add3A_213 : i32
        %dma_start3A_215 = arith.constant 0 : i32
        %dma_start3A_216 = tpu.memref_slice %arg6[%add3A_214, %dma_start3A_215] : memref<24x112xi32, #tpu.memory_space<vmem>> -> memref<1x112xi32, #tpu.memory_space<vmem>>
        %dma_start3A_217 = tpu.memref_squeeze %dma_start3A_216 : memref<1x112xi32, #tpu.memory_space<vmem>> -> memref<112xi32, #tpu.memory_space<vmem>>
        %dma_start3A_218 = arith.constant 0 : i32
        %dma_start3A_219 = arith.constant 0 : i32
        %dma_start3A_220 = tpu.memref_slice %arg2[%dma_start3A_218, %dma_start3A_219] : memref<10000x128xf32, #tpu.memory_space<hbm>> -> memref<10000x128xf32, #tpu.memory_space<hbm>>
        tpu.enqueue_indirect_dma source(%dma_start3A_220 : memref<10000x128xf32, #tpu.memory_space<hbm>>) target(%arg10 : memref<112x128xf32, #tpu.memory_space<vmem>>) offsets(%dma_start3A_217 : memref<112xi32, #tpu.memory_space<vmem>>) semaphore(%arg14 : memref<!tpu.dma_semaphore, #tpu.memory_space<semaphore_mem>>)
      } else {
      }
      %dma_wait3A_140 = arith.constant 0 : i32
      %dma_wait3A_141 = tpu.memref_slice %arg6[%add3A_131, %dma_wait3A_140] : memref<24x112xi32, #tpu.memory_space<vmem>> -> memref<1x112xi32, #tpu.memory_space<vmem>>
      %dma_wait3A_142 = tpu.memref_squeeze %dma_wait3A_141 : memref<1x112xi32, #tpu.memory_space<vmem>> -> memref<112xi32, #tpu.memory_space<vmem>>
      %dma_wait3A_143 = arith.constant 0 : i32
      %dma_wait3A_144 = arith.constant 0 : i32
      %dma_wait3A_145 = tpu.memref_slice %arg2[%dma_wait3A_143, %dma_wait3A_144] : memref<10000x128xf32, #tpu.memory_space<hbm>> -> memref<10000x128xf32, #tpu.memory_space<hbm>>
      tpu.wait_indirect_dma semaphore(%arg12 : memref<!tpu.dma_semaphore, #tpu.memory_space<semaphore_mem>>) src(%dma_wait3A_145 : memref<10000x128xf32, #tpu.memory_space<hbm>>) dst(%arg8 : memref<112x128xf32, #tpu.memory_space<vmem>>)
      %dma_start3A_146 = arith.constant 0 : i32
      %dma_start3A_147 = tpu.memref_slice %arg7[%add3A_131, %dma_start3A_146] : memref<24x112xi32, #tpu.memory_space<vmem>> -> memref<1x112xi32, #tpu.memory_space<vmem>>
      %dma_start3A_148 = tpu.memref_squeeze %dma_start3A_147 : memref<1x112xi32, #tpu.memory_space<vmem>> -> memref<112xi32, #tpu.memory_space<vmem>>
      %dma_start3A_149 = arith.constant 0 : i32
      %dma_start3A_150 = arith.constant 0 : i32
      %dma_start3A_151 = tpu.memref_slice %arg11[%dma_start3A_149, %dma_start3A_150] : memref<10112x128xf32, #tpu.memory_space<vmem_shared>> -> memref<10112x128xf32, #tpu.memory_space<vmem_shared>>
      tpu.enqueue_indirect_dma source(%arg8 : memref<112x128xf32, #tpu.memory_space<vmem>>) target(%dma_start3A_151 : memref<10112x128xf32, #tpu.memory_space<vmem_shared>>) offsets(%dma_start3A_148 : memref<112xi32, #tpu.memory_space<vmem>>) semaphore(%arg15 : memref<!tpu.dma_semaphore, #tpu.memory_space<semaphore_mem>>) {add = true}
      %mul3A_152 = arith.constant 3 : i32
      %mul3A_153 = arith.muli %mul3A_152, %scan3A_127 : i32
      %add3A_154 = arith.constant 1 : i32
      %add3A_155 = arith.addi %mul3A_153, %add3A_154 : i32
      %sub3A = arith.constant 1 : i32
      %sub3A_156 = arith.subi %add3A_155, %sub3A : i32
      %dma_wait3A_157 = arith.constant 0 : i32
      %dma_wait3A_158 = tpu.memref_slice %arg7[%sub3A_156, %dma_wait3A_157] : memref<24x112xi32, #tpu.memory_space<vmem>> -> memref<1x112xi32, #tpu.memory_space<vmem>>
      %dma_wait3A_159 = tpu.memref_squeeze %dma_wait3A_158 : memref<1x112xi32, #tpu.memory_space<vmem>> -> memref<112xi32, #tpu.memory_space<vmem>>
      %dma_wait3A_160 = arith.constant 0 : i32
      %dma_wait3A_161 = arith.constant 0 : i32
      %dma_wait3A_162 = tpu.memref_slice %arg11[%dma_wait3A_160, %dma_wait3A_161] : memref<10112x128xf32, #tpu.memory_space<vmem_shared>> -> memref<10112x128xf32, #tpu.memory_space<vmem_shared>>
      tpu.wait_indirect_dma semaphore(%arg15 : memref<!tpu.dma_semaphore, #tpu.memory_space<semaphore_mem>>) src(%arg8 : memref<112x128xf32, #tpu.memory_space<vmem>>) dst(%dma_wait3A_162 : memref<10112x128xf32, #tpu.memory_space<vmem_shared>>)
      %add3A_163 = arith.constant 2 : i32
      %add3A_164 = arith.addi %add3A_155, %add3A_163 : i32
      %lt3A_165 = arith.constant 24 : i32
      %lt3A_166 = arith.cmpi slt, %add3A_164, %lt3A_165 : i32
      %convert_element_type3A_167 = arith.extui %lt3A_166 : i1 to i32
      %cond3A_168 = arith.constant 0 : i32
      %cond3A_169 = arith.cmpi ne, %convert_element_type3A_167, %cond3A_168 : i32
      scf.if %cond3A_169 {
        %add3A_213 = arith.constant 2 : i32
        %add3A_214 = arith.addi %add3A_155, %add3A_213 : i32
        %dma_start3A_215 = arith.constant 0 : i32
        %dma_start3A_216 = tpu.memref_slice %arg6[%add3A_214, %dma_start3A_215] : memref<24x112xi32, #tpu.memory_space<vmem>> -> memref<1x112xi32, #tpu.memory_space<vmem>>
        %dma_start3A_217 = tpu.memref_squeeze %dma_start3A_216 : memref<1x112xi32, #tpu.memory_space<vmem>> -> memref<112xi32, #tpu.memory_space<vmem>>
        %dma_start3A_218 = arith.constant 0 : i32
        %dma_start3A_219 = arith.constant 0 : i32
        %dma_start3A_220 = tpu.memref_slice %arg2[%dma_start3A_218, %dma_start3A_219] : memref<10000x128xf32, #tpu.memory_space<hbm>> -> memref<10000x128xf32, #tpu.memory_space<hbm>>
        tpu.enqueue_indirect_dma source(%dma_start3A_220 : memref<10000x128xf32, #tpu.memory_space<hbm>>) target(%arg8 : memref<112x128xf32, #tpu.memory_space<vmem>>) offsets(%dma_start3A_217 : memref<112xi32, #tpu.memory_space<vmem>>) semaphore(%arg12 : memref<!tpu.dma_semaphore, #tpu.memory_space<semaphore_mem>>)
      } else {
      }
      %dma_wait3A_170 = arith.constant 0 : i32
      %dma_wait3A_171 = tpu.memref_slice %arg6[%add3A_155, %dma_wait3A_170] : memref<24x112xi32, #tpu.memory_space<vmem>> -> memref<1x112xi32, #tpu.memory_space<vmem>>
      %dma_wait3A_172 = tpu.memref_squeeze %dma_wait3A_171 : memref<1x112xi32, #tpu.memory_space<vmem>> -> memref<112xi32, #tpu.memory_space<vmem>>
      %dma_wait3A_173 = arith.constant 0 : i32
      %dma_wait3A_174 = arith.constant 0 : i32
      %dma_wait3A_175 = tpu.memref_slice %arg2[%dma_wait3A_173, %dma_wait3A_174] : memref<10000x128xf32, #tpu.memory_space<hbm>> -> memref<10000x128xf32, #tpu.memory_space<hbm>>
      tpu.wait_indirect_dma semaphore(%arg13 : memref<!tpu.dma_semaphore, #tpu.memory_space<semaphore_mem>>) src(%dma_wait3A_175 : memref<10000x128xf32, #tpu.memory_space<hbm>>) dst(%arg9 : memref<112x128xf32, #tpu.memory_space<vmem>>)
      %dma_start3A_176 = arith.constant 0 : i32
      %dma_start3A_177 = tpu.memref_slice %arg7[%add3A_155, %dma_start3A_176] : memref<24x112xi32, #tpu.memory_space<vmem>> -> memref<1x112xi32, #tpu.memory_space<vmem>>
      %dma_start3A_178 = tpu.memref_squeeze %dma_start3A_177 : memref<1x112xi32, #tpu.memory_space<vmem>> -> memref<112xi32, #tpu.memory_space<vmem>>
      %dma_start3A_179 = arith.constant 0 : i32
      %dma_start3A_180 = arith.constant 0 : i32
      %dma_start3A_181 = tpu.memref_slice %arg11[%dma_start3A_179, %dma_start3A_180] : memref<10112x128xf32, #tpu.memory_space<vmem_shared>> -> memref<10112x128xf32, #tpu.memory_space<vmem_shared>>
      tpu.enqueue_indirect_dma source(%arg9 : memref<112x128xf32, #tpu.memory_space<vmem>>) target(%dma_start3A_181 : memref<10112x128xf32, #tpu.memory_space<vmem_shared>>) offsets(%dma_start3A_178 : memref<112xi32, #tpu.memory_space<vmem>>) semaphore(%arg16 : memref<!tpu.dma_semaphore, #tpu.memory_space<semaphore_mem>>) {add = true}
      %mul3A_182 = arith.constant 3 : i32
      %mul3A_183 = arith.muli %mul3A_182, %scan3A_127 : i32
      %add3A_184 = arith.constant 2 : i32
      %add3A_185 = arith.addi %mul3A_183, %add3A_184 : i32
      %sub3A_186 = arith.constant 1 : i32
      %sub3A_187 = arith.subi %add3A_185, %sub3A_186 : i32
      %dma_wait3A_188 = arith.constant 0 : i32
      %dma_wait3A_189 = tpu.memref_slice %arg7[%sub3A_187, %dma_wait3A_188] : memref<24x112xi32, #tpu.memory_space<vmem>> -> memref<1x112xi32, #tpu.memory_space<vmem>>
      %dma_wait3A_190 = tpu.memref_squeeze %dma_wait3A_189 : memref<1x112xi32, #tpu.memory_space<vmem>> -> memref<112xi32, #tpu.memory_space<vmem>>
      %dma_wait3A_191 = arith.constant 0 : i32
      %dma_wait3A_192 = arith.constant 0 : i32
      %dma_wait3A_193 = tpu.memref_slice %arg11[%dma_wait3A_191, %dma_wait3A_192] : memref<10112x128xf32, #tpu.memory_space<vmem_shared>> -> memref<10112x128xf32, #tpu.memory_space<vmem_shared>>
      tpu.wait_indirect_dma semaphore(%arg16 : memref<!tpu.dma_semaphore, #tpu.memory_space<semaphore_mem>>) src(%arg9 : memref<112x128xf32, #tpu.memory_space<vmem>>) dst(%dma_wait3A_193 : memref<10112x128xf32, #tpu.memory_space<vmem_shared>>)
      %add3A_194 = arith.constant 2 : i32
      %add3A_195 = arith.addi %add3A_185, %add3A_194 : i32
      %lt3A_196 = arith.constant 24 : i32
      %lt3A_197 = arith.cmpi slt, %add3A_195, %lt3A_196 : i32
      %convert_element_type3A_198 = arith.extui %lt3A_197 : i1 to i32
      %cond3A_199 = arith.constant 0 : i32
      %cond3A_200 = arith.cmpi ne, %convert_element_type3A_198, %cond3A_199 : i32
      scf.if %cond3A_200 {
        %add3A_213 = arith.constant 2 : i32
        %add3A_214 = arith.addi %add3A_185, %add3A_213 : i32
        %dma_start3A_215 = arith.constant 0 : i32
        %dma_start3A_216 = tpu.memref_slice %arg6[%add3A_214, %dma_start3A_215] : memref<24x112xi32, #tpu.memory_space<vmem>> -> memref<1x112xi32, #tpu.memory_space<vmem>>
        %dma_start3A_217 = tpu.memref_squeeze %dma_start3A_216 : memref<1x112xi32, #tpu.memory_space<vmem>> -> memref<112xi32, #tpu.memory_space<vmem>>
        %dma_start3A_218 = arith.constant 0 : i32
        %dma_start3A_219 = arith.constant 0 : i32
        %dma_start3A_220 = tpu.memref_slice %arg2[%dma_start3A_218, %dma_start3A_219] : memref<10000x128xf32, #tpu.memory_space<hbm>> -> memref<10000x128xf32, #tpu.memory_space<hbm>>
        tpu.enqueue_indirect_dma source(%dma_start3A_220 : memref<10000x128xf32, #tpu.memory_space<hbm>>) target(%arg9 : memref<112x128xf32, #tpu.memory_space<vmem>>) offsets(%dma_start3A_217 : memref<112xi32, #tpu.memory_space<vmem>>) semaphore(%arg13 : memref<!tpu.dma_semaphore, #tpu.memory_space<semaphore_mem>>)
      } else {
      }
      %dma_wait3A_201 = arith.constant 0 : i32
      %dma_wait3A_202 = tpu.memref_slice %arg6[%add3A_185, %dma_wait3A_201] : memref<24x112xi32, #tpu.memory_space<vmem>> -> memref<1x112xi32, #tpu.memory_space<vmem>>
      %dma_wait3A_203 = tpu.memref_squeeze %dma_wait3A_202 : memref<1x112xi32, #tpu.memory_space<vmem>> -> memref<112xi32, #tpu.memory_space<vmem>>
      %dma_wait3A_204 = arith.constant 0 : i32
      %dma_wait3A_205 = arith.constant 0 : i32
      %dma_wait3A_206 = tpu.memref_slice %arg2[%dma_wait3A_204, %dma_wait3A_205] : memref<10000x128xf32, #tpu.memory_space<hbm>> -> memref<10000x128xf32, #tpu.memory_space<hbm>>
      tpu.wait_indirect_dma semaphore(%arg14 : memref<!tpu.dma_semaphore, #tpu.memory_space<semaphore_mem>>) src(%dma_wait3A_206 : memref<10000x128xf32, #tpu.memory_space<hbm>>) dst(%arg10 : memref<112x128xf32, #tpu.memory_space<vmem>>)
      %dma_start3A_207 = arith.constant 0 : i32
      %dma_start3A_208 = tpu.memref_slice %arg7[%add3A_185, %dma_start3A_207] : memref<24x112xi32, #tpu.memory_space<vmem>> -> memref<1x112xi32, #tpu.memory_space<vmem>>
      %dma_start3A_209 = tpu.memref_squeeze %dma_start3A_208 : memref<1x112xi32, #tpu.memory_space<vmem>> -> memref<112xi32, #tpu.memory_space<vmem>>
      %dma_start3A_210 = arith.constant 0 : i32
      %dma_start3A_211 = arith.constant 0 : i32
      %dma_start3A_212 = tpu.memref_slice %arg11[%dma_start3A_210, %dma_start3A_211] : memref<10112x128xf32, #tpu.memory_space<vmem_shared>> -> memref<10112x128xf32, #tpu.memory_space<vmem_shared>>
      tpu.enqueue_indirect_dma source(%arg10 : memref<112x128xf32, #tpu.memory_space<vmem>>) target(%dma_start3A_212 : memref<10112x128xf32, #tpu.memory_space<vmem_shared>>) offsets(%dma_start3A_209 : memref<112xi32, #tpu.memory_space<vmem>>) semaphore(%arg17 : memref<!tpu.dma_semaphore, #tpu.memory_space<semaphore_mem>>) {add = true}
    }
    %scan3A_60 = arith.constant 8 : i32
    %dma_wait3A_61 = arith.constant 23 : i32
    %dma_wait3A_62 = arith.constant 0 : i32
    %dma_wait3A_63 = tpu.memref_slice %arg7[%dma_wait3A_61, %dma_wait3A_62] : memref<24x112xi32, #tpu.memory_space<vmem>> -> memref<1x112xi32, #tpu.memory_space<vmem>>
    %dma_wait3A_64 = tpu.memref_squeeze %dma_wait3A_63 : memref<1x112xi32, #tpu.memory_space<vmem>> -> memref<112xi32, #tpu.memory_space<vmem>>
    %dma_wait3A_65 = arith.constant 0 : i32
    %dma_wait3A_66 = arith.constant 0 : i32
    %dma_wait3A_67 = tpu.memref_slice %arg11[%dma_wait3A_65, %dma_wait3A_66] : memref<10112x128xf32, #tpu.memory_space<vmem_shared>> -> memref<10112x128xf32, #tpu.memory_space<vmem_shared>>
    tpu.wait_indirect_dma semaphore(%arg17 : memref<!tpu.dma_semaphore, #tpu.memory_space<semaphore_mem>>) src(%arg10 : memref<112x128xf32, #tpu.memory_space<vmem>>) dst(%dma_wait3A_67 : memref<10112x128xf32, #tpu.memory_space<vmem_shared>>)
    "tpu.region"() ({
      %run_scoped3A = tpu.sem_alloc : memref<!tpu.dma_semaphore, #tpu.memory_space<semaphore_mem>>
      %dma_start3A_127 = arith.constant 0 : i32
      %dma_start3A_128 = arith.constant 0 : i32
      %dma_start3A_129 = tpu.memref_slice %arg6[%dma_start3A_127, %dma_start3A_128] : memref<24x112xi32, #tpu.memory_space<vmem>> -> memref<24x112xi32, #tpu.memory_space<vmem>>
      %dma_start3A_130 = arith.constant 48 : i32
      %dma_start3A_131 = arith.constant 0 : i32
      %dma_start3A_132 = tpu.memref_slice %arg3[%add3A, %dma_start3A_130, %dma_start3A_131] : memref<32x90x112xi32, #tpu.memory_space<hbm>> -> memref<1x24x112xi32, #tpu.memory_space<hbm>>
      %dma_start3A_133 = tpu.memref_squeeze %dma_start3A_132 : memref<1x24x112xi32, #tpu.memory_space<hbm>> -> memref<24x112xi32, #tpu.memory_space<hbm>>
      %dma_start3A_134 = arith.constant 0 : i32
      %dma_start3A_135 = arith.constant 0 : i32
      %dma_start3A_136 = tpu.memref_slice %arg6[%dma_start3A_134, %dma_start3A_135] : memref<24x112xi32, #tpu.memory_space<vmem>> -> memref<24x112xi32, #tpu.memory_space<vmem>>
      %dma_start3A_137 = arith.constant 48 : i32
      %dma_start3A_138 = arith.constant 0 : i32
      %dma_start3A_139 = tpu.memref_slice %arg3[%add3A, %dma_start3A_137, %dma_start3A_138] : memref<32x90x112xi32, #tpu.memory_space<hbm>> -> memref<1x24x112xi32, #tpu.memory_space<hbm>>
      %dma_start3A_140 = tpu.memref_squeeze %dma_start3A_139 : memref<1x24x112xi32, #tpu.memory_space<hbm>> -> memref<24x112xi32, #tpu.memory_space<hbm>>
      tpu.enqueue_dma source(%dma_start3A_140 : memref<24x112xi32, #tpu.memory_space<hbm>>) target(%dma_start3A_136 : memref<24x112xi32, #tpu.memory_space<vmem>>) target_semaphore(%run_scoped3A : memref<!tpu.dma_semaphore, #tpu.memory_space<semaphore_mem>>)
      %dma_wait3A_141 = arith.constant 0 : i32
      %dma_wait3A_142 = arith.constant 0 : i32
      %dma_wait3A_143 = tpu.memref_slice %arg6[%dma_wait3A_141, %dma_wait3A_142] : memref<24x112xi32, #tpu.memory_space<vmem>> -> memref<24x112xi32, #tpu.memory_space<vmem>>
      %dma_wait3A_144 = arith.constant 48 : i32
      %dma_wait3A_145 = arith.constant 0 : i32
      %dma_wait3A_146 = tpu.memref_slice %arg3[%add3A, %dma_wait3A_144, %dma_wait3A_145] : memref<32x90x112xi32, #tpu.memory_space<hbm>> -> memref<1x24x112xi32, #tpu.memory_space<hbm>>
      %dma_wait3A_147 = tpu.memref_squeeze %dma_wait3A_146 : memref<1x24x112xi32, #tpu.memory_space<hbm>> -> memref<24x112xi32, #tpu.memory_space<hbm>>
      %dma_wait3A_148 = arith.constant 0 : i32
      %dma_wait3A_149 = arith.constant 0 : i32
      %dma_wait3A_150 = tpu.memref_slice %arg6[%dma_wait3A_148, %dma_wait3A_149] : memref<24x112xi32, #tpu.memory_space<vmem>> -> memref<24x112xi32, #tpu.memory_space<vmem>>
      %dma_wait3A_151 = arith.constant 48 : i32
      %dma_wait3A_152 = arith.constant 0 : i32
      %dma_wait3A_153 = tpu.memref_slice %arg3[%add3A, %dma_wait3A_151, %dma_wait3A_152] : memref<32x90x112xi32, #tpu.memory_space<hbm>> -> memref<1x24x112xi32, #tpu.memory_space<hbm>>
      %dma_wait3A_154 = tpu.memref_squeeze %dma_wait3A_153 : memref<1x24x112xi32, #tpu.memory_space<hbm>> -> memref<24x112xi32, #tpu.memory_space<hbm>>
      tpu.wait_dma2 semaphore(%run_scoped3A : memref<!tpu.dma_semaphore, #tpu.memory_space<semaphore_mem>>) src(%dma_wait3A_154 : memref<24x112xi32, #tpu.memory_space<hbm>>) dst(%dma_wait3A_150 : memref<24x112xi32, #tpu.memory_space<vmem>>)
      tpu.yield
    }) : () -> ()
    "tpu.region"() ({
      %run_scoped3A = tpu.sem_alloc : memref<!tpu.dma_semaphore, #tpu.memory_space<semaphore_mem>>
      %dma_start3A_127 = arith.constant 0 : i32
      %dma_start3A_128 = arith.constant 0 : i32
      %dma_start3A_129 = tpu.memref_slice %arg7[%dma_start3A_127, %dma_start3A_128] : memref<24x112xi32, #tpu.memory_space<vmem>> -> memref<24x112xi32, #tpu.memory_space<vmem>>
      %dma_start3A_130 = arith.constant 48 : i32
      %dma_start3A_131 = arith.constant 0 : i32
      %dma_start3A_132 = tpu.memref_slice %arg4[%add3A, %dma_start3A_130, %dma_start3A_131] : memref<32x90x112xi32, #tpu.memory_space<hbm>> -> memref<1x24x112xi32, #tpu.memory_space<hbm>>
      %dma_start3A_133 = tpu.memref_squeeze %dma_start3A_132 : memref<1x24x112xi32, #tpu.memory_space<hbm>> -> memref<24x112xi32, #tpu.memory_space<hbm>>
      %dma_start3A_134 = arith.constant 0 : i32
      %dma_start3A_135 = arith.constant 0 : i32
      %dma_start3A_136 = tpu.memref_slice %arg7[%dma_start3A_134, %dma_start3A_135] : memref<24x112xi32, #tpu.memory_space<vmem>> -> memref<24x112xi32, #tpu.memory_space<vmem>>
      %dma_start3A_137 = arith.constant 48 : i32
      %dma_start3A_138 = arith.constant 0 : i32
      %dma_start3A_139 = tpu.memref_slice %arg4[%add3A, %dma_start3A_137, %dma_start3A_138] : memref<32x90x112xi32, #tpu.memory_space<hbm>> -> memref<1x24x112xi32, #tpu.memory_space<hbm>>
      %dma_start3A_140 = tpu.memref_squeeze %dma_start3A_139 : memref<1x24x112xi32, #tpu.memory_space<hbm>> -> memref<24x112xi32, #tpu.memory_space<hbm>>
      tpu.enqueue_dma source(%dma_start3A_140 : memref<24x112xi32, #tpu.memory_space<hbm>>) target(%dma_start3A_136 : memref<24x112xi32, #tpu.memory_space<vmem>>) target_semaphore(%run_scoped3A : memref<!tpu.dma_semaphore, #tpu.memory_space<semaphore_mem>>)
      %dma_wait3A_141 = arith.constant 0 : i32
      %dma_wait3A_142 = arith.constant 0 : i32
      %dma_wait3A_143 = tpu.memref_slice %arg7[%dma_wait3A_141, %dma_wait3A_142] : memref<24x112xi32, #tpu.memory_space<vmem>> -> memref<24x112xi32, #tpu.memory_space<vmem>>
      %dma_wait3A_144 = arith.constant 48 : i32
      %dma_wait3A_145 = arith.constant 0 : i32
      %dma_wait3A_146 = tpu.memref_slice %arg4[%add3A, %dma_wait3A_144, %dma_wait3A_145] : memref<32x90x112xi32, #tpu.memory_space<hbm>> -> memref<1x24x112xi32, #tpu.memory_space<hbm>>
      %dma_wait3A_147 = tpu.memref_squeeze %dma_wait3A_146 : memref<1x24x112xi32, #tpu.memory_space<hbm>> -> memref<24x112xi32, #tpu.memory_space<hbm>>
      %dma_wait3A_148 = arith.constant 0 : i32
      %dma_wait3A_149 = arith.constant 0 : i32
      %dma_wait3A_150 = tpu.memref_slice %arg7[%dma_wait3A_148, %dma_wait3A_149] : memref<24x112xi32, #tpu.memory_space<vmem>> -> memref<24x112xi32, #tpu.memory_space<vmem>>
      %dma_wait3A_151 = arith.constant 48 : i32
      %dma_wait3A_152 = arith.constant 0 : i32
      %dma_wait3A_153 = tpu.memref_slice %arg4[%add3A, %dma_wait3A_151, %dma_wait3A_152] : memref<32x90x112xi32, #tpu.memory_space<hbm>> -> memref<1x24x112xi32, #tpu.memory_space<hbm>>
      %dma_wait3A_154 = tpu.memref_squeeze %dma_wait3A_153 : memref<1x24x112xi32, #tpu.memory_space<hbm>> -> memref<24x112xi32, #tpu.memory_space<hbm>>
      tpu.wait_dma2 semaphore(%run_scoped3A : memref<!tpu.dma_semaphore, #tpu.memory_space<semaphore_mem>>) src(%dma_wait3A_154 : memref<24x112xi32, #tpu.memory_space<hbm>>) dst(%dma_wait3A_150 : memref<24x112xi32, #tpu.memory_space<vmem>>)
      tpu.yield
    }) : () -> ()
    %dma_start3A_68 = arith.constant 0 : i32
    %dma_start3A_69 = arith.constant 0 : i32
    %dma_start3A_70 = tpu.memref_slice %arg6[%dma_start3A_68, %dma_start3A_69] : memref<24x112xi32, #tpu.memory_space<vmem>> -> memref<1x112xi32, #tpu.memory_space<vmem>>
    %dma_start3A_71 = tpu.memref_squeeze %dma_start3A_70 : memref<1x112xi32, #tpu.memory_space<vmem>> -> memref<112xi32, #tpu.memory_space<vmem>>
    %dma_start3A_72 = arith.constant 0 : i32
    %dma_start3A_73 = arith.constant 0 : i32
    %dma_start3A_74 = tpu.memref_slice %arg2[%dma_start3A_72, %dma_start3A_73] : memref<10000x128xf32, #tpu.memory_space<hbm>> -> memref<10000x128xf32, #tpu.memory_space<hbm>>
    tpu.enqueue_indirect_dma source(%dma_start3A_74 : memref<10000x128xf32, #tpu.memory_space<hbm>>) target(%arg8 : memref<112x128xf32, #tpu.memory_space<vmem>>) offsets(%dma_start3A_71 : memref<112xi32, #tpu.memory_space<vmem>>) semaphore(%arg12 : memref<!tpu.dma_semaphore, #tpu.memory_space<semaphore_mem>>)
    %dma_start3A_75 = arith.constant 1 : i32
    %dma_start3A_76 = arith.constant 0 : i32
    %dma_start3A_77 = tpu.memref_slice %arg6[%dma_start3A_75, %dma_start3A_76] : memref<24x112xi32, #tpu.memory_space<vmem>> -> memref<1x112xi32, #tpu.memory_space<vmem>>
    %dma_start3A_78 = tpu.memref_squeeze %dma_start3A_77 : memref<1x112xi32, #tpu.memory_space<vmem>> -> memref<112xi32, #tpu.memory_space<vmem>>
    %dma_start3A_79 = arith.constant 0 : i32
    %dma_start3A_80 = arith.constant 0 : i32
    %dma_start3A_81 = tpu.memref_slice %arg2[%dma_start3A_79, %dma_start3A_80] : memref<10000x128xf32, #tpu.memory_space<hbm>> -> memref<10000x128xf32, #tpu.memory_space<hbm>>
    tpu.enqueue_indirect_dma source(%dma_start3A_81 : memref<10000x128xf32, #tpu.memory_space<hbm>>) target(%arg9 : memref<112x128xf32, #tpu.memory_space<vmem>>) offsets(%dma_start3A_78 : memref<112xi32, #tpu.memory_space<vmem>>) semaphore(%arg13 : memref<!tpu.dma_semaphore, #tpu.memory_space<semaphore_mem>>)
    %scan3A_82 = arith.constant 0 : i32
    %scan3A_83 = arith.constant 0 : i32
    %scan3A_84 = arith.constant 8 : i32
    %scan3A_85 = arith.addi %scan3A_83, %scan3A_84 : i32
    %scan3A_86 = arith.constant 1 : i32
    scf.for %scan3A_127 = %scan3A_83 to %scan3A_85 step %scan3A_86  : i32 {
      %mul3A_128 = arith.constant 3 : i32
      %mul3A_129 = arith.muli %mul3A_128, %scan3A_127 : i32
      %add3A_130 = arith.constant 0 : i32
      %add3A_131 = arith.addi %mul3A_129, %add3A_130 : i32
      %gt3A = arith.constant 0 : i32
      %gt3A_132 = arith.cmpi sgt, %scan3A_127, %gt3A : i32
      %convert_element_type3A = arith.extui %gt3A_132 : i1 to i32
      %cond3A = arith.constant 0 : i32
      %cond3A_133 = arith.cmpi ne, %convert_element_type3A, %cond3A : i32
      scf.if %cond3A_133 {
        %sub3A_213 = arith.constant 1 : i32
        %sub3A_214 = arith.subi %add3A_131, %sub3A_213 : i32
        %dma_wait3A_215 = arith.constant 0 : i32
        %dma_wait3A_216 = tpu.memref_slice %arg7[%sub3A_214, %dma_wait3A_215] : memref<24x112xi32, #tpu.memory_space<vmem>> -> memref<1x112xi32, #tpu.memory_space<vmem>>
        %dma_wait3A_217 = tpu.memref_squeeze %dma_wait3A_216 : memref<1x112xi32, #tpu.memory_space<vmem>> -> memref<112xi32, #tpu.memory_space<vmem>>
        %dma_wait3A_218 = arith.constant 0 : i32
        %dma_wait3A_219 = arith.constant 0 : i32
        %dma_wait3A_220 = tpu.memref_slice %arg11[%dma_wait3A_218, %dma_wait3A_219] : memref<10112x128xf32, #tpu.memory_space<vmem_shared>> -> memref<10112x128xf32, #tpu.memory_space<vmem_shared>>
        tpu.wait_indirect_dma semaphore(%arg17 : memref<!tpu.dma_semaphore, #tpu.memory_space<semaphore_mem>>) src(%arg10 : memref<112x128xf32, #tpu.memory_space<vmem>>) dst(%dma_wait3A_220 : memref<10112x128xf32, #tpu.memory_space<vmem_shared>>)
      } else {
      }
      %add3A_134 = arith.constant 2 : i32
      %add3A_135 = arith.addi %add3A_131, %add3A_134 : i32
      %lt3A = arith.constant 24 : i32
      %lt3A_136 = arith.cmpi slt, %add3A_135, %lt3A : i32
      %convert_element_type3A_137 = arith.extui %lt3A_136 : i1 to i32
      %cond3A_138 = arith.constant 0 : i32
      %cond3A_139 = arith.cmpi ne, %convert_element_type3A_137, %cond3A_138 : i32
      scf.if %cond3A_139 {
        %add3A_213 = arith.constant 2 : i32
        %add3A_214 = arith.addi %add3A_131, %add3A_213 : i32
        %dma_start3A_215 = arith.constant 0 : i32
        %dma_start3A_216 = tpu.memref_slice %arg6[%add3A_214, %dma_start3A_215] : memref<24x112xi32, #tpu.memory_space<vmem>> -> memref<1x112xi32, #tpu.memory_space<vmem>>
        %dma_start3A_217 = tpu.memref_squeeze %dma_start3A_216 : memref<1x112xi32, #tpu.memory_space<vmem>> -> memref<112xi32, #tpu.memory_space<vmem>>
        %dma_start3A_218 = arith.constant 0 : i32
        %dma_start3A_219 = arith.constant 0 : i32
        %dma_start3A_220 = tpu.memref_slice %arg2[%dma_start3A_218, %dma_start3A_219] : memref<10000x128xf32, #tpu.memory_space<hbm>> -> memref<10000x128xf32, #tpu.memory_space<hbm>>
        tpu.enqueue_indirect_dma source(%dma_start3A_220 : memref<10000x128xf32, #tpu.memory_space<hbm>>) target(%arg10 : memref<112x128xf32, #tpu.memory_space<vmem>>) offsets(%dma_start3A_217 : memref<112xi32, #tpu.memory_space<vmem>>) semaphore(%arg14 : memref<!tpu.dma_semaphore, #tpu.memory_space<semaphore_mem>>)
      } else {
      }
      %dma_wait3A_140 = arith.constant 0 : i32
      %dma_wait3A_141 = tpu.memref_slice %arg6[%add3A_131, %dma_wait3A_140] : memref<24x112xi32, #tpu.memory_space<vmem>> -> memref<1x112xi32, #tpu.memory_space<vmem>>
      %dma_wait3A_142 = tpu.memref_squeeze %dma_wait3A_141 : memref<1x112xi32, #tpu.memory_space<vmem>> -> memref<112xi32, #tpu.memory_space<vmem>>
      %dma_wait3A_143 = arith.constant 0 : i32
      %dma_wait3A_144 = arith.constant 0 : i32
      %dma_wait3A_145 = tpu.memref_slice %arg2[%dma_wait3A_143, %dma_wait3A_144] : memref<10000x128xf32, #tpu.memory_space<hbm>> -> memref<10000x128xf32, #tpu.memory_space<hbm>>
      tpu.wait_indirect_dma semaphore(%arg12 : memref<!tpu.dma_semaphore, #tpu.memory_space<semaphore_mem>>) src(%dma_wait3A_145 : memref<10000x128xf32, #tpu.memory_space<hbm>>) dst(%arg8 : memref<112x128xf32, #tpu.memory_space<vmem>>)
      %dma_start3A_146 = arith.constant 0 : i32
      %dma_start3A_147 = tpu.memref_slice %arg7[%add3A_131, %dma_start3A_146] : memref<24x112xi32, #tpu.memory_space<vmem>> -> memref<1x112xi32, #tpu.memory_space<vmem>>
      %dma_start3A_148 = tpu.memref_squeeze %dma_start3A_147 : memref<1x112xi32, #tpu.memory_space<vmem>> -> memref<112xi32, #tpu.memory_space<vmem>>
      %dma_start3A_149 = arith.constant 0 : i32
      %dma_start3A_150 = arith.constant 0 : i32
      %dma_start3A_151 = tpu.memref_slice %arg11[%dma_start3A_149, %dma_start3A_150] : memref<10112x128xf32, #tpu.memory_space<vmem_shared>> -> memref<10112x128xf32, #tpu.memory_space<vmem_shared>>
      tpu.enqueue_indirect_dma source(%arg8 : memref<112x128xf32, #tpu.memory_space<vmem>>) target(%dma_start3A_151 : memref<10112x128xf32, #tpu.memory_space<vmem_shared>>) offsets(%dma_start3A_148 : memref<112xi32, #tpu.memory_space<vmem>>) semaphore(%arg15 : memref<!tpu.dma_semaphore, #tpu.memory_space<semaphore_mem>>) {add = true}
      %mul3A_152 = arith.constant 3 : i32
      %mul3A_153 = arith.muli %mul3A_152, %scan3A_127 : i32
      %add3A_154 = arith.constant 1 : i32
      %add3A_155 = arith.addi %mul3A_153, %add3A_154 : i32
      %sub3A = arith.constant 1 : i32
      %sub3A_156 = arith.subi %add3A_155, %sub3A : i32
      %dma_wait3A_157 = arith.constant 0 : i32
      %dma_wait3A_158 = tpu.memref_slice %arg7[%sub3A_156, %dma_wait3A_157] : memref<24x112xi32, #tpu.memory_space<vmem>> -> memref<1x112xi32, #tpu.memory_space<vmem>>
      %dma_wait3A_159 = tpu.memref_squeeze %dma_wait3A_158 : memref<1x112xi32, #tpu.memory_space<vmem>> -> memref<112xi32, #tpu.memory_space<vmem>>
      %dma_wait3A_160 = arith.constant 0 : i32
      %dma_wait3A_161 = arith.constant 0 : i32
      %dma_wait3A_162 = tpu.memref_slice %arg11[%dma_wait3A_160, %dma_wait3A_161] : memref<10112x128xf32, #tpu.memory_space<vmem_shared>> -> memref<10112x128xf32, #tpu.memory_space<vmem_shared>>
      tpu.wait_indirect_dma semaphore(%arg15 : memref<!tpu.dma_semaphore, #tpu.memory_space<semaphore_mem>>) src(%arg8 : memref<112x128xf32, #tpu.memory_space<vmem>>) dst(%dma_wait3A_162 : memref<10112x128xf32, #tpu.memory_space<vmem_shared>>)
      %add3A_163 = arith.constant 2 : i32
      %add3A_164 = arith.addi %add3A_155, %add3A_163 : i32
      %lt3A_165 = arith.constant 24 : i32
      %lt3A_166 = arith.cmpi slt, %add3A_164, %lt3A_165 : i32
      %convert_element_type3A_167 = arith.extui %lt3A_166 : i1 to i32
      %cond3A_168 = arith.constant 0 : i32
      %cond3A_169 = arith.cmpi ne, %convert_element_type3A_167, %cond3A_168 : i32
      scf.if %cond3A_169 {
        %add3A_213 = arith.constant 2 : i32
        %add3A_214 = arith.addi %add3A_155, %add3A_213 : i32
        %dma_start3A_215 = arith.constant 0 : i32
        %dma_start3A_216 = tpu.memref_slice %arg6[%add3A_214, %dma_start3A_215] : memref<24x112xi32, #tpu.memory_space<vmem>> -> memref<1x112xi32, #tpu.memory_space<vmem>>
        %dma_start3A_217 = tpu.memref_squeeze %dma_start3A_216 : memref<1x112xi32, #tpu.memory_space<vmem>> -> memref<112xi32, #tpu.memory_space<vmem>>
        %dma_start3A_218 = arith.constant 0 : i32
        %dma_start3A_219 = arith.constant 0 : i32
        %dma_start3A_220 = tpu.memref_slice %arg2[%dma_start3A_218, %dma_start3A_219] : memref<10000x128xf32, #tpu.memory_space<hbm>> -> memref<10000x128xf32, #tpu.memory_space<hbm>>
        tpu.enqueue_indirect_dma source(%dma_start3A_220 : memref<10000x128xf32, #tpu.memory_space<hbm>>) target(%arg8 : memref<112x128xf32, #tpu.memory_space<vmem>>) offsets(%dma_start3A_217 : memref<112xi32, #tpu.memory_space<vmem>>) semaphore(%arg12 : memref<!tpu.dma_semaphore, #tpu.memory_space<semaphore_mem>>)
      } else {
      }
      %dma_wait3A_170 = arith.constant 0 : i32
      %dma_wait3A_171 = tpu.memref_slice %arg6[%add3A_155, %dma_wait3A_170] : memref<24x112xi32, #tpu.memory_space<vmem>> -> memref<1x112xi32, #tpu.memory_space<vmem>>
      %dma_wait3A_172 = tpu.memref_squeeze %dma_wait3A_171 : memref<1x112xi32, #tpu.memory_space<vmem>> -> memref<112xi32, #tpu.memory_space<vmem>>
      %dma_wait3A_173 = arith.constant 0 : i32
      %dma_wait3A_174 = arith.constant 0 : i32
      %dma_wait3A_175 = tpu.memref_slice %arg2[%dma_wait3A_173, %dma_wait3A_174] : memref<10000x128xf32, #tpu.memory_space<hbm>> -> memref<10000x128xf32, #tpu.memory_space<hbm>>
      tpu.wait_indirect_dma semaphore(%arg13 : memref<!tpu.dma_semaphore, #tpu.memory_space<semaphore_mem>>) src(%dma_wait3A_175 : memref<10000x128xf32, #tpu.memory_space<hbm>>) dst(%arg9 : memref<112x128xf32, #tpu.memory_space<vmem>>)
      %dma_start3A_176 = arith.constant 0 : i32
      %dma_start3A_177 = tpu.memref_slice %arg7[%add3A_155, %dma_start3A_176] : memref<24x112xi32, #tpu.memory_space<vmem>> -> memref<1x112xi32, #tpu.memory_space<vmem>>
      %dma_start3A_178 = tpu.memref_squeeze %dma_start3A_177 : memref<1x112xi32, #tpu.memory_space<vmem>> -> memref<112xi32, #tpu.memory_space<vmem>>
      %dma_start3A_179 = arith.constant 0 : i32
      %dma_start3A_180 = arith.constant 0 : i32
      %dma_start3A_181 = tpu.memref_slice %arg11[%dma_start3A_179, %dma_start3A_180] : memref<10112x128xf32, #tpu.memory_space<vmem_shared>> -> memref<10112x128xf32, #tpu.memory_space<vmem_shared>>
      tpu.enqueue_indirect_dma source(%arg9 : memref<112x128xf32, #tpu.memory_space<vmem>>) target(%dma_start3A_181 : memref<10112x128xf32, #tpu.memory_space<vmem_shared>>) offsets(%dma_start3A_178 : memref<112xi32, #tpu.memory_space<vmem>>) semaphore(%arg16 : memref<!tpu.dma_semaphore, #tpu.memory_space<semaphore_mem>>) {add = true}
      %mul3A_182 = arith.constant 3 : i32
      %mul3A_183 = arith.muli %mul3A_182, %scan3A_127 : i32
      %add3A_184 = arith.constant 2 : i32
      %add3A_185 = arith.addi %mul3A_183, %add3A_184 : i32
      %sub3A_186 = arith.constant 1 : i32
      %sub3A_187 = arith.subi %add3A_185, %sub3A_186 : i32
      %dma_wait3A_188 = arith.constant 0 : i32
      %dma_wait3A_189 = tpu.memref_slice %arg7[%sub3A_187, %dma_wait3A_188] : memref<24x112xi32, #tpu.memory_space<vmem>> -> memref<1x112xi32, #tpu.memory_space<vmem>>
      %dma_wait3A_190 = tpu.memref_squeeze %dma_wait3A_189 : memref<1x112xi32, #tpu.memory_space<vmem>> -> memref<112xi32, #tpu.memory_space<vmem>>
      %dma_wait3A_191 = arith.constant 0 : i32
      %dma_wait3A_192 = arith.constant 0 : i32
      %dma_wait3A_193 = tpu.memref_slice %arg11[%dma_wait3A_191, %dma_wait3A_192] : memref<10112x128xf32, #tpu.memory_space<vmem_shared>> -> memref<10112x128xf32, #tpu.memory_space<vmem_shared>>
      tpu.wait_indirect_dma semaphore(%arg16 : memref<!tpu.dma_semaphore, #tpu.memory_space<semaphore_mem>>) src(%arg9 : memref<112x128xf32, #tpu.memory_space<vmem>>) dst(%dma_wait3A_193 : memref<10112x128xf32, #tpu.memory_space<vmem_shared>>)
      %add3A_194 = arith.constant 2 : i32
      %add3A_195 = arith.addi %add3A_185, %add3A_194 : i32
      %lt3A_196 = arith.constant 24 : i32
      %lt3A_197 = arith.cmpi slt, %add3A_195, %lt3A_196 : i32
      %convert_element_type3A_198 = arith.extui %lt3A_197 : i1 to i32
      %cond3A_199 = arith.constant 0 : i32
      %cond3A_200 = arith.cmpi ne, %convert_element_type3A_198, %cond3A_199 : i32
      scf.if %cond3A_200 {
        %add3A_213 = arith.constant 2 : i32
        %add3A_214 = arith.addi %add3A_185, %add3A_213 : i32
        %dma_start3A_215 = arith.constant 0 : i32
        %dma_start3A_216 = tpu.memref_slice %arg6[%add3A_214, %dma_start3A_215] : memref<24x112xi32, #tpu.memory_space<vmem>> -> memref<1x112xi32, #tpu.memory_space<vmem>>
        %dma_start3A_217 = tpu.memref_squeeze %dma_start3A_216 : memref<1x112xi32, #tpu.memory_space<vmem>> -> memref<112xi32, #tpu.memory_space<vmem>>
        %dma_start3A_218 = arith.constant 0 : i32
        %dma_start3A_219 = arith.constant 0 : i32
        %dma_start3A_220 = tpu.memref_slice %arg2[%dma_start3A_218, %dma_start3A_219] : memref<10000x128xf32, #tpu.memory_space<hbm>> -> memref<10000x128xf32, #tpu.memory_space<hbm>>
        tpu.enqueue_indirect_dma source(%dma_start3A_220 : memref<10000x128xf32, #tpu.memory_space<hbm>>) target(%arg9 : memref<112x128xf32, #tpu.memory_space<vmem>>) offsets(%dma_start3A_217 : memref<112xi32, #tpu.memory_space<vmem>>) semaphore(%arg13 : memref<!tpu.dma_semaphore, #tpu.memory_space<semaphore_mem>>)
      } else {
      }
      %dma_wait3A_201 = arith.constant 0 : i32
      %dma_wait3A_202 = tpu.memref_slice %arg6[%add3A_185, %dma_wait3A_201] : memref<24x112xi32, #tpu.memory_space<vmem>> -> memref<1x112xi32, #tpu.memory_space<vmem>>
      %dma_wait3A_203 = tpu.memref_squeeze %dma_wait3A_202 : memref<1x112xi32, #tpu.memory_space<vmem>> -> memref<112xi32, #tpu.memory_space<vmem>>
      %dma_wait3A_204 = arith.constant 0 : i32
      %dma_wait3A_205 = arith.constant 0 : i32
      %dma_wait3A_206 = tpu.memref_slice %arg2[%dma_wait3A_204, %dma_wait3A_205] : memref<10000x128xf32, #tpu.memory_space<hbm>> -> memref<10000x128xf32, #tpu.memory_space<hbm>>
      tpu.wait_indirect_dma semaphore(%arg14 : memref<!tpu.dma_semaphore, #tpu.memory_space<semaphore_mem>>) src(%dma_wait3A_206 : memref<10000x128xf32, #tpu.memory_space<hbm>>) dst(%arg10 : memref<112x128xf32, #tpu.memory_space<vmem>>)
      %dma_start3A_207 = arith.constant 0 : i32
      %dma_start3A_208 = tpu.memref_slice %arg7[%add3A_185, %dma_start3A_207] : memref<24x112xi32, #tpu.memory_space<vmem>> -> memref<1x112xi32, #tpu.memory_space<vmem>>
      %dma_start3A_209 = tpu.memref_squeeze %dma_start3A_208 : memref<1x112xi32, #tpu.memory_space<vmem>> -> memref<112xi32, #tpu.memory_space<vmem>>
      %dma_start3A_210 = arith.constant 0 : i32
      %dma_start3A_211 = arith.constant 0 : i32
      %dma_start3A_212 = tpu.memref_slice %arg11[%dma_start3A_210, %dma_start3A_211] : memref<10112x128xf32, #tpu.memory_space<vmem_shared>> -> memref<10112x128xf32, #tpu.memory_space<vmem_shared>>
      tpu.enqueue_indirect_dma source(%arg10 : memref<112x128xf32, #tpu.memory_space<vmem>>) target(%dma_start3A_212 : memref<10112x128xf32, #tpu.memory_space<vmem_shared>>) offsets(%dma_start3A_209 : memref<112xi32, #tpu.memory_space<vmem>>) semaphore(%arg17 : memref<!tpu.dma_semaphore, #tpu.memory_space<semaphore_mem>>) {add = true}
    }
    %scan3A_87 = arith.constant 8 : i32
    %dma_wait3A_88 = arith.constant 23 : i32
    %dma_wait3A_89 = arith.constant 0 : i32
    %dma_wait3A_90 = tpu.memref_slice %arg7[%dma_wait3A_88, %dma_wait3A_89] : memref<24x112xi32, #tpu.memory_space<vmem>> -> memref<1x112xi32, #tpu.memory_space<vmem>>
    %dma_wait3A_91 = tpu.memref_squeeze %dma_wait3A_90 : memref<1x112xi32, #tpu.memory_space<vmem>> -> memref<112xi32, #tpu.memory_space<vmem>>
    %dma_wait3A_92 = arith.constant 0 : i32
    %dma_wait3A_93 = arith.constant 0 : i32
    %dma_wait3A_94 = tpu.memref_slice %arg11[%dma_wait3A_92, %dma_wait3A_93] : memref<10112x128xf32, #tpu.memory_space<vmem_shared>> -> memref<10112x128xf32, #tpu.memory_space<vmem_shared>>
    tpu.wait_indirect_dma semaphore(%arg17 : memref<!tpu.dma_semaphore, #tpu.memory_space<semaphore_mem>>) src(%arg10 : memref<112x128xf32, #tpu.memory_space<vmem>>) dst(%dma_wait3A_94 : memref<10112x128xf32, #tpu.memory_space<vmem_shared>>)
    "tpu.region"() ({
      %run_scoped3A = tpu.sem_alloc : memref<!tpu.dma_semaphore, #tpu.memory_space<semaphore_mem>>
      %dma_start3A_127 = arith.constant 0 : i32
      %dma_start3A_128 = arith.constant 0 : i32
      %dma_start3A_129 = tpu.memref_slice %arg6[%dma_start3A_127, %dma_start3A_128] : memref<24x112xi32, #tpu.memory_space<vmem>> -> memref<18x112xi32, #tpu.memory_space<vmem>>
      %dma_start3A_130 = arith.constant 72 : i32
      %dma_start3A_131 = arith.constant 0 : i32
      %dma_start3A_132 = tpu.memref_slice %arg3[%add3A, %dma_start3A_130, %dma_start3A_131] : memref<32x90x112xi32, #tpu.memory_space<hbm>> -> memref<1x18x112xi32, #tpu.memory_space<hbm>>
      %dma_start3A_133 = tpu.memref_squeeze %dma_start3A_132 : memref<1x18x112xi32, #tpu.memory_space<hbm>> -> memref<18x112xi32, #tpu.memory_space<hbm>>
      %dma_start3A_134 = arith.constant 0 : i32
      %dma_start3A_135 = arith.constant 0 : i32
      %dma_start3A_136 = tpu.memref_slice %arg6[%dma_start3A_134, %dma_start3A_135] : memref<24x112xi32, #tpu.memory_space<vmem>> -> memref<18x112xi32, #tpu.memory_space<vmem>>
      %dma_start3A_137 = arith.constant 72 : i32
      %dma_start3A_138 = arith.constant 0 : i32
      %dma_start3A_139 = tpu.memref_slice %arg3[%add3A, %dma_start3A_137, %dma_start3A_138] : memref<32x90x112xi32, #tpu.memory_space<hbm>> -> memref<1x18x112xi32, #tpu.memory_space<hbm>>
      %dma_start3A_140 = tpu.memref_squeeze %dma_start3A_139 : memref<1x18x112xi32, #tpu.memory_space<hbm>> -> memref<18x112xi32, #tpu.memory_space<hbm>>
      tpu.enqueue_dma source(%dma_start3A_140 : memref<18x112xi32, #tpu.memory_space<hbm>>) target(%dma_start3A_136 : memref<18x112xi32, #tpu.memory_space<vmem>>) target_semaphore(%run_scoped3A : memref<!tpu.dma_semaphore, #tpu.memory_space<semaphore_mem>>)
      %dma_wait3A_141 = arith.constant 0 : i32
      %dma_wait3A_142 = arith.constant 0 : i32
      %dma_wait3A_143 = tpu.memref_slice %arg6[%dma_wait3A_141, %dma_wait3A_142] : memref<24x112xi32, #tpu.memory_space<vmem>> -> memref<18x112xi32, #tpu.memory_space<vmem>>
      %dma_wait3A_144 = arith.constant 72 : i32
      %dma_wait3A_145 = arith.constant 0 : i32
      %dma_wait3A_146 = tpu.memref_slice %arg3[%add3A, %dma_wait3A_144, %dma_wait3A_145] : memref<32x90x112xi32, #tpu.memory_space<hbm>> -> memref<1x18x112xi32, #tpu.memory_space<hbm>>
      %dma_wait3A_147 = tpu.memref_squeeze %dma_wait3A_146 : memref<1x18x112xi32, #tpu.memory_space<hbm>> -> memref<18x112xi32, #tpu.memory_space<hbm>>
      %dma_wait3A_148 = arith.constant 0 : i32
      %dma_wait3A_149 = arith.constant 0 : i32
      %dma_wait3A_150 = tpu.memref_slice %arg6[%dma_wait3A_148, %dma_wait3A_149] : memref<24x112xi32, #tpu.memory_space<vmem>> -> memref<18x112xi32, #tpu.memory_space<vmem>>
      %dma_wait3A_151 = arith.constant 72 : i32
      %dma_wait3A_152 = arith.constant 0 : i32
      %dma_wait3A_153 = tpu.memref_slice %arg3[%add3A, %dma_wait3A_151, %dma_wait3A_152] : memref<32x90x112xi32, #tpu.memory_space<hbm>> -> memref<1x18x112xi32, #tpu.memory_space<hbm>>
      %dma_wait3A_154 = tpu.memref_squeeze %dma_wait3A_153 : memref<1x18x112xi32, #tpu.memory_space<hbm>> -> memref<18x112xi32, #tpu.memory_space<hbm>>
      tpu.wait_dma2 semaphore(%run_scoped3A : memref<!tpu.dma_semaphore, #tpu.memory_space<semaphore_mem>>) src(%dma_wait3A_154 : memref<18x112xi32, #tpu.memory_space<hbm>>) dst(%dma_wait3A_150 : memref<18x112xi32, #tpu.memory_space<vmem>>)
      tpu.yield
    }) : () -> ()
    "tpu.region"() ({
      %run_scoped3A = tpu.sem_alloc : memref<!tpu.dma_semaphore, #tpu.memory_space<semaphore_mem>>
      %dma_start3A_127 = arith.constant 0 : i32
      %dma_start3A_128 = arith.constant 0 : i32
      %dma_start3A_129 = tpu.memref_slice %arg7[%dma_start3A_127, %dma_start3A_128] : memref<24x112xi32, #tpu.memory_space<vmem>> -> memref<18x112xi32, #tpu.memory_space<vmem>>
      %dma_start3A_130 = arith.constant 72 : i32
      %dma_start3A_131 = arith.constant 0 : i32
      %dma_start3A_132 = tpu.memref_slice %arg4[%add3A, %dma_start3A_130, %dma_start3A_131] : memref<32x90x112xi32, #tpu.memory_space<hbm>> -> memref<1x18x112xi32, #tpu.memory_space<hbm>>
      %dma_start3A_133 = tpu.memref_squeeze %dma_start3A_132 : memref<1x18x112xi32, #tpu.memory_space<hbm>> -> memref<18x112xi32, #tpu.memory_space<hbm>>
      %dma_start3A_134 = arith.constant 0 : i32
      %dma_start3A_135 = arith.constant 0 : i32
      %dma_start3A_136 = tpu.memref_slice %arg7[%dma_start3A_134, %dma_start3A_135] : memref<24x112xi32, #tpu.memory_space<vmem>> -> memref<18x112xi32, #tpu.memory_space<vmem>>
      %dma_start3A_137 = arith.constant 72 : i32
      %dma_start3A_138 = arith.constant 0 : i32
      %dma_start3A_139 = tpu.memref_slice %arg4[%add3A, %dma_start3A_137, %dma_start3A_138] : memref<32x90x112xi32, #tpu.memory_space<hbm>> -> memref<1x18x112xi32, #tpu.memory_space<hbm>>
      %dma_start3A_140 = tpu.memref_squeeze %dma_start3A_139 : memref<1x18x112xi32, #tpu.memory_space<hbm>> -> memref<18x112xi32, #tpu.memory_space<hbm>>
      tpu.enqueue_dma source(%dma_start3A_140 : memref<18x112xi32, #tpu.memory_space<hbm>>) target(%dma_start3A_136 : memref<18x112xi32, #tpu.memory_space<vmem>>) target_semaphore(%run_scoped3A : memref<!tpu.dma_semaphore, #tpu.memory_space<semaphore_mem>>)
      %dma_wait3A_141 = arith.constant 0 : i32
      %dma_wait3A_142 = arith.constant 0 : i32
      %dma_wait3A_143 = tpu.memref_slice %arg7[%dma_wait3A_141, %dma_wait3A_142] : memref<24x112xi32, #tpu.memory_space<vmem>> -> memref<18x112xi32, #tpu.memory_space<vmem>>
      %dma_wait3A_144 = arith.constant 72 : i32
      %dma_wait3A_145 = arith.constant 0 : i32
      %dma_wait3A_146 = tpu.memref_slice %arg4[%add3A, %dma_wait3A_144, %dma_wait3A_145] : memref<32x90x112xi32, #tpu.memory_space<hbm>> -> memref<1x18x112xi32, #tpu.memory_space<hbm>>
      %dma_wait3A_147 = tpu.memref_squeeze %dma_wait3A_146 : memref<1x18x112xi32, #tpu.memory_space<hbm>> -> memref<18x112xi32, #tpu.memory_space<hbm>>
      %dma_wait3A_148 = arith.constant 0 : i32
      %dma_wait3A_149 = arith.constant 0 : i32
      %dma_wait3A_150 = tpu.memref_slice %arg7[%dma_wait3A_148, %dma_wait3A_149] : memref<24x112xi32, #tpu.memory_space<vmem>> -> memref<18x112xi32, #tpu.memory_space<vmem>>
      %dma_wait3A_151 = arith.constant 72 : i32
      %dma_wait3A_152 = arith.constant 0 : i32
      %dma_wait3A_153 = tpu.memref_slice %arg4[%add3A, %dma_wait3A_151, %dma_wait3A_152] : memref<32x90x112xi32, #tpu.memory_space<hbm>> -> memref<1x18x112xi32, #tpu.memory_space<hbm>>
      %dma_wait3A_154 = tpu.memref_squeeze %dma_wait3A_153 : memref<1x18x112xi32, #tpu.memory_space<hbm>> -> memref<18x112xi32, #tpu.memory_space<hbm>>
      tpu.wait_dma2 semaphore(%run_scoped3A : memref<!tpu.dma_semaphore, #tpu.memory_space<semaphore_mem>>) src(%dma_wait3A_154 : memref<18x112xi32, #tpu.memory_space<hbm>>) dst(%dma_wait3A_150 : memref<18x112xi32, #tpu.memory_space<vmem>>)
      tpu.yield
    }) : () -> ()
    %dma_start3A_95 = arith.constant 0 : i32
    %dma_start3A_96 = arith.constant 0 : i32
    %dma_start3A_97 = tpu.memref_slice %arg6[%dma_start3A_95, %dma_start3A_96] : memref<24x112xi32, #tpu.memory_space<vmem>> -> memref<1x112xi32, #tpu.memory_space<vmem>>
    %dma_start3A_98 = tpu.memref_squeeze %dma_start3A_97 : memref<1x112xi32, #tpu.memory_space<vmem>> -> memref<112xi32, #tpu.memory_space<vmem>>
    %dma_start3A_99 = arith.constant 0 : i32
    %dma_start3A_100 = arith.constant 0 : i32
    %dma_start3A_101 = tpu.memref_slice %arg2[%dma_start3A_99, %dma_start3A_100] : memref<10000x128xf32, #tpu.memory_space<hbm>> -> memref<10000x128xf32, #tpu.memory_space<hbm>>
    tpu.enqueue_indirect_dma source(%dma_start3A_101 : memref<10000x128xf32, #tpu.memory_space<hbm>>) target(%arg8 : memref<112x128xf32, #tpu.memory_space<vmem>>) offsets(%dma_start3A_98 : memref<112xi32, #tpu.memory_space<vmem>>) semaphore(%arg12 : memref<!tpu.dma_semaphore, #tpu.memory_space<semaphore_mem>>)
    %dma_start3A_102 = arith.constant 1 : i32
    %dma_start3A_103 = arith.constant 0 : i32
    %dma_start3A_104 = tpu.memref_slice %arg6[%dma_start3A_102, %dma_start3A_103] : memref<24x112xi32, #tpu.memory_space<vmem>> -> memref<1x112xi32, #tpu.memory_space<vmem>>
    %dma_start3A_105 = tpu.memref_squeeze %dma_start3A_104 : memref<1x112xi32, #tpu.memory_space<vmem>> -> memref<112xi32, #tpu.memory_space<vmem>>
    %dma_start3A_106 = arith.constant 0 : i32
    %dma_start3A_107 = arith.constant 0 : i32
    %dma_start3A_108 = tpu.memref_slice %arg2[%dma_start3A_106, %dma_start3A_107] : memref<10000x128xf32, #tpu.memory_space<hbm>> -> memref<10000x128xf32, #tpu.memory_space<hbm>>
    tpu.enqueue_indirect_dma source(%dma_start3A_108 : memref<10000x128xf32, #tpu.memory_space<hbm>>) target(%arg9 : memref<112x128xf32, #tpu.memory_space<vmem>>) offsets(%dma_start3A_105 : memref<112xi32, #tpu.memory_space<vmem>>) semaphore(%arg13 : memref<!tpu.dma_semaphore, #tpu.memory_space<semaphore_mem>>)
    %scan3A_109 = arith.constant 0 : i32
    %scan3A_110 = arith.constant 0 : i32
    %scan3A_111 = arith.constant 6 : i32
    %scan3A_112 = arith.addi %scan3A_110, %scan3A_111 : i32
    %scan3A_113 = arith.constant 1 : i32
    scf.for %scan3A_127 = %scan3A_110 to %scan3A_112 step %scan3A_113  : i32 {
      %mul3A_128 = arith.constant 3 : i32
      %mul3A_129 = arith.muli %mul3A_128, %scan3A_127 : i32
      %add3A_130 = arith.constant 0 : i32
      %add3A_131 = arith.addi %mul3A_129, %add3A_130 : i32
      %gt3A = arith.constant 0 : i32
      %gt3A_132 = arith.cmpi sgt, %scan3A_127, %gt3A : i32
      %convert_element_type3A = arith.extui %gt3A_132 : i1 to i32
      %cond3A = arith.constant 0 : i32
      %cond3A_133 = arith.cmpi ne, %convert_element_type3A, %cond3A : i32
      scf.if %cond3A_133 {
        %sub3A_213 = arith.constant 1 : i32
        %sub3A_214 = arith.subi %add3A_131, %sub3A_213 : i32
        %dma_wait3A_215 = arith.constant 0 : i32
        %dma_wait3A_216 = tpu.memref_slice %arg7[%sub3A_214, %dma_wait3A_215] : memref<24x112xi32, #tpu.memory_space<vmem>> -> memref<1x112xi32, #tpu.memory_space<vmem>>
        %dma_wait3A_217 = tpu.memref_squeeze %dma_wait3A_216 : memref<1x112xi32, #tpu.memory_space<vmem>> -> memref<112xi32, #tpu.memory_space<vmem>>
        %dma_wait3A_218 = arith.constant 0 : i32
        %dma_wait3A_219 = arith.constant 0 : i32
        %dma_wait3A_220 = tpu.memref_slice %arg11[%dma_wait3A_218, %dma_wait3A_219] : memref<10112x128xf32, #tpu.memory_space<vmem_shared>> -> memref<10112x128xf32, #tpu.memory_space<vmem_shared>>
        tpu.wait_indirect_dma semaphore(%arg17 : memref<!tpu.dma_semaphore, #tpu.memory_space<semaphore_mem>>) src(%arg10 : memref<112x128xf32, #tpu.memory_space<vmem>>) dst(%dma_wait3A_220 : memref<10112x128xf32, #tpu.memory_space<vmem_shared>>)
      } else {
      }
      %add3A_134 = arith.constant 2 : i32
      %add3A_135 = arith.addi %add3A_131, %add3A_134 : i32
      %lt3A = arith.constant 18 : i32
      %lt3A_136 = arith.cmpi slt, %add3A_135, %lt3A : i32
      %convert_element_type3A_137 = arith.extui %lt3A_136 : i1 to i32
      %cond3A_138 = arith.constant 0 : i32
      %cond3A_139 = arith.cmpi ne, %convert_element_type3A_137, %cond3A_138 : i32
      scf.if %cond3A_139 {
        %add3A_213 = arith.constant 2 : i32
        %add3A_214 = arith.addi %add3A_131, %add3A_213 : i32
        %dma_start3A_215 = arith.constant 0 : i32
        %dma_start3A_216 = tpu.memref_slice %arg6[%add3A_214, %dma_start3A_215] : memref<24x112xi32, #tpu.memory_space<vmem>> -> memref<1x112xi32, #tpu.memory_space<vmem>>
        %dma_start3A_217 = tpu.memref_squeeze %dma_start3A_216 : memref<1x112xi32, #tpu.memory_space<vmem>> -> memref<112xi32, #tpu.memory_space<vmem>>
        %dma_start3A_218 = arith.constant 0 : i32
        %dma_start3A_219 = arith.constant 0 : i32
        %dma_start3A_220 = tpu.memref_slice %arg2[%dma_start3A_218, %dma_start3A_219] : memref<10000x128xf32, #tpu.memory_space<hbm>> -> memref<10000x128xf32, #tpu.memory_space<hbm>>
        tpu.enqueue_indirect_dma source(%dma_start3A_220 : memref<10000x128xf32, #tpu.memory_space<hbm>>) target(%arg10 : memref<112x128xf32, #tpu.memory_space<vmem>>) offsets(%dma_start3A_217 : memref<112xi32, #tpu.memory_space<vmem>>) semaphore(%arg14 : memref<!tpu.dma_semaphore, #tpu.memory_space<semaphore_mem>>)
      } else {
      }
      %dma_wait3A_140 = arith.constant 0 : i32
      %dma_wait3A_141 = tpu.memref_slice %arg6[%add3A_131, %dma_wait3A_140] : memref<24x112xi32, #tpu.memory_space<vmem>> -> memref<1x112xi32, #tpu.memory_space<vmem>>
      %dma_wait3A_142 = tpu.memref_squeeze %dma_wait3A_141 : memref<1x112xi32, #tpu.memory_space<vmem>> -> memref<112xi32, #tpu.memory_space<vmem>>
      %dma_wait3A_143 = arith.constant 0 : i32
      %dma_wait3A_144 = arith.constant 0 : i32
      %dma_wait3A_145 = tpu.memref_slice %arg2[%dma_wait3A_143, %dma_wait3A_144] : memref<10000x128xf32, #tpu.memory_space<hbm>> -> memref<10000x128xf32, #tpu.memory_space<hbm>>
      tpu.wait_indirect_dma semaphore(%arg12 : memref<!tpu.dma_semaphore, #tpu.memory_space<semaphore_mem>>) src(%dma_wait3A_145 : memref<10000x128xf32, #tpu.memory_space<hbm>>) dst(%arg8 : memref<112x128xf32, #tpu.memory_space<vmem>>)
      %dma_start3A_146 = arith.constant 0 : i32
      %dma_start3A_147 = tpu.memref_slice %arg7[%add3A_131, %dma_start3A_146] : memref<24x112xi32, #tpu.memory_space<vmem>> -> memref<1x112xi32, #tpu.memory_space<vmem>>
      %dma_start3A_148 = tpu.memref_squeeze %dma_start3A_147 : memref<1x112xi32, #tpu.memory_space<vmem>> -> memref<112xi32, #tpu.memory_space<vmem>>
      %dma_start3A_149 = arith.constant 0 : i32
      %dma_start3A_150 = arith.constant 0 : i32
      %dma_start3A_151 = tpu.memref_slice %arg11[%dma_start3A_149, %dma_start3A_150] : memref<10112x128xf32, #tpu.memory_space<vmem_shared>> -> memref<10112x128xf32, #tpu.memory_space<vmem_shared>>
      tpu.enqueue_indirect_dma source(%arg8 : memref<112x128xf32, #tpu.memory_space<vmem>>) target(%dma_start3A_151 : memref<10112x128xf32, #tpu.memory_space<vmem_shared>>) offsets(%dma_start3A_148 : memref<112xi32, #tpu.memory_space<vmem>>) semaphore(%arg15 : memref<!tpu.dma_semaphore, #tpu.memory_space<semaphore_mem>>) {add = true}
      %mul3A_152 = arith.constant 3 : i32
      %mul3A_153 = arith.muli %mul3A_152, %scan3A_127 : i32
      %add3A_154 = arith.constant 1 : i32
      %add3A_155 = arith.addi %mul3A_153, %add3A_154 : i32
      %sub3A = arith.constant 1 : i32
      %sub3A_156 = arith.subi %add3A_155, %sub3A : i32
      %dma_wait3A_157 = arith.constant 0 : i32
      %dma_wait3A_158 = tpu.memref_slice %arg7[%sub3A_156, %dma_wait3A_157] : memref<24x112xi32, #tpu.memory_space<vmem>> -> memref<1x112xi32, #tpu.memory_space<vmem>>
      %dma_wait3A_159 = tpu.memref_squeeze %dma_wait3A_158 : memref<1x112xi32, #tpu.memory_space<vmem>> -> memref<112xi32, #tpu.memory_space<vmem>>
      %dma_wait3A_160 = arith.constant 0 : i32
      %dma_wait3A_161 = arith.constant 0 : i32
      %dma_wait3A_162 = tpu.memref_slice %arg11[%dma_wait3A_160, %dma_wait3A_161] : memref<10112x128xf32, #tpu.memory_space<vmem_shared>> -> memref<10112x128xf32, #tpu.memory_space<vmem_shared>>
      tpu.wait_indirect_dma semaphore(%arg15 : memref<!tpu.dma_semaphore, #tpu.memory_space<semaphore_mem>>) src(%arg8 : memref<112x128xf32, #tpu.memory_space<vmem>>) dst(%dma_wait3A_162 : memref<10112x128xf32, #tpu.memory_space<vmem_shared>>)
      %add3A_163 = arith.constant 2 : i32
      %add3A_164 = arith.addi %add3A_155, %add3A_163 : i32
      %lt3A_165 = arith.constant 18 : i32
      %lt3A_166 = arith.cmpi slt, %add3A_164, %lt3A_165 : i32
      %convert_element_type3A_167 = arith.extui %lt3A_166 : i1 to i32
      %cond3A_168 = arith.constant 0 : i32
      %cond3A_169 = arith.cmpi ne, %convert_element_type3A_167, %cond3A_168 : i32
      scf.if %cond3A_169 {
        %add3A_213 = arith.constant 2 : i32
        %add3A_214 = arith.addi %add3A_155, %add3A_213 : i32
        %dma_start3A_215 = arith.constant 0 : i32
        %dma_start3A_216 = tpu.memref_slice %arg6[%add3A_214, %dma_start3A_215] : memref<24x112xi32, #tpu.memory_space<vmem>> -> memref<1x112xi32, #tpu.memory_space<vmem>>
        %dma_start3A_217 = tpu.memref_squeeze %dma_start3A_216 : memref<1x112xi32, #tpu.memory_space<vmem>> -> memref<112xi32, #tpu.memory_space<vmem>>
        %dma_start3A_218 = arith.constant 0 : i32
        %dma_start3A_219 = arith.constant 0 : i32
        %dma_start3A_220 = tpu.memref_slice %arg2[%dma_start3A_218, %dma_start3A_219] : memref<10000x128xf32, #tpu.memory_space<hbm>> -> memref<10000x128xf32, #tpu.memory_space<hbm>>
        tpu.enqueue_indirect_dma source(%dma_start3A_220 : memref<10000x128xf32, #tpu.memory_space<hbm>>) target(%arg8 : memref<112x128xf32, #tpu.memory_space<vmem>>) offsets(%dma_start3A_217 : memref<112xi32, #tpu.memory_space<vmem>>) semaphore(%arg12 : memref<!tpu.dma_semaphore, #tpu.memory_space<semaphore_mem>>)
      } else {
      }
      %dma_wait3A_170 = arith.constant 0 : i32
      %dma_wait3A_171 = tpu.memref_slice %arg6[%add3A_155, %dma_wait3A_170] : memref<24x112xi32, #tpu.memory_space<vmem>> -> memref<1x112xi32, #tpu.memory_space<vmem>>
      %dma_wait3A_172 = tpu.memref_squeeze %dma_wait3A_171 : memref<1x112xi32, #tpu.memory_space<vmem>> -> memref<112xi32, #tpu.memory_space<vmem>>
      %dma_wait3A_173 = arith.constant 0 : i32
      %dma_wait3A_174 = arith.constant 0 : i32
      %dma_wait3A_175 = tpu.memref_slice %arg2[%dma_wait3A_173, %dma_wait3A_174] : memref<10000x128xf32, #tpu.memory_space<hbm>> -> memref<10000x128xf32, #tpu.memory_space<hbm>>
      tpu.wait_indirect_dma semaphore(%arg13 : memref<!tpu.dma_semaphore, #tpu.memory_space<semaphore_mem>>) src(%dma_wait3A_175 : memref<10000x128xf32, #tpu.memory_space<hbm>>) dst(%arg9 : memref<112x128xf32, #tpu.memory_space<vmem>>)
      %dma_start3A_176 = arith.constant 0 : i32
      %dma_start3A_177 = tpu.memref_slice %arg7[%add3A_155, %dma_start3A_176] : memref<24x112xi32, #tpu.memory_space<vmem>> -> memref<1x112xi32, #tpu.memory_space<vmem>>
      %dma_start3A_178 = tpu.memref_squeeze %dma_start3A_177 : memref<1x112xi32, #tpu.memory_space<vmem>> -> memref<112xi32, #tpu.memory_space<vmem>>
      %dma_start3A_179 = arith.constant 0 : i32
      %dma_start3A_180 = arith.constant 0 : i32
      %dma_start3A_181 = tpu.memref_slice %arg11[%dma_start3A_179, %dma_start3A_180] : memref<10112x128xf32, #tpu.memory_space<vmem_shared>> -> memref<10112x128xf32, #tpu.memory_space<vmem_shared>>
      tpu.enqueue_indirect_dma source(%arg9 : memref<112x128xf32, #tpu.memory_space<vmem>>) target(%dma_start3A_181 : memref<10112x128xf32, #tpu.memory_space<vmem_shared>>) offsets(%dma_start3A_178 : memref<112xi32, #tpu.memory_space<vmem>>) semaphore(%arg16 : memref<!tpu.dma_semaphore, #tpu.memory_space<semaphore_mem>>) {add = true}
      %mul3A_182 = arith.constant 3 : i32
      %mul3A_183 = arith.muli %mul3A_182, %scan3A_127 : i32
      %add3A_184 = arith.constant 2 : i32
      %add3A_185 = arith.addi %mul3A_183, %add3A_184 : i32
      %sub3A_186 = arith.constant 1 : i32
      %sub3A_187 = arith.subi %add3A_185, %sub3A_186 : i32
      %dma_wait3A_188 = arith.constant 0 : i32
      %dma_wait3A_189 = tpu.memref_slice %arg7[%sub3A_187, %dma_wait3A_188] : memref<24x112xi32, #tpu.memory_space<vmem>> -> memref<1x112xi32, #tpu.memory_space<vmem>>
      %dma_wait3A_190 = tpu.memref_squeeze %dma_wait3A_189 : memref<1x112xi32, #tpu.memory_space<vmem>> -> memref<112xi32, #tpu.memory_space<vmem>>
      %dma_wait3A_191 = arith.constant 0 : i32
      %dma_wait3A_192 = arith.constant 0 : i32
      %dma_wait3A_193 = tpu.memref_slice %arg11[%dma_wait3A_191, %dma_wait3A_192] : memref<10112x128xf32, #tpu.memory_space<vmem_shared>> -> memref<10112x128xf32, #tpu.memory_space<vmem_shared>>
      tpu.wait_indirect_dma semaphore(%arg16 : memref<!tpu.dma_semaphore, #tpu.memory_space<semaphore_mem>>) src(%arg9 : memref<112x128xf32, #tpu.memory_space<vmem>>) dst(%dma_wait3A_193 : memref<10112x128xf32, #tpu.memory_space<vmem_shared>>)
      %add3A_194 = arith.constant 2 : i32
      %add3A_195 = arith.addi %add3A_185, %add3A_194 : i32
      %lt3A_196 = arith.constant 18 : i32
      %lt3A_197 = arith.cmpi slt, %add3A_195, %lt3A_196 : i32
      %convert_element_type3A_198 = arith.extui %lt3A_197 : i1 to i32
      %cond3A_199 = arith.constant 0 : i32
      %cond3A_200 = arith.cmpi ne, %convert_element_type3A_198, %cond3A_199 : i32
      scf.if %cond3A_200 {
        %add3A_213 = arith.constant 2 : i32
        %add3A_214 = arith.addi %add3A_185, %add3A_213 : i32
        %dma_start3A_215 = arith.constant 0 : i32
        %dma_start3A_216 = tpu.memref_slice %arg6[%add3A_214, %dma_start3A_215] : memref<24x112xi32, #tpu.memory_space<vmem>> -> memref<1x112xi32, #tpu.memory_space<vmem>>
        %dma_start3A_217 = tpu.memref_squeeze %dma_start3A_216 : memref<1x112xi32, #tpu.memory_space<vmem>> -> memref<112xi32, #tpu.memory_space<vmem>>
        %dma_start3A_218 = arith.constant 0 : i32
        %dma_start3A_219 = arith.constant 0 : i32
        %dma_start3A_220 = tpu.memref_slice %arg2[%dma_start3A_218, %dma_start3A_219] : memref<10000x128xf32, #tpu.memory_space<hbm>> -> memref<10000x128xf32, #tpu.memory_space<hbm>>
        tpu.enqueue_indirect_dma source(%dma_start3A_220 : memref<10000x128xf32, #tpu.memory_space<hbm>>) target(%arg9 : memref<112x128xf32, #tpu.memory_space<vmem>>) offsets(%dma_start3A_217 : memref<112xi32, #tpu.memory_space<vmem>>) semaphore(%arg13 : memref<!tpu.dma_semaphore, #tpu.memory_space<semaphore_mem>>)
      } else {
      }
      %dma_wait3A_201 = arith.constant 0 : i32
      %dma_wait3A_202 = tpu.memref_slice %arg6[%add3A_185, %dma_wait3A_201] : memref<24x112xi32, #tpu.memory_space<vmem>> -> memref<1x112xi32, #tpu.memory_space<vmem>>
      %dma_wait3A_203 = tpu.memref_squeeze %dma_wait3A_202 : memref<1x112xi32, #tpu.memory_space<vmem>> -> memref<112xi32, #tpu.memory_space<vmem>>
      %dma_wait3A_204 = arith.constant 0 : i32
      %dma_wait3A_205 = arith.constant 0 : i32
      %dma_wait3A_206 = tpu.memref_slice %arg2[%dma_wait3A_204, %dma_wait3A_205] : memref<10000x128xf32, #tpu.memory_space<hbm>> -> memref<10000x128xf32, #tpu.memory_space<hbm>>
      tpu.wait_indirect_dma semaphore(%arg14 : memref<!tpu.dma_semaphore, #tpu.memory_space<semaphore_mem>>) src(%dma_wait3A_206 : memref<10000x128xf32, #tpu.memory_space<hbm>>) dst(%arg10 : memref<112x128xf32, #tpu.memory_space<vmem>>)
      %dma_start3A_207 = arith.constant 0 : i32
      %dma_start3A_208 = tpu.memref_slice %arg7[%add3A_185, %dma_start3A_207] : memref<24x112xi32, #tpu.memory_space<vmem>> -> memref<1x112xi32, #tpu.memory_space<vmem>>
      %dma_start3A_209 = tpu.memref_squeeze %dma_start3A_208 : memref<1x112xi32, #tpu.memory_space<vmem>> -> memref<112xi32, #tpu.memory_space<vmem>>
      %dma_start3A_210 = arith.constant 0 : i32
      %dma_start3A_211 = arith.constant 0 : i32
      %dma_start3A_212 = tpu.memref_slice %arg11[%dma_start3A_210, %dma_start3A_211] : memref<10112x128xf32, #tpu.memory_space<vmem_shared>> -> memref<10112x128xf32, #tpu.memory_space<vmem_shared>>
      tpu.enqueue_indirect_dma source(%arg10 : memref<112x128xf32, #tpu.memory_space<vmem>>) target(%dma_start3A_212 : memref<10112x128xf32, #tpu.memory_space<vmem_shared>>) offsets(%dma_start3A_209 : memref<112xi32, #tpu.memory_space<vmem>>) semaphore(%arg17 : memref<!tpu.dma_semaphore, #tpu.memory_space<semaphore_mem>>) {add = true}
    }
    %scan3A_114 = arith.constant 6 : i32
    %dma_wait3A_115 = arith.constant 17 : i32
    %dma_wait3A_116 = arith.constant 0 : i32
    %dma_wait3A_117 = tpu.memref_slice %arg7[%dma_wait3A_115, %dma_wait3A_116] : memref<24x112xi32, #tpu.memory_space<vmem>> -> memref<1x112xi32, #tpu.memory_space<vmem>>
    %dma_wait3A_118 = tpu.memref_squeeze %dma_wait3A_117 : memref<1x112xi32, #tpu.memory_space<vmem>> -> memref<112xi32, #tpu.memory_space<vmem>>
    %dma_wait3A_119 = arith.constant 0 : i32
    %dma_wait3A_120 = arith.constant 0 : i32
    %dma_wait3A_121 = tpu.memref_slice %arg11[%dma_wait3A_119, %dma_wait3A_120] : memref<10112x128xf32, #tpu.memory_space<vmem_shared>> -> memref<10112x128xf32, #tpu.memory_space<vmem_shared>>
    tpu.wait_indirect_dma semaphore(%arg17 : memref<!tpu.dma_semaphore, #tpu.memory_space<semaphore_mem>>) src(%arg10 : memref<112x128xf32, #tpu.memory_space<vmem>>) dst(%dma_wait3A_121 : memref<10112x128xf32, #tpu.memory_space<vmem_shared>>)
    %barrier3A_122 = arith.constant 0 : index
    tpu.barrier barrier_id(%barrier3A_122)
    %mul3A_123 = arith.constant 632 : i32
    %mul3A_124 = arith.muli %arg1, %mul3A_123 : i32
    %mul3A_125 = arith.constant 632 : i32
    %mul3A_126 = arith.muli %arg1, %mul3A_125 : i32
    "tpu.region"() ({
      %run_scoped3A = tpu.sem_alloc : memref<!tpu.dma_semaphore, #tpu.memory_space<semaphore_mem>>
      %dma_start3A_127 = arith.constant 0 : i32
      %dma_start3A_128 = tpu.memref_slice %arg5[%arg0, %mul3A_126, %dma_start3A_127] : memref<2x10112x128xf32, #tpu.memory_space<hbm>> -> memref<1x632x128xf32, #tpu.memory_space<hbm>>
      %dma_start3A_129 = tpu.memref_squeeze %dma_start3A_128 : memref<1x632x128xf32, #tpu.memory_space<hbm>> -> memref<632x128xf32, #tpu.memory_space<hbm>>
      %dma_start3A_130 = arith.constant 0 : i32
      %dma_start3A_131 = tpu.memref_slice %arg11[%mul3A_124, %dma_start3A_130] : memref<10112x128xf32, #tpu.memory_space<vmem_shared>> -> memref<632x128xf32, #tpu.memory_space<vmem_shared>>
      tpu.enqueue_dma source(%dma_start3A_131 : memref<632x128xf32, #tpu.memory_space<vmem_shared>>) target(%dma_start3A_129 : memref<632x128xf32, #tpu.memory_space<hbm>>) target_semaphore(%run_scoped3A : memref<!tpu.dma_semaphore, #tpu.memory_space<semaphore_mem>>)
      %dma_wait3A_132 = arith.constant 0 : i32
      %dma_wait3A_133 = tpu.memref_slice %arg5[%arg0, %mul3A_126, %dma_wait3A_132] : memref<2x10112x128xf32, #tpu.memory_space<hbm>> -> memref<1x632x128xf32, #tpu.memory_space<hbm>>
      %dma_wait3A_134 = tpu.memref_squeeze %dma_wait3A_133 : memref<1x632x128xf32, #tpu.memory_space<hbm>> -> memref<632x128xf32, #tpu.memory_space<hbm>>
      %dma_wait3A_135 = arith.constant 0 : i32
      %dma_wait3A_136 = tpu.memref_slice %arg11[%mul3A_124, %dma_wait3A_135] : memref<10112x128xf32, #tpu.memory_space<vmem_shared>> -> memref<632x128xf32, #tpu.memory_space<vmem_shared>>
      tpu.wait_dma2 semaphore(%run_scoped3A : memref<!tpu.dma_semaphore, #tpu.memory_space<semaphore_mem>>) src(%dma_wait3A_136 : memref<632x128xf32, #tpu.memory_space<vmem_shared>>) dst(%dma_wait3A_134 : memref<632x128xf32, #tpu.memory_space<hbm>>)
      tpu.yield
    }) : () -> ()
    return
  }
}

#map = affine_map<(d0, d1) -> (0, 0, 0)>
module attributes {stable_mosaic.version = 14 : i64} {
  func.func @deg_kernel(%arg0: i32, %arg1: i32, %arg2: memref<32x79x128xi32, #tpu.memory_space<hbm>>, %arg3: memref<2x10240x16xf32, #tpu.memory_space<hbm>>, %arg4: memref<79x128xi32, #tpu.memory_space<vmem>>, %arg5: memref<128x16xf32, #tpu.memory_space<vmem>>, %arg6: memref<128x16xf32, #tpu.memory_space<vmem>>, %arg7: memref<10240x16xf32, #tpu.memory_space<vmem_shared>>, %arg8: memref<!tpu.dma_semaphore, #tpu.memory_space<semaphore_mem>>) attributes {dimension_semantics = [#tpu.dimension_semantics<core_parallel>, #tpu.dimension_semantics<subcore_parallel>], iteration_bounds = array<i64: 2, 16>, scalar_prefetch = 0 : i64, scratch_operands = 5 : i64, tpu.core_type = #tpu.core_type<sc_vector_subcore>, window_params = [{transform_indices = #map}, {transform_indices = #map}]} {
    %mul3A = arith.constant 16 : i32
    %mul3A_0 = arith.muli %arg0, %mul3A : i32
    %add3A = arith.addi %mul3A_0, %arg1 : i32
    %scan3A = arith.constant 0 : i32
    %scan3A_1 = arith.constant 0 : i32
    %scan3A_2 = arith.constant 128 : i32
    %scan3A_3 = arith.addi %scan3A_1, %scan3A_2 : i32
    %scan3A_4 = arith.constant 1 : i32
    scf.for %scan3A_29 = %scan3A_1 to %scan3A_3 step %scan3A_4  : i32 {
      %broadcast_in_dim3A = arith.constant 1.000000e+00 : f32
      %broadcast_in_dim3A_30 = vector.broadcast %broadcast_in_dim3A : f32 to vector<16xf32>
      %swap3A = arith.index_cast %scan3A_29 : i32 to index
      %swap3A_31 = arith.constant 0 : index
      %swap3A_32 = tpu.vector_load %arg5[%swap3A, %swap3A_31] {strides = array<i32>} : memref<128x16xf32, #tpu.memory_space<vmem>>, vector<1x16xf32>,
      %swap3A_33 = vector.shape_cast %swap3A_32 : vector<1x16xf32> to vector<16xf32>
      %swap3A_34 = vector.shape_cast %broadcast_in_dim3A_30 : vector<16xf32> to vector<1x16xf32>
      tpu.vector_store %arg5[%swap3A, %swap3A_31], %swap3A_34 {strides = array<i32>} : memref<128x16xf32, #tpu.memory_space<vmem>>, vector<1x16xf32>,
      %broadcast_in_dim3A_35 = arith.constant 0.000000e+00 : f32
      %broadcast_in_dim3A_36 = vector.broadcast %broadcast_in_dim3A_35 : f32 to vector<16xf32>
      %swap3A_37 = arith.index_cast %scan3A_29 : i32 to index
      %swap3A_38 = arith.constant 0 : index
      %swap3A_39 = tpu.vector_load %arg6[%swap3A_37, %swap3A_38] {strides = array<i32>} : memref<128x16xf32, #tpu.memory_space<vmem>>, vector<1x16xf32>,
      %swap3A_40 = vector.shape_cast %swap3A_39 : vector<1x16xf32> to vector<16xf32>
      %swap3A_41 = vector.shape_cast %broadcast_in_dim3A_36 : vector<16xf32> to vector<1x16xf32>
      tpu.vector_store %arg6[%swap3A_37, %swap3A_38], %swap3A_41 {strides = array<i32>} : memref<128x16xf32, #tpu.memory_space<vmem>>, vector<1x16xf32>,
    }
    %scan3A_5 = arith.constant 128 : i32
    %scan3A_6 = arith.constant 0 : i32
    %scan3A_7 = arith.constant 0 : i32
    %scan3A_8 = arith.constant 5 : i32
    %scan3A_9 = arith.addi %scan3A_7, %scan3A_8 : i32
    %scan3A_10 = arith.constant 1 : i32
    scf.for %scan3A_29 = %scan3A_7 to %scan3A_9 step %scan3A_10  : i32 {
      %mul3A_30 = arith.constant 640 : i32
      %mul3A_31 = arith.muli %arg1, %mul3A_30 : i32
      %mul3A_32 = arith.constant 128 : i32
      %mul3A_33 = arith.muli %scan3A_29, %mul3A_32 : i32
      %add3A_34 = arith.addi %mul3A_31, %mul3A_33 : i32
      "tpu.region"() ({
        %run_scoped3A = tpu.sem_alloc : memref<!tpu.dma_semaphore, #tpu.memory_space<semaphore_mem>>
        %dma_start3A = arith.constant 0 : i32
        %dma_start3A_35 = tpu.memref_slice %arg7[%add3A_34, %dma_start3A] : memref<10240x16xf32, #tpu.memory_space<vmem_shared>> -> memref<128x16xf32, #tpu.memory_space<vmem_shared>>
        %dma_start3A_36 = arith.constant 0 : i32
        %dma_start3A_37 = tpu.memref_slice %arg7[%add3A_34, %dma_start3A_36] : memref<10240x16xf32, #tpu.memory_space<vmem_shared>> -> memref<128x16xf32, #tpu.memory_space<vmem_shared>>
        tpu.enqueue_dma source(%arg6 : memref<128x16xf32, #tpu.memory_space<vmem>>) target(%dma_start3A_37 : memref<128x16xf32, #tpu.memory_space<vmem_shared>>) target_semaphore(%run_scoped3A : memref<!tpu.dma_semaphore, #tpu.memory_space<semaphore_mem>>)
        %dma_wait3A = arith.constant 0 : i32
        %dma_wait3A_38 = tpu.memref_slice %arg7[%add3A_34, %dma_wait3A] : memref<10240x16xf32, #tpu.memory_space<vmem_shared>> -> memref<128x16xf32, #tpu.memory_space<vmem_shared>>
        %dma_wait3A_39 = arith.constant 0 : i32
        %dma_wait3A_40 = tpu.memref_slice %arg7[%add3A_34, %dma_wait3A_39] : memref<10240x16xf32, #tpu.memory_space<vmem_shared>> -> memref<128x16xf32, #tpu.memory_space<vmem_shared>>
        tpu.wait_dma2 semaphore(%run_scoped3A : memref<!tpu.dma_semaphore, #tpu.memory_space<semaphore_mem>>) src(%arg6 : memref<128x16xf32, #tpu.memory_space<vmem>>) dst(%dma_wait3A_40 : memref<128x16xf32, #tpu.memory_space<vmem_shared>>)
        tpu.yield
      }) : () -> ()
    }
    %scan3A_11 = arith.constant 5 : i32
    %barrier3A = arith.constant 0 : index
    tpu.barrier barrier_id(%barrier3A)
    "tpu.region"() ({
      %run_scoped3A = tpu.sem_alloc : memref<!tpu.dma_semaphore, #tpu.memory_space<semaphore_mem>>
      %dma_start3A = arith.constant 0 : i32
      %dma_start3A_29 = arith.constant 0 : i32
      %dma_start3A_30 = tpu.memref_slice %arg2[%add3A, %dma_start3A, %dma_start3A_29] : memref<32x79x128xi32, #tpu.memory_space<hbm>> -> memref<1x79x128xi32, #tpu.memory_space<hbm>>
      %dma_start3A_31 = tpu.memref_squeeze %dma_start3A_30 : memref<1x79x128xi32, #tpu.memory_space<hbm>> -> memref<79x128xi32, #tpu.memory_space<hbm>>
      %dma_start3A_32 = arith.constant 0 : i32
      %dma_start3A_33 = arith.constant 0 : i32
      %dma_start3A_34 = tpu.memref_slice %arg2[%add3A, %dma_start3A_32, %dma_start3A_33] : memref<32x79x128xi32, #tpu.memory_space<hbm>> -> memref<1x79x128xi32, #tpu.memory_space<hbm>>
      %dma_start3A_35 = tpu.memref_squeeze %dma_start3A_34 : memref<1x79x128xi32, #tpu.memory_space<hbm>> -> memref<79x128xi32, #tpu.memory_space<hbm>>
      tpu.enqueue_dma source(%dma_start3A_35 : memref<79x128xi32, #tpu.memory_space<hbm>>) target(%arg4 : memref<79x128xi32, #tpu.memory_space<vmem>>) target_semaphore(%run_scoped3A : memref<!tpu.dma_semaphore, #tpu.memory_space<semaphore_mem>>)
      %dma_wait3A = arith.constant 0 : i32
      %dma_wait3A_36 = arith.constant 0 : i32
      %dma_wait3A_37 = tpu.memref_slice %arg2[%add3A, %dma_wait3A, %dma_wait3A_36] : memref<32x79x128xi32, #tpu.memory_space<hbm>> -> memref<1x79x128xi32, #tpu.memory_space<hbm>>
      %dma_wait3A_38 = tpu.memref_squeeze %dma_wait3A_37 : memref<1x79x128xi32, #tpu.memory_space<hbm>> -> memref<79x128xi32, #tpu.memory_space<hbm>>
      %dma_wait3A_39 = arith.constant 0 : i32
      %dma_wait3A_40 = arith.constant 0 : i32
      %dma_wait3A_41 = tpu.memref_slice %arg2[%add3A, %dma_wait3A_39, %dma_wait3A_40] : memref<32x79x128xi32, #tpu.memory_space<hbm>> -> memref<1x79x128xi32, #tpu.memory_space<hbm>>
      %dma_wait3A_42 = tpu.memref_squeeze %dma_wait3A_41 : memref<1x79x128xi32, #tpu.memory_space<hbm>> -> memref<79x128xi32, #tpu.memory_space<hbm>>
      tpu.wait_dma2 semaphore(%run_scoped3A : memref<!tpu.dma_semaphore, #tpu.memory_space<semaphore_mem>>) src(%dma_wait3A_42 : memref<79x128xi32, #tpu.memory_space<hbm>>) dst(%arg4 : memref<79x128xi32, #tpu.memory_space<vmem>>)
      tpu.yield
    }) : () -> ()
    %scan3A_12 = arith.constant 0 : i32
    %scan3A_13 = arith.constant 0 : i32
    %scan3A_14 = arith.constant 79 : i32
    %scan3A_15 = arith.addi %scan3A_13, %scan3A_14 : i32
    %scan3A_16 = arith.constant 1 : i32
    scf.for %scan3A_29 = %scan3A_13 to %scan3A_15 step %scan3A_16  : i32 {
      %dma_start3A = arith.constant 0 : i32
      %dma_start3A_30 = tpu.memref_slice %arg4[%scan3A_29, %dma_start3A] : memref<79x128xi32, #tpu.memory_space<vmem>> -> memref<1x128xi32, #tpu.memory_space<vmem>>
      %dma_start3A_31 = tpu.memref_squeeze %dma_start3A_30 : memref<1x128xi32, #tpu.memory_space<vmem>> -> memref<128xi32, #tpu.memory_space<vmem>>
      %dma_start3A_32 = arith.constant 0 : i32
      %dma_start3A_33 = arith.constant 0 : i32
      %dma_start3A_34 = tpu.memref_slice %arg7[%dma_start3A_32, %dma_start3A_33] : memref<10240x16xf32, #tpu.memory_space<vmem_shared>> -> memref<10240x16xf32, #tpu.memory_space<vmem_shared>>
      tpu.enqueue_indirect_dma source(%arg5 : memref<128x16xf32, #tpu.memory_space<vmem>>) target(%dma_start3A_34 : memref<10240x16xf32, #tpu.memory_space<vmem_shared>>) offsets(%dma_start3A_31 : memref<128xi32, #tpu.memory_space<vmem>>) semaphore(%arg8 : memref<!tpu.dma_semaphore, #tpu.memory_space<semaphore_mem>>) {add = true}
    }
    %scan3A_17 = arith.constant 79 : i32
    %scan3A_18 = arith.constant 0 : i32
    %scan3A_19 = arith.constant 0 : i32
    %scan3A_20 = arith.constant 79 : i32
    %scan3A_21 = arith.addi %scan3A_19, %scan3A_20 : i32
    %scan3A_22 = arith.constant 1 : i32
    scf.for %scan3A_29 = %scan3A_19 to %scan3A_21 step %scan3A_22  : i32 {
      %dma_wait3A = arith.constant 0 : i32
      %dma_wait3A_30 = tpu.memref_slice %arg4[%scan3A_29, %dma_wait3A] : memref<79x128xi32, #tpu.memory_space<vmem>> -> memref<1x128xi32, #tpu.memory_space<vmem>>
      %dma_wait3A_31 = tpu.memref_squeeze %dma_wait3A_30 : memref<1x128xi32, #tpu.memory_space<vmem>> -> memref<128xi32, #tpu.memory_space<vmem>>
      %dma_wait3A_32 = arith.constant 0 : i32
      %dma_wait3A_33 = arith.constant 0 : i32
      %dma_wait3A_34 = tpu.memref_slice %arg7[%dma_wait3A_32, %dma_wait3A_33] : memref<10240x16xf32, #tpu.memory_space<vmem_shared>> -> memref<10240x16xf32, #tpu.memory_space<vmem_shared>>
      tpu.wait_indirect_dma semaphore(%arg8 : memref<!tpu.dma_semaphore, #tpu.memory_space<semaphore_mem>>) src(%arg5 : memref<128x16xf32, #tpu.memory_space<vmem>>) dst(%dma_wait3A_34 : memref<10240x16xf32, #tpu.memory_space<vmem_shared>>)
    }
    %scan3A_23 = arith.constant 79 : i32
    %barrier3A_24 = arith.constant 0 : index
    tpu.barrier barrier_id(%barrier3A_24)
    %mul3A_25 = arith.constant 640 : i32
    %mul3A_26 = arith.muli %arg1, %mul3A_25 : i32
    %mul3A_27 = arith.constant 640 : i32
    %mul3A_28 = arith.muli %arg1, %mul3A_27 : i32
    "tpu.region"() ({
      %run_scoped3A = tpu.sem_alloc : memref<!tpu.dma_semaphore, #tpu.memory_space<semaphore_mem>>
      %dma_start3A = arith.constant 0 : i32
      %dma_start3A_29 = tpu.memref_slice %arg3[%arg0, %mul3A_28, %dma_start3A] : memref<2x10240x16xf32, #tpu.memory_space<hbm>> -> memref<1x640x16xf32, #tpu.memory_space<hbm>>
      %dma_start3A_30 = tpu.memref_squeeze %dma_start3A_29 : memref<1x640x16xf32, #tpu.memory_space<hbm>> -> memref<640x16xf32, #tpu.memory_space<hbm>>
      %dma_start3A_31 = arith.constant 0 : i32
      %dma_start3A_32 = tpu.memref_slice %arg7[%mul3A_26, %dma_start3A_31] : memref<10240x16xf32, #tpu.memory_space<vmem_shared>> -> memref<640x16xf32, #tpu.memory_space<vmem_shared>>
      tpu.enqueue_dma source(%dma_start3A_32 : memref<640x16xf32, #tpu.memory_space<vmem_shared>>) target(%dma_start3A_30 : memref<640x16xf32, #tpu.memory_space<hbm>>) target_semaphore(%run_scoped3A : memref<!tpu.dma_semaphore, #tpu.memory_space<semaphore_mem>>)
      %dma_wait3A = arith.constant 0 : i32
      %dma_wait3A_33 = tpu.memref_slice %arg3[%arg0, %mul3A_28, %dma_wait3A] : memref<2x10240x16xf32, #tpu.memory_space<hbm>> -> memref<1x640x16xf32, #tpu.memory_space<hbm>>
      %dma_wait3A_34 = tpu.memref_squeeze %dma_wait3A_33 : memref<1x640x16xf32, #tpu.memory_space<hbm>> -> memref<640x16xf32, #tpu.memory_space<hbm>>
      %dma_wait3A_35 = arith.constant 0 : i32
      %dma_wait3A_36 = tpu.memref_slice %arg7[%mul3A_26, %dma_wait3A_35] : memref<10240x16xf32, #tpu.memory_space<vmem_shared>> -> memref<640x16xf32, #tpu.memory_space<vmem_shared>>
      tpu.wait_dma2 semaphore(%run_scoped3A : memref<!tpu.dma_semaphore, #tpu.memory_space<semaphore_mem>>) src(%dma_wait3A_36 : memref<640x16xf32, #tpu.memory_space<vmem_shared>>) dst(%dma_wait3A_34 : memref<640x16xf32, #tpu.memory_space<hbm>>)
      tpu.yield
    }) : () -> ()
    return
  }
}

module attributes {stable_mosaic.version = 14 : i64} {
  func.func @_mm_body(%arg0: i32, %arg1: memref<1000x128xf32, #tpu.memory_space<vmem>>, %arg2: memref<128x128xf32, #tpu.memory_space<vmem>>, %arg3: memref<2x1000x16xf32, #tpu.memory_space<vmem>>, %arg4: memref<1000x128xf32, #tpu.memory_space<vmem>>) attributes {dimension_semantics = [#tpu.dimension_semantics<arbitrary>], iteration_bounds = array<i64: 10>, scalar_prefetch = 0 : i64, scratch_operands = 0 : i64, tpu.core_type = #tpu.core_type<tc>, window_params = [{transform_indices = @transform_0, window_bounds = array<i64: 1000, 128>}, {pipeline_mode = #tpu.pipeline_mode<synchronous>, transform_indices = @transform_1, window_bounds = array<i64: 128, 128>}, {transform_indices = @transform_2, window_bounds = array<i64: 2, 1000, 16>}, {transform_indices = @transform_3, window_bounds = array<i64: 1000, 128>}]} {
    %get3A = arith.constant 0 : index
    %get3A_0 = arith.constant 0 : index
    %get3A_1 = arith.constant 0 : index
    %get3A_2 = vector.load %arg3[%get3A, %get3A_0, %get3A_1] : memref<2x1000x16xf32, #tpu.memory_space<vmem>>, vector<1x1000x1xf32>
    %get3A_3 = vector.shape_cast %get3A_2 : vector<1x1000x1xf32> to vector<1000x1xf32>
    %get3A_4 = arith.constant 1 : index
    %get3A_5 = arith.constant 0 : index
    %get3A_6 = arith.constant 0 : index
    %get3A_7 = vector.load %arg3[%get3A_4, %get3A_5, %get3A_6] : memref<2x1000x16xf32, #tpu.memory_space<vmem>>, vector<1x1000x1xf32>
    %get3A_8 = vector.shape_cast %get3A_7 : vector<1x1000x1xf32> to vector<1000x1xf32>
    %add3A = arith.addf %get3A_3, %get3A_8 : vector<1000x1xf32>
    %add3A_9 = arith.constant 1.000000e+00 : f32
    %add3A_10 = vector.broadcast %add3A_9 : f32 to vector<1000x1xf32>
    %add3A_11 = arith.addf %add3A, %add3A_10 : vector<1000x1xf32>
    %rsqrt3A = math.rsqrt %add3A_11 : vector<1000x1xf32>
    %get3A_12 = arith.constant 0 : index
    %get3A_13 = arith.constant 0 : index
    %get3A_14 = vector.load %arg1[%get3A_12, %get3A_13] : memref<1000x128xf32, #tpu.memory_space<vmem>>, vector<1000x128xf32>
    %get3A_15 = arith.constant 0 : index
    %get3A_16 = arith.constant 0 : index
    %get3A_17 = vector.load %arg2[%get3A_15, %get3A_16] : memref<128x128xf32, #tpu.memory_space<vmem>>, vector<128x128xf32>
    %dot_general3A = arith.constant dense<0.000000e+00> : vector<1000x128xf32>
    %dot_general3A_18 = tpu.matmul %get3A_14, %get3A_17, %dot_general3A {dimension_numbers = #tpu.dot_dimension_numbers<[1], [0], [0], [1], [0, 0, 1, 1], [], []>, transpose_lhs_hint = false} : vector<1000x128xf32>, vector<128x128xf32>, vector<1000x128xf32> -> vector<1000x128xf32>
    %mul3A = vector.broadcast %rsqrt3A : vector<1000x1xf32> to vector<1000x128xf32>
    %mul3A_19 = arith.mulf %dot_general3A_18, %mul3A : vector<1000x128xf32>
    %swap3A = arith.constant 0 : index
    %swap3A_20 = arith.constant 0 : index
    %swap3A_21 = vector.load %arg4[%swap3A, %swap3A_20] : memref<1000x128xf32, #tpu.memory_space<vmem>>, vector<1000x128xf32>
    tpu.vector_store %arg4[%swap3A, %swap3A_20], %mul3A_19 {strides = array<i32>} : memref<1000x128xf32, #tpu.memory_space<vmem>>, vector<1000x128xf32>,
    return
  }
  func.func @transform_0(%arg0: i32) -> (i32, i32) {
    %c0_i32 = arith.constant 0 : i32
    %c0_i32_0 = arith.constant 0 : i32
    return %arg0, %c0_i32 : i32, i32
  }
  func.func @transform_1(%arg0: i32) -> (i32, i32) {
    %c0_i32 = arith.constant 0 : i32
    %c0_i32_0 = arith.constant 0 : i32
    %c0_i32_1 = arith.constant 0 : i32
    return %c0_i32, %c0_i32_0 : i32, i32
  }
  func.func @transform_2(%arg0: i32) -> (i32, i32, i32) {
    %c0_i32 = arith.constant 0 : i32
    %c0_i32_0 = arith.constant 0 : i32
    %c0_i32_1 = arith.constant 0 : i32
    return %c0_i32, %arg0, %c0_i32_0 : i32, i32, i32
  }
  func.func @transform_3(%arg0: i32) -> (i32, i32) {
    %c0_i32 = arith.constant 0 : i32
    %c0_i32_0 = arith.constant 0 : i32
    return %arg0, %c0_i32 : i32, i32
  }
}

module attributes {stable_mosaic.version = 14 : i64} {
  func.func @_post_body(%arg0: memref<2x10112x128xf32, #tpu.memory_space<vmem>>, %arg1: memref<10000x128xf32, #tpu.memory_space<vmem>>, %arg2: memref<2x10240x16xf32, #tpu.memory_space<vmem>>, %arg3: memref<1x128xf32, #tpu.memory_space<vmem>>, %arg4: memref<1x128xf32, #tpu.memory_space<vmem>>, %arg5: memref<1x128xf32, #tpu.memory_space<vmem>>, %arg6: memref<10000x128xf32, #tpu.memory_space<vmem>>) attributes {dimension_semantics = [], scalar_prefetch = 0 : i64, scratch_operands = 0 : i64, tpu.core_type = #tpu.core_type<tc>} {
    %get3A = arith.constant 0 : index
    %get3A_0 = arith.constant 0 : index
    %get3A_1 = arith.constant 0 : index
    %get3A_2 = vector.load %arg2[%get3A, %get3A_0, %get3A_1] : memref<2x10240x16xf32, #tpu.memory_space<vmem>>, vector<1x10000x1xf32>
    %get3A_3 = vector.shape_cast %get3A_2 : vector<1x10000x1xf32> to vector<10000x1xf32>
    %get3A_4 = arith.constant 1 : index
    %get3A_5 = arith.constant 0 : index
    %get3A_6 = arith.constant 0 : index
    %get3A_7 = vector.load %arg2[%get3A_4, %get3A_5, %get3A_6] : memref<2x10240x16xf32, #tpu.memory_space<vmem>>, vector<1x10000x1xf32>
    %get3A_8 = vector.shape_cast %get3A_7 : vector<1x10000x1xf32> to vector<10000x1xf32>
    %add3A = arith.addf %get3A_3, %get3A_8 : vector<10000x1xf32>
    %add3A_9 = arith.constant 1.000000e+00 : f32
    %add3A_10 = vector.broadcast %add3A_9 : f32 to vector<10000x1xf32>
    %add3A_11 = arith.addf %add3A, %add3A_10 : vector<10000x1xf32>
    %rsqrt3A = math.rsqrt %add3A_11 : vector<10000x1xf32>
    %get3A_12 = arith.constant 0 : index
    %get3A_13 = arith.constant 0 : index
    %get3A_14 = arith.constant 0 : index
    %get3A_15 = vector.load %arg0[%get3A_12, %get3A_13, %get3A_14] : memref<2x10112x128xf32, #tpu.memory_space<vmem>>, vector<1x10000x128xf32>
    %get3A_16 = vector.shape_cast %get3A_15 : vector<1x10000x128xf32> to vector<10000x128xf32>
    %get3A_17 = arith.constant 1 : index
    %get3A_18 = arith.constant 0 : index
    %get3A_19 = arith.constant 0 : index
    %get3A_20 = vector.load %arg0[%get3A_17, %get3A_18, %get3A_19] : memref<2x10112x128xf32, #tpu.memory_space<vmem>>, vector<1x10000x128xf32>
    %get3A_21 = vector.shape_cast %get3A_20 : vector<1x10000x128xf32> to vector<10000x128xf32>
    %add3A_22 = arith.addf %get3A_16, %get3A_21 : vector<10000x128xf32>
    %get3A_23 = arith.constant 0 : index
    %get3A_24 = arith.constant 0 : index
    %get3A_25 = vector.load %arg1[%get3A_23, %get3A_24] : memref<10000x128xf32, #tpu.memory_space<vmem>>, vector<10000x128xf32>
    %add3A_26 = arith.addf %add3A_22, %get3A_25 : vector<10000x128xf32>
    %mul3A = vector.broadcast %rsqrt3A : vector<10000x1xf32> to vector<10000x128xf32>
    %mul3A_27 = arith.mulf %add3A_26, %mul3A : vector<10000x128xf32>
    %get3A_28 = arith.constant 0 : index
    %get3A_29 = arith.constant 0 : index
    %get3A_30 = vector.load %arg3[%get3A_28, %get3A_29] : memref<1x128xf32, #tpu.memory_space<vmem>>, vector<1x128xf32>
    %add3A_31 = vector.broadcast %get3A_30 : vector<1x128xf32> to vector<10000x128xf32>
    %add3A_32 = arith.addf %mul3A_27, %add3A_31 : vector<10000x128xf32>
    %max3A = arith.constant 0.000000e+00 : f32
    %max3A_33 = vector.broadcast %max3A : f32 to vector<10000x128xf32>
    %max3A_34 = arith.maximumf %add3A_32, %max3A_33 : vector<10000x128xf32>
    %reduce_sum3A = arith.constant dense<0.000000e+00> : vector<128xf32>
    %reduce_sum3A_35 = vector.multi_reduction <add>, %max3A_34, %reduce_sum3A [0] : vector<10000x128xf32> to vector<128xf32>
    %broadcast_in_dim3A = vector.shape_cast %reduce_sum3A_35 : vector<128xf32> to vector<1x128xf32>
    %mul3A_36 = arith.constant 9.99999974E-5 : f32
    %mul3A_37 = vector.broadcast %mul3A_36 : f32 to vector<1x128xf32>
    %mul3A_38 = arith.mulf %broadcast_in_dim3A, %mul3A_37 : vector<1x128xf32>
    %sub3A = vector.broadcast %mul3A_38 : vector<1x128xf32> to vector<10000x128xf32>
    %sub3A_39 = arith.subf %max3A_34, %sub3A : vector<10000x128xf32>
    %mul3A_40 = arith.mulf %sub3A_39, %sub3A_39 : vector<10000x128xf32>
    %reduce_sum3A_41 = arith.constant dense<0.000000e+00> : vector<128xf32>
    %reduce_sum3A_42 = vector.multi_reduction <add>, %mul3A_40, %reduce_sum3A_41 [0] : vector<10000x128xf32> to vector<128xf32>
    %broadcast_in_dim3A_43 = vector.shape_cast %reduce_sum3A_42 : vector<128xf32> to vector<1x128xf32>
    %mul3A_44 = arith.constant 9.99999974E-5 : f32
    %mul3A_45 = vector.broadcast %mul3A_44 : f32 to vector<1x128xf32>
    %mul3A_46 = arith.mulf %broadcast_in_dim3A_43, %mul3A_45 : vector<1x128xf32>
    %add3A_47 = arith.constant 9.99999974E-6 : f32
    %add3A_48 = vector.broadcast %add3A_47 : f32 to vector<1x128xf32>
    %add3A_49 = arith.addf %mul3A_46, %add3A_48 : vector<1x128xf32>
    %rsqrt3A_50 = math.rsqrt %add3A_49 : vector<1x128xf32>
    %mul3A_51 = vector.broadcast %rsqrt3A_50 : vector<1x128xf32> to vector<10000x128xf32>
    %mul3A_52 = arith.mulf %sub3A_39, %mul3A_51 : vector<10000x128xf32>
    %get3A_53 = arith.constant 0 : index
    %get3A_54 = arith.constant 0 : index
    %get3A_55 = vector.load %arg4[%get3A_53, %get3A_54] : memref<1x128xf32, #tpu.memory_space<vmem>>, vector<1x128xf32>
    %mul3A_56 = vector.broadcast %get3A_55 : vector<1x128xf32> to vector<10000x128xf32>
    %mul3A_57 = arith.mulf %mul3A_52, %mul3A_56 : vector<10000x128xf32>
    %get3A_58 = arith.constant 0 : index
    %get3A_59 = arith.constant 0 : index
    %get3A_60 = vector.load %arg5[%get3A_58, %get3A_59] : memref<1x128xf32, #tpu.memory_space<vmem>>, vector<1x128xf32>
    %add3A_61 = vector.broadcast %get3A_60 : vector<1x128xf32> to vector<10000x128xf32>
    %add3A_62 = arith.addf %mul3A_57, %add3A_61 : vector<10000x128xf32>
    %swap3A = arith.constant 0 : index
    %swap3A_63 = arith.constant 0 : index
    %swap3A_64 = vector.load %arg6[%swap3A, %swap3A_63] : memref<10000x128xf32, #tpu.memory_space<vmem>>, vector<10000x128xf32>
    tpu.vector_store %arg6[%swap3A, %swap3A_63], %add3A_62 {strides = array<i32>} : memref<10000x128xf32, #tpu.memory_space<vmem>>, vector<10000x128xf32>,
    return
  }
}

</mosaic_0001>

<sc_bundles>
// kernel: kernel.6.cloned.1.call-start
scs
__scs_entry_jumppad:
0x0: {  	(pc) =	sbr.rel $0x88, $3  }
0x1: {  	(tag) =	ssettag $0x0;
	lr =	simm.s32 $0x1  }
0x2: {  	[smem:$0x3F9B] =	sst lr;
	_ =	strace $0xD0000000  }
0x3: {  	_ = 	snop  }
0x4: {  	_ = 	snop  }
0x5: {  	_ = 	snop  }
0x6: {  	_ = 	snop  }
0x7: {  	_ = 	snop  }
__scs_overlays_trampoline_lowered:
0x8: {  	[smem:$0x3FAA] =	sst s0  }
0x9: {  	[smem:$0x3FAB] =	sst s1  }
0xa: {  	[smem:$0x3FAC] =	sst s2  }
0xb: {  	[smem:$0x3FAD] =	sst s3  }
0xc: {  	[smem:$0x3FAE] =	sst s4  }
0xd: {  	[smem:$0x3FAF] =	sst s5  }
0xe: {  	[smem:$0x3FB0] =	sst s6  }
0xf: {  	[smem:$0x3FB1] =	sst s7  }
0x10: {  	[smem:$0x3FB2] =	sst s8  }
0x11: {  	[smem:$0x3FB3] =	sst s9;
	s0 =	simm.s32 @!p0 $0x0  }
0x12: {  	s1 =	sld [smem:$0x3F99];
	s0 =	simm.s32 @p0 $0x1  }
0x13: {  	[smem:$0x3FB4] =	sst s0;
	s0 =	simm.s32 @!p1 $0x0  }
0x14: {  	s2 =	sld [smem:$0x3F98];
	s0 =	simm.s32 @p1 $0x1  }
0x15: {  	[smem:$0x3FB5] =	sst s0;
	s0 =	simm.s32 @!p2 $0x0  }
0x16: {  	s3 =	sld [smem:$0x3FDB];
	s0 =	simm.s32 @p2 $0x1  }
0x17: {  	s4 =	simm.s32 $0x1BF5;
	[smem:$0x3FB7] =	sst s0  }
0x18: {  	s0 =	sld [smem:$0x3F9A];
	_ =	swait.ge [sflag:s4], $0x0  }
0x19: {  	s7 =	sld [smem:$0x3F9B]  }
0x1a: {  	s8 =	sadd.s32 $0xFFFFE003, lr  }
0x1b: {  	s9 =	sadd.s32 $0xFFFFFEF7, lr;
	s5 =	simm.s32 $0xFFFFFFFF;
	p2 =	slt.u32 s8, $0xFFFFF086  }
0x1c: {  	p1 =	slt.u32 s9, $0xF7A;
	s5 =	simm.s32 @!p2 $0x0  }
0x1d: {  	s5 =	simm.s32 @p1 $0x1;
	p0 =	seq.s32 s7, s2  }
0x1e: {  	s7 =	smul.u32 @!p0 $0xF7A, s2;
	p2 =	seq.s32 @!p0 s5, $0x0  }
0x1f: {  	s9 =	smul.u32 $0xF7A, s1;
	s8 =	simm.s32 @!p0 $0x1BF5;
	p2 =	por !p2, p0  }
0x20: {  	[sflag:s8] =	ssyncset.s32 @!p0 $0xFFFFF086;
	s6 =	sadd.s32 @!p0 s3, s7;
	s7 =	simm.s32 @!p0 $0x108  }
0x21: {  	s3 =	sadd.s32 s3, s9;
	s6 =	sadd.s32 @!p0 $0x88, s6;
	s7 =	simm.s32 @p2 $0x1082  }
0x22: {  	[simem:s7], [sflag:s8] =	dma.local @!p0 [hbm:s6], $0xF7A  }
0x23: {  	s9 =	sor.u32 $0xD0000000, s2;
	s6 =	simm.s32 $0x108;
	_ =	swait.ge @!p0 [sflag:s8], $0x0  }
0x24: {  	s3 =	sadd.s32 $0x88, s3;
	s6 =	simm.s32 @!p1 $0x1082;
	[sflag:s4] =	ssyncset.s32 $0xFFFFF086  }
0x25: {  	[simem:s6], [sflag:s4] =	dma.local [hbm:s3], $0xF7A  }
0x26: {  	[smem:$0x3F9B] =	sst s1;
	(tag) =	ssettag s2;
	_ =	strace s9  }
0x27: {  	s1 =	sld [smem:$0x3FAB]  }
0x28: {  	s2 =	sld [smem:$0x3FAC]  }
0x29: {  	s4 =	sld [smem:$0x3FAE]  }
0x2a: {  	p0 =	seq.s32 s5, $0x0;
	s5 =	sld [smem:$0x3FAF]  }
0x2b: {  	s6 =	sld [smem:$0x3FB0]  }
0x2c: {  	s7 =	sld [smem:$0x3FB1]  }
0x2d: {  	s3 =	simm.s32 $0x108;
	s8 =	sld [smem:$0x3FB2]  }
0x2e: {  	s3 =	simm.s32 @!p0 $0x1082;
	s9 =	sld [smem:$0x3FB3]  }
0x2f: {  	lr =	sadd.s32 s0, s3;
	s0 =	sld [smem:$0x3FAA]  }
0x30: {  	s3 =	sld [smem:$0x3FAD]  }
0x31: {  	[smem:$0x3FB6] =	sst s10  }
0x32: {  	s10 =	sld [smem:$0x3FB4];
	_ =	sdelay $0x3  }
0x33: {  	p0 =	seq.s32 s10, $0x1;
	s10 =	sld [smem:$0x3FB6];
	_ =	sdelay $0x3  }
0x34: {  	[smem:$0x3FB6] =	sst s10  }
0x35: {  	s10 =	sld [smem:$0x3FB5];
	_ =	sdelay $0x3  }
0x36: {  	p1 =	seq.s32 s10, $0x1;
	s10 =	sld [smem:$0x3FB6];
	_ =	sdelay $0x3  }
0x37: {  	[smem:$0x3FB6] =	sst s10  }
0x38: {  	s10 =	sld [smem:$0x3FB7]  }
0x39: {  	_ = 	snop;
	(pc) =	sbr.ind lr, $3  }
0x3a: {  	_ = 	snop  }
0x3b: {  	_ = 	snop  }
0x3c: {  	p2 =	seq.s32 s10, $0x1;
	s10 =	sld [smem:$0x3FB6]  }
0x3d: {  	_ =	shalt  }
0x3e: {  	_ =	shalt  }
0x3f: {  	_ =	shalt  }
0x40: {  	_ =	shalt  }
0x41: {  	_ =	shalt  }
0x42: {  	_ =	shalt  }
0x43: {  	_ =	shalt  }
0x44: {  	_ =	shalt  }
0x45: {  	_ =	shalt  }
0x46: {  	_ =	shalt  }
0x47: {  	_ =	shalt  }
0x48: {  	_ =	shalt  }
0x49: {  	_ =	shalt  }
0x4a: {  	_ =	shalt  }
0x4b: {  	_ =	shalt  }
0x4c: {  	_ =	shalt  }
0x4d: {  	_ =	shalt  }
0x4e: {  	_ =	shalt  }
0x4f: {  	_ =	shalt  }
0x50: {  	_ =	shalt  }
0x51: {  	_ =	shalt  }
0x52: {  	_ =	shalt  }
0x53: {  	_ =	shalt  }
0x54: {  	_ =	shalt  }
0x55: {  	_ =	shalt  }
0x56: {  	_ =	shalt  }
0x57: {  	_ =	shalt  }
0x58: {  	_ =	shalt  }
0x59: {  	_ =	shalt  }
0x5a: {  	_ =	shalt  }
0x5b: {  	_ =	shalt  }
0x5c: {  	_ =	shalt  }
0x5d: {  	_ =	shalt  }
0x5e: {  	_ =	shalt  }
0x5f: {  	_ =	shalt  }
0x60: {  	_ =	shalt  }
0x61: {  	_ =	shalt  }
0x62: {  	_ =	shalt  }
0x63: {  	_ =	shalt  }
0x64: {  	_ =	shalt  }
0x65: {  	_ =	shalt  }
0x66: {  	_ =	shalt  }
0x67: {  	_ =	shalt  }
0x68: {  	_ =	shalt  }
0x69: {  	_ =	shalt  }
0x6a: {  	_ =	shalt  }
0x6b: {  	_ =	shalt  }
0x6c: {  	_ =	shalt  }
0x6d: {  	_ =	shalt  }
0x6e: {  	_ =	shalt  }
0x6f: {  	_ =	shalt  }
0x70: {  	_ =	shalt  }
0x71: {  	_ =	shalt  }
0x72: {  	_ =	shalt  }
0x73: {  	_ =	shalt  }
0x74: {  	_ =	shalt  }
0x75: {  	_ =	shalt  }
0x76: {  	_ =	shalt  }
0x77: {  	_ =	shalt  }
0x78: {  	_ =	shalt  }
0x79: {  	_ =	shalt  }
0x7a: {  	_ =	shalt  }
0x7b: {  	_ =	shalt  }
0x7c: {  	_ =	shalt  }
0x7d: {  	_ =	shalt  }
0x7e: {  	_ =	shalt  }
0x7f: {  	_ =	shalt  }
0x80: {  	_ =	shalt  }
0x81: {  	_ =	shalt  }
0x82: {  	_ =	shalt  }
0x83: {  	_ =	shalt  }
0x84: {  	_ =	shalt  }
0x85: {  	_ =	shalt  }
0x86: {  	_ =	shalt  }
0x87: {  	_ =	shalt  }
.Lfunc_end0:
.L_simem_size_0:
called_computation_lowered:
.L_overlay_start_0:
0x88: {  	s2 =	sld [smem:$0x3FD9]  }
0x89: {  	s3 =	sld [smem:$0x3FFE];
	_ =	sdelay $0x1  }
0x8a: {  	s1 =	srdreg.scid  }
0x8b: {  	s0 =	sand.u32 $0x1, s1  }
0x8c: {  	s17 =	sshll.u32 s0, $0xA;
	s2 =	sadd.s32 s3, s2  }
0x8d: {  	s2 =	sadd.s32 s2, s17  }
0x8e: {  	[smem:$0x3FC2] =	sst s2  }
0x8f: {  	_ = 	snop  }
0x90: {  	s2 =	sld [smem:$0x3FD0];
	(tm) =	ssettm $0x1  }
0x91: {  	s18 =	sld [smem:$0x3FFB];
	_ =	sdelay $0x3  }
0x92: {  	_ =	strace s18  }
0x93: {  	s3 =	sld [smem:$0x3FFC];
	_ =	sdelay $0x3  }
0x94: {  	_ =	strace s3  }
0x95: {  	s3 =	sld [smem:$0x3FFD];
	_ =	sdelay $0x3  }
0x96: {  	_ =	strace s3  }
0x97: {  	_ =	strace $0x8FFFFFFF  }
0x98: {  	s19 =	sld [smem:$0x3FDB];
	_ =	sdelay $0x1  }
0x99: {  	s4 =	simm.s32 $_scs_section_size  }
0x9a: {  	s5 =	simm.s32 $_size__tile_overlayer_lowered;
	s6 =	simm.s32 $_tile_overlayer_lowered  }
0x9b: {  	s22 =	simm.s32 $0x1BFF;
	s21 =	sshll.u32 s6, $0x1;
	s3 =	sadd.s32 s4, s19  }
0x9c: {  	s7 =	simm.s32 $0x0;
	s20 =	sshll.u32 s5, $0x1;
	s5 =	sadd.s32 s21, s3  }
0x9d: {  	[timem:s7], [sflag:s22] =	dma.local [hbm:s5], s20  }
0x9e: {  	_ =	swait.ge [sflag:s22], s20  }
0x9f: {  	s4 =	ssub.s32 $0x0, s20;
	[sflag:s22] =	ssyncset.done $0x0  }
0xa0: {  	[sflag:s22] =	ssyncadd.s32 s4;
	_ =	sdelay $0x1  }
0xa1: {  	s23 =	simm.s32 $0x1B8B  }
0xa2: {  	_ =	swait.ge [sflag:s23], $0x1  }
0xa3: {  	[sflag:s23] =	ssyncset.done $0x0  }
0xa4: {  	s25 =	simm.s32 $0x1B8E;
	s24 =	sld [smem:$0x3FFE];
	[sflag:s23] =	ssyncadd.s32 $0xFFFFFFFF  }
0xa5: {  	s26 =	simm.s32 $execute0_lowered;
	[smem:$0x3FD2] =	sst s25  }
0xa6: {  	s5 =	sshll.u32 s26, $0x1;
	_ =	strace $0x80000046;
	[dreg:$0x1] =	wrdreg $0xFFFFFFFF  }
0xa7: {  	s28 =	simm.s32 $_size_execute0_lowered;
	s3 =	sadd.s32 s3, s5;
	[dreg:$0x0] =	wrdreg $0x0  }
0xa8: {  	s5 =	sshll.u32 s28, $0x1;
	[dreg:$0x2] =	wrdreg s3  }
0xa9: {  	[dreg:$0x3] =	wrdreg s5  }
0xaa: {  	[dreg:$0x4] =	wrdreg $0xC0  }
0xab: {  	_ =	task [dreg:s7], $0x5FFFF  }
0xac: {  	[dreg:$0x1] =	wrdreg $0xFFFFFFFF  }
0xad: {  	[dreg:$0x0] =	wrdreg $0x60  }
0xae: {  	[dreg:$0x2] =	wrdreg s24  }
0xaf: {  	[dreg:$0x3] =	wrdreg s2  }
0xb0: {  	[dreg:$0x4] =	wrdreg $0x37800  }
0xb1: {  	[dreg:$0x5] =	wrdreg $0x9  }
0xb2: {  	_ =	task.clear_ibuf [dreg:s7], $0x6FFFF;
	_ =	strace $0x90000046  }
0xb3: {  	s29 =	simm.s32 $0x9;
	_ =	strace $0x80000048  }
0xb4: {  	_ =	swait.ge [sflag:s29], $0x1  }
0xb5: {  	[sflag:s29] =	ssyncadd.s32 $0xFFFFFFFF  }
0xb6: {  	_ =	strace $0x90000048  }
0xb7: {  	_ =	sfence  }
0xb8: {  	s30 =	sld [smem:$0x0];
	_ =	sdelay $0x2  }
0xb9: {  	s31 =	sshll.u32 s1, $0xD;
	s1 =	sshrl.u32 s1, $0x2  }
0xba: {  	s3 =	sand.u32 $0x4000, s31;
	s1 =	sadd.s32 s1, s30  }
0xbb: {  	s0 =	sor.u32 s3, s0;
	s1 =	sshll.u32 s1, $0x11  }
0xbc: {  	s0 =	sor.u32 s1, s0  }
0xbd: {  	s0 =	sadd.s32 $0x8F2B, s0  }
0xbe: {  	[sflag:s0] =	ssyncadd.remote.s32 $0x1  }
0xbf: {  	_ =	sfence.sel $0xFFFF  }
0xc0: {  	[dreg:$0x0] =	wrdreg $0xFFFFFFFF;
	(pc) =	sbr.abs _section_cstart, $3  }
0xc1: {  	[dreg:$0x1] =	wrdreg $0xFFFFFFFF  }
0xc2: {  	_ =	task.clear_ibuf [dreg:s7], $0x2FFFF;
	_ =	strace $0x9FFFFFFF  }
0xc3: {  	(tm) =	ssettm $0x7FFFFFFF  }
tec
execute0_lowered:
.L_overlay_start_1:
0x0: {  	(tag) =	ssettag $0x1  }
0x1: {  	s5 =	rddreg [dreg:$0x0]  }
0x2: {  	s6 =	rddreg [dreg:$0x1]  }
0x3: {  	s0 =	srdreg.scid;
	s2 =	rddreg [dreg:$0x2]  }
0x4: {  	s3 =	simm.s32 $0x0;
	s12 =	simm.s32 $0x2F80;
	s13 =	simm.s32 $0x2  }
0x5: {  	s14 =	simm.s32 $0x80;
	s4 =	sand.u32 $0x1, s0;
	s0 =	stileid.u32  }
0x6: {  	s15 =	simm.s32 $0x2780;
	s16 =	simm.s32 $0x1;
	s8 =	smul.u32 $0xA000, s0  }
0x7: {  	[smem:$0x7FF] =	sst s3;
	s1 =	sshll.u32 s4, $0x4;
	s9 =	smul.u32 $0x28000, s4  }
0x8: {  	s4 =	ssub.s32 $0x2, s4;
	s10 =	smul.u32 $0x2800, s0;
	s17 =	sshll.u32 s0, $0x6  }
0x9: {  	s1 =	sor.u32 s0, s1;
	s29 =	sshrl.u32 s4, $0x1;
	s17 =	sor.u32 $0x1C02, s17  }
0xa: {  	s7 =	smul.u32 $0x4F0, s1;
	s1 =	rddreg [dreg:$0x3];
	_ =	strace $0x80000047  }
0xb: {  	s30 =	sshrl.u32 s8, $0x2;
	s31 =	sadd.s32 s10, s9;
	s18 =	sadd.s32 s10, s2  }
0xc: {  	s8 =	sshrl.u32 s31, $0x3;
	s18 =	sshrl.u32 s18, $0x3;
	s5 =	sadd.s32 s7, s5  }
0xd: {  	s7 =	ssub.s32 s4, s29;
	s4 =	sadd.s32 s30, s2;
	s6 =	sadd.s32 s6, s8  }
0xe: {  	s5 =	sadd.s32 $0x1A00, s5;
	s7 =	smax.u32 s7, $0x1;
	s8 =	sadd.s32 $0x800, s4  }
0xf: {  	v0 =	vimm.f32 $1.000000000e+00;
	v1 =	vimm.f32 $0.0e+00;
	s9 =	sadd.s32 $0x1000, s4;
	s10 =	sadd.s32 $0x1800, s4;
	s11 =	sadd.s32 $0x2000, s4  }
.LBB2_1:
0x10: {  	s19 =	simm.s32 $0x40;
	s20 =	simm.s32 $0x0  }
.LBB2_2:
0x11: {  	p0 =	sne.s32 s19, $0x1FC0;
	[tilespmem:s20+$0x2780] =	vst v0;
	s21 =	smov.u32 s19;
	s19 =	sadd.s32 $0x40, s19  }
.Ltmp0:
0x12: {  	[tilespmem:s20+$0x2F80] =	vst v1;
	(pc) =	sbr.rel @p0 .LBB2_2-.Ltmp0, $2  }
0x13: {  	_ =	sdelay $0x2  }
0x14: {  	s20 =	sshra.s32 s21, $0x2  }
0x15: {  	[tilespmem:s20+$0x2780] =	vst v0  }
0x16: {  	[tilespmem:s20+$0x2F80] =	vst v1  }
0x17: {  	[spmem:s4] =	stream.linear.scatter [tilespmem:s12], [sflag:$0x2], $0x800, $0x38;
	[tilespmem:$0x5F80] =	vst v63  }
0x18: {  	_ =	swait.ge [sflag:s13], $0x800  }
0x19: {  	[sflag:s13] =	ssyncset.done $0x0  }
0x1a: {  	[sflag:s13] =	ssyncadd.s32 $0xFFFFF800  }
0x1b: {  	[spmem:s8] =	stream.linear.scatter [tilespmem:s12], [sflag:$0x2], $0x800, $0x38;
	[tilespmem:$0x5F80] =	vst v63  }
0x1c: {  	_ =	swait.ge [sflag:s13], $0x800  }
0x1d: {  	[sflag:s13] =	ssyncset.done $0x0  }
0x1e: {  	[sflag:s13] =	ssyncadd.s32 $0xFFFFF800  }
0x1f: {  	[spmem:s9] =	stream.linear.scatter [tilespmem:s12], [sflag:$0x2], $0x800, $0x38;
	[tilespmem:$0x5F80] =	vst v63  }
0x20: {  	_ =	swait.ge [sflag:s13], $0x800  }
0x21: {  	[sflag:s13] =	ssyncset.done $0x0  }
0x22: {  	[sflag:s13] =	ssyncadd.s32 $0xFFFFF800  }
0x23: {  	[spmem:s10] =	stream.linear.scatter [tilespmem:s12], [sflag:$0x2], $0x800, $0x38;
	[tilespmem:$0x5F80] =	vst v63  }
0x24: {  	_ =	swait.ge [sflag:s13], $0x800  }
0x25: {  	[sflag:s13] =	ssyncset.done $0x0  }
0x26: {  	[sflag:s13] =	ssyncadd.s32 $0xFFFFF800  }
0x27: {  	[spmem:s11] =	stream.linear.scatter [tilespmem:s12], [sflag:$0x2], $0x800, $0x38;
	[tilespmem:$0x5F80] =	vst v63  }
0x28: {  	_ =	swait.ge [sflag:s13], $0x800  }
0x29: {  	[sflag:s13] =	ssyncset.done $0x0  }
0x2a: {  	[sflag:s13] =	ssyncadd.s32 $0xFFFFF800  }
0x2b: {  	s19 =	simm.s32 $0x0;
	[bflag:$0x0] =	sbarrier.arrive $0xFFFF  }
0x2c: {  	[tilespmem:s19], [sflag:$0x2] =	stream.linear.gather [hbm4b:s5+s19], $0x2780, $0x38;
	[tilespmem:$0x5F80] =	vst v63  }
0x2d: {  	_ =	swait.ge [sflag:s13], $0x2780  }
0x2e: {  	[sflag:s13] =	ssyncset.done $0x0  }
0x2f: {  	[sflag:s13] =	ssyncadd.s32 $0xFFFFD880  }
.LBB2_4:
0x30: {  	p0 =	sne.s32 s19, $0x9C00  }
.Ltmp1:
0x31: {  	_ = 	snop;
	(pc) =	sbr.rel @p0 .LBB2_4-.Ltmp1, $3  }
0x32: {  	_ =	sdelay $0x1  }
0x33: {  	s20 =	sshra.s32 s19, $0x2;
	s19 =	sadd.s32 $0x200, s19  }
0x34: {  	[spmem:s2] =	stream.indirect.scatter.add.f32 [tilespmem:s15], [sflag:$0x1], $0x10, s20, s14, $0xb8;
	[tilespmem:$0x5F80] =	vst v63  }
0x35: {  	_ =	swait.ge [sflag:s16], $0x800  }
0x36: {  	s19 =	simm.s32 $0x4E;
	[sflag:s16] =	ssyncset.done $0x0  }
.LBB2_6:
0x37: {  	p0 =	sne.s32 s19, $0x1;
	s19 =	sadd.s32 $0xFFFFFFFF, s19;
	[sflag:s16] =	ssyncadd.s32 $0xFFFFF800  }
.Ltmp2:
0x38: {  	(pc) =	sbr.rel @p0 .LBB2_6-.Ltmp2, $3  }
0x39: {  	_ =	sdelay $0x1  }
0x3a: {  	_ =	swait.ge [sflag:s16], $0x800  }
0x3b: {  	[sflag:s16] =	ssyncset.done $0x0  }
0x3c: {  	s3 =	sadd.s32 $0x1, s3  }
0x3d: {  	[sflag:s16] =	ssyncadd.s32 $0xFFFFF800;
	p0 =	sne.s32 s3, s7  }
.Ltmp3:
0x3e: {  	[bflag:$0x0] =	sbarrier.arrive $0xFFFF;
	(pc) =	sbr.rel @p0 .LBB2_1-.Ltmp3, $4  }
0x3f: {  	[hbm:s6], [sflag:s17] =	dma.local [spmem:s18], $0x500  }
0x40: {  	_ =	swait.ge [sflag:s13], $0x500  }
0x41: {  	[sflag:s13] =	ssyncset.done $0x0  }
0x42: {  	[sflag:s13] =	ssyncadd.s32 $0xFFFFFB00  }
0x43: {  	_ =	sfence.sel $0x180000  }
0x44: {  	[bflag:$0x0] =	sbarrier.arrive $0xFFFF  }
0x45: {  	p0 =	sne.s32 s0, $0x0;
	_ =	strace $0x90000047  }
0x46: {  	s0 =	sadd.s32 @!p0 $0x100000, s1;
	[bflag:$0x2] =	sbarrier.arrive $0xFFFF  }
0x47: {  	[sflag:s0] =	ssyncadd.tile.s32 @!p0 $0x1;
	_ =	shalt  }
.Lfunc_end2:
_tile_overlayer_lowered:
.L_overlay_start_2:
0x48: {  	(tag) =	ssettag $0x2  }
0x49: {  	s0 =	rddreg [dreg:$0x0];
	s2 =	stileid.u32  }
0x4a: {  	s1 =	rddreg [dreg:$0x1];
	p0 =	sne.s32 s2, $0x0  }
0x4b: {  	s3 =	rddreg [dreg:$0x2];
	[bflag:$0x3] =	sbarrier.arrive $0xFFFF;
	s2 =	simm.s32 @!p0 $0x1C02  }
0x4c: {  	[timem:s3], [sflag:s2] =	dma.local @!p0 [hbm:s0], s1  }
0x4d: {  	s0 =	simm.s32 @!p0 $0x2  }
0x4e: {  	_ =	swait.ge @!p0 [sflag:s0], s1  }
0x4f: {  	s1 =	ssub.s32 @!p0 $0x0, s1;
	[sflag:s0] =	ssyncset.done @!p0 $0x0  }
0x50: {  	[sflag:s0] =	ssyncadd.s32 @!p0 s1  }
0x51: {  	[bflag:$0x3] =	sbarrier.arrive $0xFFFF  }
0x52: {  	_ =	shalt  }

// kernel: kernel.9.cloned.1.call-start
scs
__scs_entry_jumppad:
0x0: {  	(pc) =	sbr.rel $0x88, $3  }
0x1: {  	(tag) =	ssettag $0x0;
	lr =	simm.s32 $0x1  }
0x2: {  	[smem:$0x3F9B] =	sst lr;
	_ =	strace $0xD0000000  }
0x3: {  	_ = 	snop  }
0x4: {  	_ = 	snop  }
0x5: {  	_ = 	snop  }
0x6: {  	_ = 	snop  }
0x7: {  	_ = 	snop  }
__scs_overlays_trampoline_lowered:
0x8: {  	[smem:$0x3FAA] =	sst s0  }
0x9: {  	[smem:$0x3FAB] =	sst s1  }
0xa: {  	[smem:$0x3FAC] =	sst s2  }
0xb: {  	[smem:$0x3FAD] =	sst s3  }
0xc: {  	[smem:$0x3FAE] =	sst s4  }
0xd: {  	[smem:$0x3FAF] =	sst s5  }
0xe: {  	[smem:$0x3FB0] =	sst s6  }
0xf: {  	[smem:$0x3FB1] =	sst s7  }
0x10: {  	[smem:$0x3FB2] =	sst s8  }
0x11: {  	[smem:$0x3FB3] =	sst s9;
	s0 =	simm.s32 @!p0 $0x0  }
0x12: {  	s1 =	sld [smem:$0x3F99];
	s0 =	simm.s32 @p0 $0x1  }
0x13: {  	[smem:$0x3FB4] =	sst s0;
	s0 =	simm.s32 @!p1 $0x0  }
0x14: {  	s2 =	sld [smem:$0x3F98];
	s0 =	simm.s32 @p1 $0x1  }
0x15: {  	[smem:$0x3FB5] =	sst s0;
	s0 =	simm.s32 @!p2 $0x0  }
0x16: {  	s3 =	sld [smem:$0x3FDB];
	s0 =	simm.s32 @p2 $0x1  }
0x17: {  	s4 =	simm.s32 $0x1BF5;
	[smem:$0x3FB7] =	sst s0  }
0x18: {  	s0 =	sld [smem:$0x3F9A];
	_ =	swait.ge [sflag:s4], $0x0  }
0x19: {  	s7 =	sld [smem:$0x3F9B]  }
0x1a: {  	s8 =	sadd.s32 $0xFFFFE003, lr  }
0x1b: {  	s9 =	sadd.s32 $0xFFFFFEF7, lr;
	s5 =	simm.s32 $0xFFFFFFFF;
	p2 =	slt.u32 s8, $0xFFFFF086  }
0x1c: {  	p1 =	slt.u32 s9, $0xF7A;
	s5 =	simm.s32 @!p2 $0x0  }
0x1d: {  	s5 =	simm.s32 @p1 $0x1;
	p0 =	seq.s32 s7, s2  }
0x1e: {  	s7 =	smul.u32 @!p0 $0xF7A, s2;
	p2 =	seq.s32 @!p0 s5, $0x0  }
0x1f: {  	s9 =	smul.u32 $0xF7A, s1;
	s8 =	simm.s32 @!p0 $0x1BF5;
	p2 =	por !p2, p0  }
0x20: {  	[sflag:s8] =	ssyncset.s32 @!p0 $0xFFFFF086;
	s6 =	sadd.s32 @!p0 s3, s7;
	s7 =	simm.s32 @!p0 $0x108  }
0x21: {  	s3 =	sadd.s32 s3, s9;
	s6 =	sadd.s32 @!p0 $0x88, s6;
	s7 =	simm.s32 @p2 $0x1082  }
0x22: {  	[simem:s7], [sflag:s8] =	dma.local @!p0 [hbm:s6], $0xF7A  }
0x23: {  	s9 =	sor.u32 $0xD0000000, s2;
	s6 =	simm.s32 $0x108;
	_ =	swait.ge @!p0 [sflag:s8], $0x0  }
0x24: {  	s3 =	sadd.s32 $0x88, s3;
	s6 =	simm.s32 @!p1 $0x1082;
	[sflag:s4] =	ssyncset.s32 $0xFFFFF086  }
0x25: {  	[simem:s6], [sflag:s4] =	dma.local [hbm:s3], $0xF7A  }
0x26: {  	[smem:$0x3F9B] =	sst s1;
	(tag) =	ssettag s2;
	_ =	strace s9  }
0x27: {  	s1 =	sld [smem:$0x3FAB]  }
0x28: {  	s2 =	sld [smem:$0x3FAC]  }
0x29: {  	s4 =	sld [smem:$0x3FAE]  }
0x2a: {  	p0 =	seq.s32 s5, $0x0;
	s5 =	sld [smem:$0x3FAF]  }
0x2b: {  	s6 =	sld [smem:$0x3FB0]  }
0x2c: {  	s7 =	sld [smem:$0x3FB1]  }
0x2d: {  	s3 =	simm.s32 $0x108;
	s8 =	sld [smem:$0x3FB2]  }
0x2e: {  	s3 =	simm.s32 @!p0 $0x1082;
	s9 =	sld [smem:$0x3FB3]  }
0x2f: {  	lr =	sadd.s32 s0, s3;
	s0 =	sld [smem:$0x3FAA]  }
0x30: {  	s3 =	sld [smem:$0x3FAD]  }
0x31: {  	[smem:$0x3FB6] =	sst s10  }
0x32: {  	s10 =	sld [smem:$0x3FB4];
	_ =	sdelay $0x3  }
0x33: {  	p0 =	seq.s32 s10, $0x1;
	s10 =	sld [smem:$0x3FB6];
	_ =	sdelay $0x3  }
0x34: {  	[smem:$0x3FB6] =	sst s10  }
0x35: {  	s10 =	sld [smem:$0x3FB5];
	_ =	sdelay $0x3  }
0x36: {  	p1 =	seq.s32 s10, $0x1;
	s10 =	sld [smem:$0x3FB6];
	_ =	sdelay $0x3  }
0x37: {  	[smem:$0x3FB6] =	sst s10  }
0x38: {  	s10 =	sld [smem:$0x3FB7]  }
0x39: {  	_ = 	snop;
	(pc) =	sbr.ind lr, $3  }
0x3a: {  	_ = 	snop  }
0x3b: {  	_ = 	snop  }
0x3c: {  	p2 =	seq.s32 s10, $0x1;
	s10 =	sld [smem:$0x3FB6]  }
0x3d: {  	_ =	shalt  }
0x3e: {  	_ =	shalt  }
0x3f: {  	_ =	shalt  }
0x40: {  	_ =	shalt  }
0x41: {  	_ =	shalt  }
0x42: {  	_ =	shalt  }
0x43: {  	_ =	shalt  }
0x44: {  	_ =	shalt  }
0x45: {  	_ =	shalt  }
0x46: {  	_ =	shalt  }
0x47: {  	_ =	shalt  }
0x48: {  	_ =	shalt  }
0x49: {  	_ =	shalt  }
0x4a: {  	_ =	shalt  }
0x4b: {  	_ =	shalt  }
0x4c: {  	_ =	shalt  }
0x4d: {  	_ =	shalt  }
0x4e: {  	_ =	shalt  }
0x4f: {  	_ =	shalt  }
0x50: {  	_ =	shalt  }
0x51: {  	_ =	shalt  }
0x52: {  	_ =	shalt  }
0x53: {  	_ =	shalt  }
0x54: {  	_ =	shalt  }
0x55: {  	_ =	shalt  }
0x56: {  	_ =	shalt  }
0x57: {  	_ =	shalt  }
0x58: {  	_ =	shalt  }
0x59: {  	_ =	shalt  }
0x5a: {  	_ =	shalt  }
0x5b: {  	_ =	shalt  }
0x5c: {  	_ =	shalt  }
0x5d: {  	_ =	shalt  }
0x5e: {  	_ =	shalt  }
0x5f: {  	_ =	shalt  }
0x60: {  	_ =	shalt  }
0x61: {  	_ =	shalt  }
0x62: {  	_ =	shalt  }
0x63: {  	_ =	shalt  }
0x64: {  	_ =	shalt  }
0x65: {  	_ =	shalt  }
0x66: {  	_ =	shalt  }
0x67: {  	_ =	shalt  }
0x68: {  	_ =	shalt  }
0x69: {  	_ =	shalt  }
0x6a: {  	_ =	shalt  }
0x6b: {  	_ =	shalt  }
0x6c: {  	_ =	shalt  }
0x6d: {  	_ =	shalt  }
0x6e: {  	_ =	shalt  }
0x6f: {  	_ =	shalt  }
0x70: {  	_ =	shalt  }
0x71: {  	_ =	shalt  }
0x72: {  	_ =	shalt  }
0x73: {  	_ =	shalt  }
0x74: {  	_ =	shalt  }
0x75: {  	_ =	shalt  }
0x76: {  	_ =	shalt  }
0x77: {  	_ =	shalt  }
0x78: {  	_ =	shalt  }
0x79: {  	_ =	shalt  }
0x7a: {  	_ =	shalt  }
0x7b: {  	_ =	shalt  }
0x7c: {  	_ =	shalt  }
0x7d: {  	_ =	shalt  }
0x7e: {  	_ =	shalt  }
0x7f: {  	_ =	shalt  }
0x80: {  	_ =	shalt  }
0x81: {  	_ =	shalt  }
0x82: {  	_ =	shalt  }
0x83: {  	_ =	shalt  }
0x84: {  	_ =	shalt  }
0x85: {  	_ =	shalt  }
0x86: {  	_ =	shalt  }
0x87: {  	_ =	shalt  }
.Lfunc_end0:
.L_simem_size_0:
called_computation.1_lowered:
.L_overlay_start_0:
0x88: {  	s2 =	sld [smem:$0x3FD9]  }
0x89: {  	s3 =	sld [smem:$0x3FFE];
	_ =	sdelay $0x1  }
0x8a: {  	s1 =	srdreg.scid  }
0x8b: {  	s0 =	sand.u32 $0x1, s1  }
0x8c: {  	s17 =	sshll.u32 s0, $0xA;
	s2 =	sadd.s32 s3, s2  }
0x8d: {  	s2 =	sadd.s32 s2, s17  }
0x8e: {  	[smem:$0x3FC2] =	sst s2  }
0x8f: {  	_ = 	snop  }
0x90: {  	s2 =	sld [smem:$0x3FD0];
	(tm) =	ssettm $0x1  }
0x91: {  	s18 =	sld [smem:$0x3FFB];
	_ =	sdelay $0x3  }
0x92: {  	_ =	strace s18  }
0x93: {  	s3 =	sld [smem:$0x3FFC];
	_ =	sdelay $0x3  }
0x94: {  	_ =	strace s3  }
0x95: {  	s3 =	sld [smem:$0x3FFD];
	_ =	sdelay $0x3  }
0x96: {  	_ =	strace s3  }
0x97: {  	_ =	strace $0x8FFFFFFF  }
0x98: {  	s19 =	sld [smem:$0x3FDB];
	_ =	sdelay $0x1  }
0x99: {  	s4 =	simm.s32 $_scs_section_size  }
0x9a: {  	s5 =	simm.s32 $_size__tile_overlayer_lowered;
	s6 =	simm.s32 $_tile_overlayer_lowered  }
0x9b: {  	s22 =	simm.s32 $0x1BFF;
	s21 =	sshll.u32 s6, $0x1;
	s3 =	sadd.s32 s4, s19  }
0x9c: {  	s7 =	simm.s32 $0x0;
	s20 =	sshll.u32 s5, $0x1;
	s5 =	sadd.s32 s21, s3  }
0x9d: {  	[timem:s7], [sflag:s22] =	dma.local [hbm:s5], s20  }
0x9e: {  	_ =	swait.ge [sflag:s22], s20  }
0x9f: {  	s4 =	ssub.s32 $0x0, s20;
	[sflag:s22] =	ssyncset.done $0x0  }
0xa0: {  	[sflag:s22] =	ssyncadd.s32 s4;
	_ =	sdelay $0x1  }
0xa1: {  	s23 =	simm.s32 $0x1B8B  }
0xa2: {  	_ =	swait.ge [sflag:s23], $0x1  }
0xa3: {  	[sflag:s23] =	ssyncset.done $0x0  }
0xa4: {  	s25 =	simm.s32 $0x1B8E;
	s24 =	sld [smem:$0x3FFE];
	[sflag:s23] =	ssyncadd.s32 $0xFFFFFFFF  }
0xa5: {  	s26 =	simm.s32 $execute0_lowered;
	[smem:$0x3FD2] =	sst s25  }
0xa6: {  	s5 =	sshll.u32 s26, $0x1;
	_ =	strace $0x80000049;
	[dreg:$0x1] =	wrdreg $0xFFFFFFFF  }
0xa7: {  	s28 =	simm.s32 $_size_execute0_lowered;
	s3 =	sadd.s32 s3, s5;
	[dreg:$0x0] =	wrdreg $0x0  }
0xa8: {  	s5 =	sshll.u32 s28, $0x1;
	[dreg:$0x2] =	wrdreg s3  }
0xa9: {  	[dreg:$0x3] =	wrdreg s5  }
0xaa: {  	[dreg:$0x4] =	wrdreg $0xC0  }
0xab: {  	_ =	task [dreg:s7], $0x5FFFF  }
0xac: {  	[dreg:$0x1] =	wrdreg $0xFFFFFFFF  }
0xad: {  	[dreg:$0x0] =	wrdreg $0x60  }
0xae: {  	[dreg:$0x2] =	wrdreg s2  }
0xaf: {  	[dreg:$0x3] =	wrdreg s24  }
0xb0: {  	[dreg:$0x4] =	wrdreg $0xC0000  }
0xb1: {  	[dreg:$0x5] =	wrdreg $0x9  }
0xb2: {  	_ =	task.clear_ibuf [dreg:s7], $0x6FFFF;
	_ =	strace $0x90000049  }
0xb3: {  	s29 =	simm.s32 $0x9;
	_ =	strace $0x8000004B  }
0xb4: {  	_ =	swait.ge [sflag:s29], $0x1  }
0xb5: {  	[sflag:s29] =	ssyncadd.s32 $0xFFFFFFFF  }
0xb6: {  	_ =	strace $0x9000004B  }
0xb7: {  	_ =	sfence  }
0xb8: {  	s30 =	sld [smem:$0x0];
	_ =	sdelay $0x2  }
0xb9: {  	s31 =	sshll.u32 s1, $0xD;
	s1 =	sshrl.u32 s1, $0x2  }
0xba: {  	s3 =	sand.u32 $0x4000, s31;
	s1 =	sadd.s32 s1, s30  }
0xbb: {  	s0 =	sor.u32 s3, s0;
	s1 =	sshll.u32 s1, $0x11  }
0xbc: {  	s0 =	sor.u32 s1, s0  }
0xbd: {  	s0 =	sadd.s32 $0x8F2B, s0  }
0xbe: {  	[sflag:s0] =	ssyncadd.remote.s32 $0x1  }
0xbf: {  	_ =	sfence.sel $0xFFFF  }
0xc0: {  	[dreg:$0x0] =	wrdreg $0xFFFFFFFF;
	(pc) =	sbr.abs _section_cstart, $3  }
0xc1: {  	[dreg:$0x1] =	wrdreg $0xFFFFFFFF  }
0xc2: {  	_ =	task.clear_ibuf [dreg:s7], $0x2FFFF;
	_ =	strace $0x9FFFFFFF  }
0xc3: {  	(tm) =	ssettm $0x7FFFFFFF  }
tec
execute0_lowered:
.L_overlay_start_1:
0x0: {  	(tag) =	ssettag $0x1  }
0x1: {  	s1 =	rddreg [dreg:$0x0]  }
0x2: {  	s0 =	rddreg [dreg:$0x1]  }
0x3: {  	s2 =	rddreg [dreg:$0x2]  }
0x4: {  	s3 =	srdreg.scid;
	s4 =	simm.s32 $0x0;
	s9 =	stileid.u32  }
0x5: {  	s3 =	sand.u32 $0x1, s3;
	[smem:$0x7FF] =	sst s4;
	s6 =	smul.u32 $0x13C00, s9  }
0x6: {  	s7 =	sadd.s32 $0xB800, s0;
	s13 =	smul.u32 $0x4F000, s9;
	s14 =	sadd.s32 $0x17800, s0  }
0x7: {  	s5 =	smul.u32 $0x13C000, s3;
	s8 =	sshll.u32 s3, $0x4;
	s3 =	ssub.s32 $0x2, s3  }
0x8: {  	_ =	strace $0x8000004A;
	s12 =	sor.u32 s9, s8;
	s16 =	sshrl.u32 s3, $0x1  }
0x9: {  	s15 =	sshrl.u32 s13, $0x2;
	s5 =	sadd.s32 s6, s5;
	s3 =	ssub.s32 s3, s16  }
0xa: {  	s6 =	smul.u32 $0x3000, s12;
	s5 =	sshrl.u32 s5, $0x3;
	s23 =	smax.u32 s3, $0x1  }
0xb: {  	s0 =	sadd.s32 s5, s0;
	s5 =	sadd.s32 s15, s2;
	[dreg:$0xe] =	wrdreg s23  }
0xc: {  	s6 =	sshrl.u32 s6, $0x3;
	s17 =	sadd.s32 $0x11800, s5;
	[dreg:$0x13] =	wrdreg s5  }
0xd: {  	s10 =	sadd.s32 s7, s6;
	[dreg:$0x4] =	wrdreg s17  }
0xe: {  	s19 =	sadd.s32 s14, s6;
	[dreg:$0x5] =	wrdreg s10  }
0xf: {  	s29 =	simm.s32 $0x8800;
	s0 =	sadd.s32 $0x73800, s0;
	[dreg:$0x6] =	wrdreg s19  }
0x10: {  	s30 =	simm.s32 $0x1;
	s24 =	sadd.s32 $0x3800, s5;
	[dreg:$0xd] =	wrdreg s0  }
0x11: {  	s31 =	simm.s32 $0x4;
	s25 =	sadd.s32 $0x7000, s5;
	[dreg:$0xf] =	wrdreg s24  }
0x12: {  	s11 =	simm.s32 $0x6;
	s26 =	sadd.s32 $0xA800, s5;
	[dreg:$0x10] =	wrdreg s25  }
0x13: {  	s18 =	sor.u32 $0x180, s6;
	s28 =	sadd.s32 $0xE000, s5;
	[dreg:$0x11] =	wrdreg s26  }
0x14: {  	s9 =	simm.s32 $0x3;
	s20 =	sadd.s32 s7, s18;
	[dreg:$0x12] =	wrdreg s28  }
0x15: {  	s21 =	sadd.s32 $0x300, s6;
	s8 =	sadd.s32 s14, s18;
	[dreg:$0x7] =	wrdreg s20  }
0x16: {  	s6 =	sadd.s32 $0x480, s6;
	s22 =	sadd.s32 s7, s21;
	[dreg:$0x8] =	wrdreg s8  }
0x17: {  	s3 =	simm.s32 $0x2;
	s7 =	sadd.s32 s7, s6;
	[dreg:$0x9] =	wrdreg s22  }
0x18: {  	s6 =	sadd.s32 s14, s6;
	s24 =	simm.s32 $0x70;
	[dreg:$0xb] =	wrdreg s7  }
0x19: {  	s26 =	simm.s32 $0x5000;
	s8 =	sadd.s32 s14, s21;
	[dreg:$0xc] =	wrdreg s6  }
0x1a: {  	s21 =	simm.s32 $0x1800;
	s22 =	simm.s32 $0x7;
	s7 =	simm.s32 $0x5  }
0x1b: {  	v0 =	vimm.f32 $0.0e+00;
	s6 =	simm.s32 $0xC00;
	[dreg:$0xa] =	wrdreg s8;
	s8 =	simm.s32 $0x0  }
.LBB2_1:
0x1c: {  	s10 =	simm.s32 $0x0;
	s12 =	simm.s32 $0x200  }
.LBB2_2:
0x1d: {  	p0 =	sne.s32 s12, $0xDE00;
	[tilespmem:s10+$0x1870] =	vst v0  }
0x1e: {  	[tilespmem:s10+$0x1800] =	vst v0  }
0x1f: {  	[tilespmem:s10+$0x1810] =	vst v0  }
.Ltmp0:
0x20: {  	[tilespmem:s10+$0x1820] =	vst v0;
	(pc) =	sbr.rel @p0 .LBB2_2-.Ltmp0, $4  }
0x21: {  	[tilespmem:s10+$0x1830] =	vst v0  }
0x22: {  	[tilespmem:s10+$0x1840] =	vst v0  }
0x23: {  	[tilespmem:s10+$0x1850] =	vst v0  }
0x24: {  	[tilespmem:s10+$0x1860] =	vst v0;
	s10 =	sshra.s32 s12, $0x2;
	s12 =	sadd.s32 $0x200, s12  }
0x25: {  	[tilespmem:s10+$0x1870] =	vst v0  }
0x26: {  	[tilespmem:s10+$0x1800] =	vst v0  }
0x27: {  	[tilespmem:s10+$0x1810] =	vst v0  }
0x28: {  	[tilespmem:s10+$0x1820] =	vst v0  }
0x29: {  	[tilespmem:s10+$0x1830] =	vst v0  }
0x2a: {  	[tilespmem:s10+$0x1840] =	vst v0  }
0x2b: {  	[tilespmem:s10+$0x1850] =	vst v0  }
0x2c: {  	[tilespmem:s10+$0x1860] =	vst v0;
	s0 =	rddreg [dreg:$0x13]  }
0x2d: {  	[spmem:s0] =	stream.linear.scatter [tilespmem:s21], [sflag:$0x7], $0x3800, $0x38;
	[tilespmem:$0x1FC00] =	vst v63  }
0x2e: {  	_ =	swait.ge [sflag:s22], $0x3800  }
0x2f: {  	[sflag:s22] =	ssyncset.done $0x0  }
0x30: {  	s28 =	rddreg [dreg:$0xf];
	[sflag:s22] =	ssyncadd.s32 $0xFFFFC800  }
0x31: {  	[spmem:s28] =	stream.linear.scatter [tilespmem:s21], [sflag:$0x7], $0x3800, $0x38;
	[tilespmem:$0x1FC00] =	vst v63  }
0x32: {  	_ =	swait.ge [sflag:s22], $0x3800  }
0x33: {  	[sflag:s22] =	ssyncset.done $0x0  }
0x34: {  	s0 =	rddreg [dreg:$0x10];
	[sflag:s22] =	ssyncadd.s32 $0xFFFFC800  }
0x35: {  	[spmem:s0] =	stream.linear.scatter [tilespmem:s21], [sflag:$0x7], $0x3800, $0x38;
	[tilespmem:$0x1FC00] =	vst v63  }
0x36: {  	_ =	swait.ge [sflag:s22], $0x3800  }
0x37: {  	[sflag:s22] =	ssyncset.done $0x0  }
0x38: {  	s4 =	rddreg [dreg:$0x11];
	[sflag:s22] =	ssyncadd.s32 $0xFFFFC800  }
0x39: {  	[spmem:s4] =	stream.linear.scatter [tilespmem:s21], [sflag:$0x7], $0x3800, $0x38;
	[tilespmem:$0x1FC00] =	vst v63  }
0x3a: {  	_ =	swait.ge [sflag:s22], $0x3800  }
0x3b: {  	[sflag:s22] =	ssyncset.done $0x0  }
0x3c: {  	s5 =	rddreg [dreg:$0x12];
	[sflag:s22] =	ssyncadd.s32 $0xFFFFC800  }
0x3d: {  	[spmem:s5] =	stream.linear.scatter [tilespmem:s21], [sflag:$0x7], $0x3800, $0x38;
	[tilespmem:$0x1FC00] =	vst v63  }
0x3e: {  	_ =	swait.ge [sflag:s22], $0x3800  }
0x3f: {  	[sflag:s22] =	ssyncset.done $0x0  }
0x40: {  	s12 =	rddreg [dreg:$0x4];
	[sflag:s22] =	ssyncadd.s32 $0xFFFFC800  }
0x41: {  	[spmem:s12] =	stream.linear.scatter [tilespmem:s21], [sflag:$0x7], $0x2400, $0x38;
	[tilespmem:$0x1FC00] =	vst v63  }
0x42: {  	_ =	swait.ge [sflag:s22], $0x2400  }
0x43: {  	[sflag:s22] =	ssyncset.done $0x0  }
0x44: {  	[sflag:s22] =	ssyncadd.s32 $0xFFFFDC00  }
0x45: {  	[bflag:$0x0] =	sbarrier.arrive $0xFFFF  }
0x46: {  	s4 =	simm.s32 $0x0;
	s13 =	rddreg [dreg:$0x5]  }
0x47: {  	[tilespmem:s4], [sflag:$0x7] =	stream.linear.gather [hbm4b:s13+s4], $0xC00, $0x38;
	[tilespmem:$0x1FC00] =	vst v63  }
0x48: {  	_ =	swait.ge [sflag:s22], $0xC00  }
0x49: {  	[sflag:s22] =	ssyncset.done $0x0  }
0x4a: {  	s14 =	rddreg [dreg:$0x6];
	[sflag:s22] =	ssyncadd.s32 $0xFFFFF400  }
0x4b: {  	[tilespmem:s6], [sflag:$0x7] =	stream.linear.gather [hbm4b:s14+s4], $0xC00, $0x38;
	[tilespmem:$0x1FC00] =	vst v63  }
0x4c: {  	_ =	swait.ge [sflag:s22], $0xC00  }
0x4d: {  	[sflag:s22] =	ssyncset.done $0x0  }
0x4e: {  	[sflag:s22] =	ssyncadd.s32 $0xFFFFF400  }
0x4f: {  	[tilespmem:s21], [sflag:$0x1] =	stream.indirect.gather [hbm4b:s1+s24], $0x80, s4, s24, $0xb8;
	[tilespmem:$0x1FC00] =	vst v63  }
0x50: {  	s15 =	simm.s32 $0x80  }
0x51: {  	[tilespmem:s26], [sflag:$0x2] =	stream.indirect.gather [hbm4b:s1+s24], $0x80, s15, s24, $0xb8;
	[tilespmem:$0x1FC00] =	vst v63  }
0x52: {  	s16 =	simm.s32 $0x100  }
0x53: {  	[tilespmem:s29], [sflag:$0x3] =	stream.indirect.gather [hbm4b:s1+s24], $0x80, s16, s24, $0xb8;
	[tilespmem:$0x1FC00] =	vst v63  }
0x54: {  	_ =	swait.ge [sflag:s30], $0x3800  }
0x55: {  	[sflag:s30] =	ssyncset.done $0x0  }
0x56: {  	[sflag:s30] =	ssyncadd.s32 $0xFFFFC800  }
0x57: {  	[spmem:s2] =	stream.indirect.scatter.add.f32 [tilespmem:s21], [sflag:$0x4], $0x80, s6, s24, $0xb8;
	[tilespmem:$0x1FC00] =	vst v63  }
0x58: {  	_ =	swait.ge [sflag:s31], $0x3800  }
0x59: {  	[sflag:s31] =	ssyncset.done $0x0  }
0x5a: {  	s17 =	simm.s32 $0x180;
	[sflag:s31] =	ssyncadd.s32 $0xFFFFC800  }
0x5b: {  	[tilespmem:s21], [sflag:$0x1] =	stream.indirect.gather [hbm4b:s1+s24], $0x80, s17, s24, $0xb8;
	[tilespmem:$0x1FC00] =	vst v63  }
0x5c: {  	_ =	swait.ge [sflag:s3], $0x3800  }
0x5d: {  	[sflag:s3] =	ssyncset.done $0x0  }
0x5e: {  	s18 =	simm.s32 $0xC80;
	[sflag:s3] =	ssyncadd.s32 $0xFFFFC800  }
0x5f: {  	[spmem:s2] =	stream.indirect.scatter.add.f32 [tilespmem:s26], [sflag:$0x5], $0x80, s18, s24, $0xb8;
	[tilespmem:$0x1FC00] =	vst v63  }
0x60: {  	_ =	swait.ge [sflag:s7], $0x3800  }
0x61: {  	[sflag:s7] =	ssyncset.done $0x0  }
0x62: {  	s19 =	simm.s32 $0x200;
	[sflag:s7] =	ssyncadd.s32 $0xFFFFC800  }
0x63: {  	[tilespmem:s26], [sflag:$0x2] =	stream.indirect.gather [hbm4b:s1+s24], $0x80, s19, s24, $0xb8;
	[tilespmem:$0x1FC00] =	vst v63  }
0x64: {  	_ =	swait.ge [sflag:s9], $0x3800  }
0x65: {  	[sflag:s9] =	ssyncset.done $0x0  }
0x66: {  	s20 =	simm.s32 $0xD00;
	[sflag:s9] =	ssyncadd.s32 $0xFFFFC800  }
0x67: {  	[spmem:s2] =	stream.indirect.scatter.add.f32 [tilespmem:s29], [sflag:$0x6], $0x80, s20, s24, $0xb8;
	[tilespmem:$0x1FC00] =	vst v63  }
0x68: {  	_ =	swait.ge [sflag:s11], $0x3800  }
0x69: {  	[sflag:s11] =	ssyncset.done $0x0  }
0x6a: {  	s23 =	simm.s32 $0x280;
	[sflag:s11] =	ssyncadd.s32 $0xFFFFC800  }
0x6b: {  	[tilespmem:s29], [sflag:$0x3] =	stream.indirect.gather [hbm4b:s1+s24], $0x80, s23, s24, $0xb8;
	[tilespmem:$0x1FC00] =	vst v63  }
0x6c: {  	_ =	swait.ge [sflag:s30], $0x3800  }
0x6d: {  	[sflag:s30] =	ssyncset.done $0x0  }
0x6e: {  	s25 =	simm.s32 $0xD80;
	[sflag:s30] =	ssyncadd.s32 $0xFFFFC800  }
0x6f: {  	[spmem:s2] =	stream.indirect.scatter.add.f32 [tilespmem:s21], [sflag:$0x4], $0x80, s25, s24, $0xb8;
	[tilespmem:$0x1FC00] =	vst v63  }
0x70: {  	_ =	swait.ge [sflag:s31], $0x3800  }
0x71: {  	[sflag:s31] =	ssyncset.done $0x0  }
0x72: {  	s28 =	simm.s32 $0x300;
	[sflag:s31] =	ssyncadd.s32 $0xFFFFC800  }
0x73: {  	[tilespmem:s21], [sflag:$0x1] =	stream.indirect.gather [hbm4b:s1+s24], $0x80, s28, s24, $0xb8;
	[tilespmem:$0x1FC00] =	vst v63  }
0x74: {  	_ =	swait.ge [sflag:s3], $0x3800  }
0x75: {  	[sflag:s3] =	ssyncset.done $0x0  }
0x76: {  	s5 =	simm.s32 $0xE00;
	[sflag:s3] =	ssyncadd.s32 $0xFFFFC800  }
0x77: {  	[spmem:s2] =	stream.indirect.scatter.add.f32 [tilespmem:s26], [sflag:$0x5], $0x80, s5, s24, $0xb8;
	[tilespmem:$0x1FC00] =	vst v63  }
0x78: {  	_ =	swait.ge [sflag:s7], $0x3800  }
0x79: {  	[sflag:s7] =	ssyncset.done $0x0  }
0x7a: {  	s10 =	simm.s32 $0x380;
	[sflag:s7] =	ssyncadd.s32 $0xFFFFC800  }
0x7b: {  	[tilespmem:s26], [sflag:$0x2] =	stream.indirect.gather [hbm4b:s1+s24], $0x80, s10, s24, $0xb8;
	[tilespmem:$0x1FC00] =	vst v63  }
0x7c: {  	_ =	swait.ge [sflag:s9], $0x3800  }
0x7d: {  	[sflag:s9] =	ssyncset.done $0x0  }
0x7e: {  	s12 =	simm.s32 $0xE80;
	[sflag:s9] =	ssyncadd.s32 $0xFFFFC800  }
0x7f: {  	[spmem:s2] =	stream.indirect.scatter.add.f32 [tilespmem:s29], [sflag:$0x6], $0x80, s12, s24, $0xb8;
	[tilespmem:$0x1FC00] =	vst v63  }
0x80: {  	_ =	swait.ge [sflag:s11], $0x3800  }
0x81: {  	[sflag:s11] =	ssyncset.done $0x0  }
0x82: {  	s13 =	simm.s32 $0x400;
	[sflag:s11] =	ssyncadd.s32 $0xFFFFC800  }
0x83: {  	[tilespmem:s29], [sflag:$0x3] =	stream.indirect.gather [hbm4b:s1+s24], $0x80, s13, s24, $0xb8;
	[tilespmem:$0x1FC00] =	vst v63  }
0x84: {  	_ =	swait.ge [sflag:s30], $0x3800  }
0x85: {  	[sflag:s30] =	ssyncset.done $0x0  }
0x86: {  	s14 =	simm.s32 $0xF00;
	[sflag:s30] =	ssyncadd.s32 $0xFFFFC800  }
0x87: {  	[spmem:s2] =	stream.indirect.scatter.add.f32 [tilespmem:s21], [sflag:$0x4], $0x80, s14, s24, $0xb8;
	[tilespmem:$0x1FC00] =	vst v63  }
0x88: {  	_ =	swait.ge [sflag:s31], $0x3800  }
0x89: {  	[sflag:s31] =	ssyncset.done $0x0  }
0x8a: {  	s15 =	simm.s32 $0x480;
	[sflag:s31] =	ssyncadd.s32 $0xFFFFC800  }
0x8b: {  	[tilespmem:s21], [sflag:$0x1] =	stream.indirect.gather [hbm4b:s1+s24], $0x80, s15, s24, $0xb8;
	[tilespmem:$0x1FC00] =	vst v63  }
0x8c: {  	_ =	swait.ge [sflag:s3], $0x3800  }
0x8d: {  	[sflag:s3] =	ssyncset.done $0x0  }
0x8e: {  	s16 =	simm.s32 $0xF80;
	[sflag:s3] =	ssyncadd.s32 $0xFFFFC800  }
0x8f: {  	[spmem:s2] =	stream.indirect.scatter.add.f32 [tilespmem:s26], [sflag:$0x5], $0x80, s16, s24, $0xb8;
	[tilespmem:$0x1FC00] =	vst v63  }
0x90: {  	_ =	swait.ge [sflag:s7], $0x3800  }
0x91: {  	[sflag:s7] =	ssyncset.done $0x0  }
0x92: {  	s17 =	simm.s32 $0x500;
	[sflag:s7] =	ssyncadd.s32 $0xFFFFC800  }
0x93: {  	[tilespmem:s26], [sflag:$0x2] =	stream.indirect.gather [hbm4b:s1+s24], $0x80, s17, s24, $0xb8;
	[tilespmem:$0x1FC00] =	vst v63  }
0x94: {  	_ =	swait.ge [sflag:s9], $0x3800  }
0x95: {  	[sflag:s9] =	ssyncset.done $0x0  }
0x96: {  	s18 =	simm.s32 $0x1000;
	[sflag:s9] =	ssyncadd.s32 $0xFFFFC800  }
0x97: {  	[spmem:s2] =	stream.indirect.scatter.add.f32 [tilespmem:s29], [sflag:$0x6], $0x80, s18, s24, $0xb8;
	[tilespmem:$0x1FC00] =	vst v63  }
0x98: {  	_ =	swait.ge [sflag:s11], $0x3800  }
0x99: {  	[sflag:s11] =	ssyncset.done $0x0  }
0x9a: {  	s19 =	simm.s32 $0x580;
	[sflag:s11] =	ssyncadd.s32 $0xFFFFC800  }
0x9b: {  	[tilespmem:s29], [sflag:$0x3] =	stream.indirect.gather [hbm4b:s1+s24], $0x80, s19, s24, $0xb8;
	[tilespmem:$0x1FC00] =	vst v63  }
0x9c: {  	_ =	swait.ge [sflag:s30], $0x3800  }
0x9d: {  	[sflag:s30] =	ssyncset.done $0x0  }
0x9e: {  	s20 =	simm.s32 $0x1080;
	[sflag:s30] =	ssyncadd.s32 $0xFFFFC800  }
0x9f: {  	[spmem:s2] =	stream.indirect.scatter.add.f32 [tilespmem:s21], [sflag:$0x4], $0x80, s20, s24, $0xb8;
	[tilespmem:$0x1FC00] =	vst v63  }
0xa0: {  	_ =	swait.ge [sflag:s31], $0x3800  }
0xa1: {  	[sflag:s31] =	ssyncset.done $0x0  }
0xa2: {  	s23 =	simm.s32 $0x600;
	[sflag:s31] =	ssyncadd.s32 $0xFFFFC800  }
0xa3: {  	[tilespmem:s21], [sflag:$0x1] =	stream.indirect.gather [hbm4b:s1+s24], $0x80, s23, s24, $0xb8;
	[tilespmem:$0x1FC00] =	vst v63  }
0xa4: {  	_ =	swait.ge [sflag:s3], $0x3800  }
0xa5: {  	[sflag:s3] =	ssyncset.done $0x0  }
0xa6: {  	s25 =	simm.s32 $0x1100;
	[sflag:s3] =	ssyncadd.s32 $0xFFFFC800  }
0xa7: {  	[spmem:s2] =	stream.indirect.scatter.add.f32 [tilespmem:s26], [sflag:$0x5], $0x80, s25, s24, $0xb8;
	[tilespmem:$0x1FC00] =	vst v63  }
0xa8: {  	_ =	swait.ge [sflag:s7], $0x3800  }
0xa9: {  	[sflag:s7] =	ssyncset.done $0x0  }
0xaa: {  	s28 =	simm.s32 $0x680;
	[sflag:s7] =	ssyncadd.s32 $0xFFFFC800  }
0xab: {  	[tilespmem:s26], [sflag:$0x2] =	stream.indirect.gather [hbm4b:s1+s24], $0x80, s28, s24, $0xb8;
	[tilespmem:$0x1FC00] =	vst v63  }
0xac: {  	_ =	swait.ge [sflag:s9], $0x3800  }
0xad: {  	[sflag:s9] =	ssyncset.done $0x0  }
0xae: {  	s5 =	simm.s32 $0x1180;
	[sflag:s9] =	ssyncadd.s32 $0xFFFFC800  }
0xaf: {  	[spmem:s2] =	stream.indirect.scatter.add.f32 [tilespmem:s29], [sflag:$0x6], $0x80, s5, s24, $0xb8;
	[tilespmem:$0x1FC00] =	vst v63  }
0xb0: {  	_ =	swait.ge [sflag:s11], $0x3800  }
0xb1: {  	[sflag:s11] =	ssyncset.done $0x0  }
0xb2: {  	s10 =	simm.s32 $0x700;
	[sflag:s11] =	ssyncadd.s32 $0xFFFFC800  }
0xb3: {  	[tilespmem:s29], [sflag:$0x3] =	stream.indirect.gather [hbm4b:s1+s24], $0x80, s10, s24, $0xb8;
	[tilespmem:$0x1FC00] =	vst v63  }
0xb4: {  	_ =	swait.ge [sflag:s30], $0x3800  }
0xb5: {  	[sflag:s30] =	ssyncset.done $0x0  }
0xb6: {  	s12 =	simm.s32 $0x1200;
	[sflag:s30] =	ssyncadd.s32 $0xFFFFC800  }
0xb7: {  	[spmem:s2] =	stream.indirect.scatter.add.f32 [tilespmem:s21], [sflag:$0x4], $0x80, s12, s24, $0xb8;
	[tilespmem:$0x1FC00] =	vst v63  }
0xb8: {  	_ =	swait.ge [sflag:s31], $0x3800  }
0xb9: {  	[sflag:s31] =	ssyncset.done $0x0  }
0xba: {  	s13 =	simm.s32 $0x780;
	[sflag:s31] =	ssyncadd.s32 $0xFFFFC800  }
0xbb: {  	[tilespmem:s21], [sflag:$0x1] =	stream.indirect.gather [hbm4b:s1+s24], $0x80, s13, s24, $0xb8;
	[tilespmem:$0x1FC00] =	vst v63  }
0xbc: {  	_ =	swait.ge [sflag:s3], $0x3800  }
0xbd: {  	[sflag:s3] =	ssyncset.done $0x0  }
0xbe: {  	s14 =	simm.s32 $0x1280;
	[sflag:s3] =	ssyncadd.s32 $0xFFFFC800  }
0xbf: {  	[spmem:s2] =	stream.indirect.scatter.add.f32 [tilespmem:s26], [sflag:$0x5], $0x80, s14, s24, $0xb8;
	[tilespmem:$0x1FC00] =	vst v63  }
0xc0: {  	_ =	swait.ge [sflag:s7], $0x3800  }
0xc1: {  	[sflag:s7] =	ssyncset.done $0x0  }
0xc2: {  	s15 =	simm.s32 $0x800;
	[sflag:s7] =	ssyncadd.s32 $0xFFFFC800  }
0xc3: {  	[tilespmem:s26], [sflag:$0x2] =	stream.indirect.gather [hbm4b:s1+s24], $0x80, s15, s24, $0xb8;
	[tilespmem:$0x1FC00] =	vst v63  }
0xc4: {  	_ =	swait.ge [sflag:s9], $0x3800  }
0xc5: {  	[sflag:s9] =	ssyncset.done $0x0  }
0xc6: {  	s16 =	simm.s32 $0x1300;
	[sflag:s9] =	ssyncadd.s32 $0xFFFFC800  }
0xc7: {  	[spmem:s2] =	stream.indirect.scatter.add.f32 [tilespmem:s29], [sflag:$0x6], $0x80, s16, s24, $0xb8;
	[tilespmem:$0x1FC00] =	vst v63  }
0xc8: {  	_ =	swait.ge [sflag:s11], $0x3800  }
0xc9: {  	[sflag:s11] =	ssyncset.done $0x0  }
0xca: {  	s17 =	simm.s32 $0x880;
	[sflag:s11] =	ssyncadd.s32 $0xFFFFC800  }
0xcb: {  	[tilespmem:s29], [sflag:$0x3] =	stream.indirect.gather [hbm4b:s1+s24], $0x80, s17, s24, $0xb8;
	[tilespmem:$0x1FC00] =	vst v63  }
0xcc: {  	_ =	swait.ge [sflag:s30], $0x3800  }
0xcd: {  	[sflag:s30] =	ssyncset.done $0x0  }
0xce: {  	s18 =	simm.s32 $0x1380;
	[sflag:s30] =	ssyncadd.s32 $0xFFFFC800  }
0xcf: {  	[spmem:s2] =	stream.indirect.scatter.add.f32 [tilespmem:s21], [sflag:$0x4], $0x80, s18, s24, $0xb8;
	[tilespmem:$0x1FC00] =	vst v63  }
0xd0: {  	_ =	swait.ge [sflag:s31], $0x3800  }
0xd1: {  	[sflag:s31] =	ssyncset.done $0x0  }
0xd2: {  	s19 =	simm.s32 $0x900;
	[sflag:s31] =	ssyncadd.s32 $0xFFFFC800  }
0xd3: {  	[tilespmem:s21], [sflag:$0x1] =	stream.indirect.gather [hbm4b:s1+s24], $0x80, s19, s24, $0xb8;
	[tilespmem:$0x1FC00] =	vst v63  }
0xd4: {  	_ =	swait.ge [sflag:s3], $0x3800  }
0xd5: {  	[sflag:s3] =	ssyncset.done $0x0  }
0xd6: {  	s5 =	simm.s32 $0x1400;
	[sflag:s3] =	ssyncadd.s32 $0xFFFFC800  }
0xd7: {  	[spmem:s2] =	stream.indirect.scatter.add.f32 [tilespmem:s26], [sflag:$0x5], $0x80, s5, s24, $0xb8;
	[tilespmem:$0x1FC00] =	vst v63  }
0xd8: {  	_ =	swait.ge [sflag:s7], $0x3800  }
0xd9: {  	[sflag:s7] =	ssyncset.done $0x0  }
0xda: {  	s20 =	simm.s32 $0x980;
	[sflag:s7] =	ssyncadd.s32 $0xFFFFC800  }
0xdb: {  	[tilespmem:s26], [sflag:$0x2] =	stream.indirect.gather [hbm4b:s1+s24], $0x80, s20, s24, $0xb8;
	[tilespmem:$0x1FC00] =	vst v63  }
0xdc: {  	_ =	swait.ge [sflag:s9], $0x3800  }
0xdd: {  	[sflag:s9] =	ssyncset.done $0x0  }
0xde: {  	s23 =	simm.s32 $0x1480;
	[sflag:s9] =	ssyncadd.s32 $0xFFFFC800  }
0xdf: {  	[spmem:s2] =	stream.indirect.scatter.add.f32 [tilespmem:s29], [sflag:$0x6], $0x80, s23, s24, $0xb8;
	[tilespmem:$0x1FC00] =	vst v63  }
0xe0: {  	_ =	swait.ge [sflag:s11], $0x3800  }
0xe1: {  	[sflag:s11] =	ssyncset.done $0x0  }
0xe2: {  	s25 =	simm.s32 $0xA00;
	[sflag:s11] =	ssyncadd.s32 $0xFFFFC800  }
0xe3: {  	[tilespmem:s29], [sflag:$0x3] =	stream.indirect.gather [hbm4b:s1+s24], $0x80, s25, s24, $0xb8;
	[tilespmem:$0x1FC00] =	vst v63  }
0xe4: {  	_ =	swait.ge [sflag:s30], $0x3800  }
0xe5: {  	[sflag:s30] =	ssyncset.done $0x0  }
0xe6: {  	s28 =	simm.s32 $0x1500;
	[sflag:s30] =	ssyncadd.s32 $0xFFFFC800  }
0xe7: {  	[spmem:s2] =	stream.indirect.scatter.add.f32 [tilespmem:s21], [sflag:$0x4], $0x80, s28, s24, $0xb8;
	[tilespmem:$0x1FC00] =	vst v63  }
0xe8: {  	_ =	swait.ge [sflag:s31], $0x3800  }
0xe9: {  	[sflag:s31] =	ssyncset.done $0x0  }
0xea: {  	s5 =	simm.s32 $0xA80;
	[sflag:s31] =	ssyncadd.s32 $0xFFFFC800  }
0xeb: {  	[tilespmem:s21], [sflag:$0x1] =	stream.indirect.gather [hbm4b:s1+s24], $0x80, s5, s24, $0xb8;
	[tilespmem:$0x1FC00] =	vst v63  }
0xec: {  	_ =	swait.ge [sflag:s3], $0x3800  }
0xed: {  	[sflag:s3] =	ssyncset.done $0x0  }
0xee: {  	s10 =	simm.s32 $0x1580;
	[sflag:s3] =	ssyncadd.s32 $0xFFFFC800  }
0xef: {  	[spmem:s2] =	stream.indirect.scatter.add.f32 [tilespmem:s26], [sflag:$0x5], $0x80, s10, s24, $0xb8;
	[tilespmem:$0x1FC00] =	vst v63  }
0xf0: {  	_ =	swait.ge [sflag:s7], $0x3800  }
0xf1: {  	[sflag:s7] =	ssyncset.done $0x0  }
0xf2: {  	s12 =	simm.s32 $0xB00;
	[sflag:s7] =	ssyncadd.s32 $0xFFFFC800  }
0xf3: {  	[tilespmem:s26], [sflag:$0x2] =	stream.indirect.gather [hbm4b:s1+s24], $0x80, s12, s24, $0xb8;
	[tilespmem:$0x1FC00] =	vst v63  }
0xf4: {  	_ =	swait.ge [sflag:s9], $0x3800  }
0xf5: {  	[sflag:s9] =	ssyncset.done $0x0  }
0xf6: {  	s13 =	simm.s32 $0x1600;
	[sflag:s9] =	ssyncadd.s32 $0xFFFFC800  }
0xf7: {  	[spmem:s2] =	stream.indirect.scatter.add.f32 [tilespmem:s29], [sflag:$0x6], $0x80, s13, s24, $0xb8;
	[tilespmem:$0x1FC00] =	vst v63  }
0xf8: {  	_ =	swait.ge [sflag:s11], $0x3800  }
0xf9: {  	[sflag:s11] =	ssyncset.done $0x0  }
0xfa: {  	s14 =	simm.s32 $0xB80;
	[sflag:s11] =	ssyncadd.s32 $0xFFFFC800  }
0xfb: {  	[tilespmem:s29], [sflag:$0x3] =	stream.indirect.gather [hbm4b:s1+s24], $0x80, s14, s24, $0xb8;
	[tilespmem:$0x1FC00] =	vst v63  }
0xfc: {  	_ =	swait.ge [sflag:s30], $0x3800  }
0xfd: {  	[sflag:s30] =	ssyncset.done $0x0  }
0xfe: {  	s15 =	simm.s32 $0x1680;
	[sflag:s30] =	ssyncadd.s32 $0xFFFFC800  }
0xff: {  	[spmem:s2] =	stream.indirect.scatter.add.f32 [tilespmem:s21], [sflag:$0x4], $0x80, s15, s24, $0xb8;
	[tilespmem:$0x1FC00] =	vst v63  }
0x100: {  	_ =	swait.ge [sflag:s31], $0x3800  }
0x101: {  	[sflag:s31] =	ssyncset.done $0x0  }
0x102: {  	[sflag:s31] =	ssyncadd.s32 $0xFFFFC800  }
0x103: {  	_ =	swait.ge [sflag:s3], $0x3800  }
0x104: {  	[sflag:s3] =	ssyncset.done $0x0  }
0x105: {  	s16 =	simm.s32 $0x1700;
	[sflag:s3] =	ssyncadd.s32 $0xFFFFC800  }
0x106: {  	[spmem:s2] =	stream.indirect.scatter.add.f32 [tilespmem:s26], [sflag:$0x5], $0x80, s16, s24, $0xb8;
	[tilespmem:$0x1FC00] =	vst v63  }
0x107: {  	_ =	swait.ge [sflag:s7], $0x3800  }
0x108: {  	[sflag:s7] =	ssyncset.done $0x0  }
0x109: {  	[sflag:s7] =	ssyncadd.s32 $0xFFFFC800  }
0x10a: {  	_ =	swait.ge [sflag:s9], $0x3800  }
0x10b: {  	[sflag:s9] =	ssyncset.done $0x0  }
0x10c: {  	s17 =	simm.s32 $0x1780;
	[sflag:s9] =	ssyncadd.s32 $0xFFFFC800  }
0x10d: {  	[spmem:s2] =	stream.indirect.scatter.add.f32 [tilespmem:s29], [sflag:$0x6], $0x80, s17, s24, $0xb8;
	[tilespmem:$0x1FC00] =	vst v63  }
0x10e: {  	_ =	swait.ge [sflag:s11], $0x3800  }
0x10f: {  	[sflag:s11] =	ssyncset.done $0x0  }
0x110: {  	s18 =	rddreg [dreg:$0x7];
	[sflag:s11] =	ssyncadd.s32 $0xFFFFC800  }
0x111: {  	[tilespmem:s4], [sflag:$0x7] =	stream.linear.gather [hbm4b:s18+s4], $0xC00, $0x38;
	[tilespmem:$0x1FC00] =	vst v63  }
0x112: {  	_ =	swait.ge [sflag:s22], $0xC00  }
0x113: {  	[sflag:s22] =	ssyncset.done $0x0  }
0x114: {  	s19 =	rddreg [dreg:$0x8];
	[sflag:s22] =	ssyncadd.s32 $0xFFFFF400  }
0x115: {  	[tilespmem:s6], [sflag:$0x7] =	stream.linear.gather [hbm4b:s19+s4], $0xC00, $0x38;
	[tilespmem:$0x1FC00] =	vst v63  }
0x116: {  	_ =	swait.ge [sflag:s22], $0xC00  }
0x117: {  	[sflag:s22] =	ssyncset.done $0x0  }
0x118: {  	[sflag:s22] =	ssyncadd.s32 $0xFFFFF400  }
0x119: {  	[tilespmem:s21], [sflag:$0x1] =	stream.indirect.gather [hbm4b:s1+s24], $0x80, s4, s24, $0xb8;
	[tilespmem:$0x1FC00] =	vst v63  }
0x11a: {  	s23 =	simm.s32 $0x80  }
0x11b: {  	[tilespmem:s26], [sflag:$0x2] =	stream.indirect.gather [hbm4b:s1+s24], $0x80, s23, s24, $0xb8;
	[tilespmem:$0x1FC00] =	vst v63  }
0x11c: {  	s28 =	simm.s32 $0x100  }
0x11d: {  	[tilespmem:s29], [sflag:$0x3] =	stream.indirect.gather [hbm4b:s1+s24], $0x80, s28, s24, $0xb8;
	[tilespmem:$0x1FC00] =	vst v63  }
0x11e: {  	_ =	swait.ge [sflag:s30], $0x3800  }
0x11f: {  	[sflag:s30] =	ssyncset.done $0x0  }
0x120: {  	[sflag:s30] =	ssyncadd.s32 $0xFFFFC800  }
0x121: {  	[spmem:s2] =	stream.indirect.scatter.add.f32 [tilespmem:s21], [sflag:$0x4], $0x80, s6, s24, $0xb8;
	[tilespmem:$0x1FC00] =	vst v63  }
0x122: {  	_ =	swait.ge [sflag:s31], $0x3800  }
0x123: {  	[sflag:s31] =	ssyncset.done $0x0  }
0x124: {  	s25 =	simm.s32 $0x180;
	[sflag:s31] =	ssyncadd.s32 $0xFFFFC800  }
0x125: {  	[tilespmem:s21], [sflag:$0x1] =	stream.indirect.gather [hbm4b:s1+s24], $0x80, s25, s24, $0xb8;
	[tilespmem:$0x1FC00] =	vst v63  }
0x126: {  	_ =	swait.ge [sflag:s3], $0x3800  }
0x127: {  	[sflag:s3] =	ssyncset.done $0x0  }
0x128: {  	s0 =	simm.s32 $0xC80;
	[sflag:s3] =	ssyncadd.s32 $0xFFFFC800  }
0x129: {  	[spmem:s2] =	stream.indirect.scatter.add.f32 [tilespmem:s26], [sflag:$0x5], $0x80, s0, s24, $0xb8;
	[tilespmem:$0x1FC00] =	vst v63  }
0x12a: {  	_ =	swait.ge [sflag:s7], $0x3800  }
0x12b: {  	[sflag:s7] =	ssyncset.done $0x0  }
0x12c: {  	s5 =	simm.s32 $0x200;
	[sflag:s7] =	ssyncadd.s32 $0xFFFFC800  }
0x12d: {  	[tilespmem:s26], [sflag:$0x2] =	stream.indirect.gather [hbm4b:s1+s24], $0x80, s5, s24, $0xb8;
	[tilespmem:$0x1FC00] =	vst v63  }
0x12e: {  	_ =	swait.ge [sflag:s9], $0x3800  }
0x12f: {  	[sflag:s9] =	ssyncset.done $0x0  }
0x130: {  	s20 =	simm.s32 $0xD00;
	[sflag:s9] =	ssyncadd.s32 $0xFFFFC800  }
0x131: {  	[spmem:s2] =	stream.indirect.scatter.add.f32 [tilespmem:s29], [sflag:$0x6], $0x80, s20, s24, $0xb8;
	[tilespmem:$0x1FC00] =	vst v63  }
0x132: {  	_ =	swait.ge [sflag:s11], $0x3800  }
0x133: {  	[sflag:s11] =	ssyncset.done $0x0  }
0x134: {  	s12 =	simm.s32 $0x280;
	[sflag:s11] =	ssyncadd.s32 $0xFFFFC800  }
0x135: {  	[tilespmem:s29], [sflag:$0x3] =	stream.indirect.gather [hbm4b:s1+s24], $0x80, s12, s24, $0xb8;
	[tilespmem:$0x1FC00] =	vst v63  }
0x136: {  	_ =	swait.ge [sflag:s30], $0x3800  }
0x137: {  	[sflag:s30] =	ssyncset.done $0x0  }
0x138: {  	s13 =	simm.s32 $0xD80;
	[sflag:s30] =	ssyncadd.s32 $0xFFFFC800  }
0x139: {  	[spmem:s2] =	stream.indirect.scatter.add.f32 [tilespmem:s21], [sflag:$0x4], $0x80, s13, s24, $0xb8;
	[tilespmem:$0x1FC00] =	vst v63  }
0x13a: {  	_ =	swait.ge [sflag:s31], $0x3800  }
0x13b: {  	[sflag:s31] =	ssyncset.done $0x0  }
0x13c: {  	s14 =	simm.s32 $0x300;
	[sflag:s31] =	ssyncadd.s32 $0xFFFFC800  }
0x13d: {  	[tilespmem:s21], [sflag:$0x1] =	stream.indirect.gather [hbm4b:s1+s24], $0x80, s14, s24, $0xb8;
	[tilespmem:$0x1FC00] =	vst v63  }
0x13e: {  	_ =	swait.ge [sflag:s3], $0x3800  }
0x13f: {  	[sflag:s3] =	ssyncset.done $0x0  }
0x140: {  	s15 =	simm.s32 $0xE00;
	[sflag:s3] =	ssyncadd.s32 $0xFFFFC800  }
0x141: {  	[spmem:s2] =	stream.indirect.scatter.add.f32 [tilespmem:s26], [sflag:$0x5], $0x80, s15, s24, $0xb8;
	[tilespmem:$0x1FC00] =	vst v63  }
0x142: {  	_ =	swait.ge [sflag:s7], $0x3800  }
0x143: {  	[sflag:s7] =	ssyncset.done $0x0  }
0x144: {  	s16 =	simm.s32 $0x380;
	[sflag:s7] =	ssyncadd.s32 $0xFFFFC800  }
0x145: {  	[tilespmem:s26], [sflag:$0x2] =	stream.indirect.gather [hbm4b:s1+s24], $0x80, s16, s24, $0xb8;
	[tilespmem:$0x1FC00] =	vst v63  }
0x146: {  	_ =	swait.ge [sflag:s9], $0x3800  }
0x147: {  	[sflag:s9] =	ssyncset.done $0x0  }
0x148: {  	s17 =	simm.s32 $0xE80;
	[sflag:s9] =	ssyncadd.s32 $0xFFFFC800  }
0x149: {  	[spmem:s2] =	stream.indirect.scatter.add.f32 [tilespmem:s29], [sflag:$0x6], $0x80, s17, s24, $0xb8;
	[tilespmem:$0x1FC00] =	vst v63  }
0x14a: {  	_ =	swait.ge [sflag:s11], $0x3800  }
0x14b: {  	[sflag:s11] =	ssyncset.done $0x0  }
0x14c: {  	s18 =	simm.s32 $0x400;
	[sflag:s11] =	ssyncadd.s32 $0xFFFFC800  }
0x14d: {  	[tilespmem:s29], [sflag:$0x3] =	stream.indirect.gather [hbm4b:s1+s24], $0x80, s18, s24, $0xb8;
	[tilespmem:$0x1FC00] =	vst v63  }
0x14e: {  	_ =	swait.ge [sflag:s30], $0x3800  }
0x14f: {  	[sflag:s30] =	ssyncset.done $0x0  }
0x150: {  	s19 =	simm.s32 $0xF00;
	[sflag:s30] =	ssyncadd.s32 $0xFFFFC800  }
0x151: {  	[spmem:s2] =	stream.indirect.scatter.add.f32 [tilespmem:s21], [sflag:$0x4], $0x80, s19, s24, $0xb8;
	[tilespmem:$0x1FC00] =	vst v63  }
0x152: {  	_ =	swait.ge [sflag:s31], $0x3800  }
0x153: {  	[sflag:s31] =	ssyncset.done $0x0  }
0x154: {  	s20 =	simm.s32 $0x480;
	[sflag:s31] =	ssyncadd.s32 $0xFFFFC800  }
0x155: {  	[tilespmem:s21], [sflag:$0x1] =	stream.indirect.gather [hbm4b:s1+s24], $0x80, s20, s24, $0xb8;
	[tilespmem:$0x1FC00] =	vst v63  }
0x156: {  	_ =	swait.ge [sflag:s3], $0x3800  }
0x157: {  	[sflag:s3] =	ssyncset.done $0x0  }
0x158: {  	s10 =	simm.s32 $0xF80;
	[sflag:s3] =	ssyncadd.s32 $0xFFFFC800  }
0x159: {  	[spmem:s2] =	stream.indirect.scatter.add.f32 [tilespmem:s26], [sflag:$0x5], $0x80, s10, s24, $0xb8;
	[tilespmem:$0x1FC00] =	vst v63  }
0x15a: {  	_ =	swait.ge [sflag:s7], $0x3800  }
0x15b: {  	[sflag:s7] =	ssyncset.done $0x0  }
0x15c: {  	s10 =	simm.s32 $0x500;
	[sflag:s7] =	ssyncadd.s32 $0xFFFFC800  }
0x15d: {  	[tilespmem:s26], [sflag:$0x2] =	stream.indirect.gather [hbm4b:s1+s24], $0x80, s10, s24, $0xb8;
	[tilespmem:$0x1FC00] =	vst v63  }
0x15e: {  	_ =	swait.ge [sflag:s9], $0x3800  }
0x15f: {  	[sflag:s9] =	ssyncset.done $0x0  }
0x160: {  	s10 =	simm.s32 $0x1000;
	[sflag:s9] =	ssyncadd.s32 $0xFFFFC800  }
0x161: {  	[spmem:s2] =	stream.indirect.scatter.add.f32 [tilespmem:s29], [sflag:$0x6], $0x80, s10, s24, $0xb8;
	[tilespmem:$0x1FC00] =	vst v63  }
0x162: {  	_ =	swait.ge [sflag:s11], $0x3800  }
0x163: {  	[sflag:s11] =	ssyncset.done $0x0  }
0x164: {  	s10 =	simm.s32 $0x580;
	[sflag:s11] =	ssyncadd.s32 $0xFFFFC800  }
0x165: {  	[tilespmem:s29], [sflag:$0x3] =	stream.indirect.gather [hbm4b:s1+s24], $0x80, s10, s24, $0xb8;
	[tilespmem:$0x1FC00] =	vst v63  }
0x166: {  	_ =	swait.ge [sflag:s30], $0x3800  }
0x167: {  	[sflag:s30] =	ssyncset.done $0x0  }
0x168: {  	s10 =	simm.s32 $0x1080;
	[sflag:s30] =	ssyncadd.s32 $0xFFFFC800  }
0x169: {  	[spmem:s2] =	stream.indirect.scatter.add.f32 [tilespmem:s21], [sflag:$0x4], $0x80, s10, s24, $0xb8;
	[tilespmem:$0x1FC00] =	vst v63  }
0x16a: {  	_ =	swait.ge [sflag:s31], $0x3800  }
0x16b: {  	[sflag:s31] =	ssyncset.done $0x0  }
0x16c: {  	s10 =	simm.s32 $0x600;
	[sflag:s31] =	ssyncadd.s32 $0xFFFFC800  }
0x16d: {  	[tilespmem:s21], [sflag:$0x1] =	stream.indirect.gather [hbm4b:s1+s24], $0x80, s10, s24, $0xb8;
	[tilespmem:$0x1FC00] =	vst v63  }
0x16e: {  	_ =	swait.ge [sflag:s3], $0x3800  }
0x16f: {  	[sflag:s3] =	ssyncset.done $0x0  }
0x170: {  	s10 =	simm.s32 $0x1100;
	[sflag:s3] =	ssyncadd.s32 $0xFFFFC800  }
0x171: {  	[spmem:s2] =	stream.indirect.scatter.add.f32 [tilespmem:s26], [sflag:$0x5], $0x80, s10, s24, $0xb8;
	[tilespmem:$0x1FC00] =	vst v63  }
0x172: {  	_ =	swait.ge [sflag:s7], $0x3800  }
0x173: {  	[sflag:s7] =	ssyncset.done $0x0  }
0x174: {  	s10 =	simm.s32 $0x680;
	[sflag:s7] =	ssyncadd.s32 $0xFFFFC800  }
0x175: {  	[tilespmem:s26], [sflag:$0x2] =	stream.indirect.gather [hbm4b:s1+s24], $0x80, s10, s24, $0xb8;
	[tilespmem:$0x1FC00] =	vst v63  }
0x176: {  	_ =	swait.ge [sflag:s9], $0x3800  }
0x177: {  	[sflag:s9] =	ssyncset.done $0x0  }
0x178: {  	s10 =	simm.s32 $0x1180;
	[sflag:s9] =	ssyncadd.s32 $0xFFFFC800  }
0x179: {  	[spmem:s2] =	stream.indirect.scatter.add.f32 [tilespmem:s29], [sflag:$0x6], $0x80, s10, s24, $0xb8;
	[tilespmem:$0x1FC00] =	vst v63  }
0x17a: {  	_ =	swait.ge [sflag:s11], $0x3800  }
0x17b: {  	[sflag:s11] =	ssyncset.done $0x0  }
0x17c: {  	s10 =	simm.s32 $0x700;
	[sflag:s11] =	ssyncadd.s32 $0xFFFFC800  }
0x17d: {  	[tilespmem:s29], [sflag:$0x3] =	stream.indirect.gather [hbm4b:s1+s24], $0x80, s10, s24, $0xb8;
	[tilespmem:$0x1FC00] =	vst v63  }
0x17e: {  	_ =	swait.ge [sflag:s30], $0x3800  }
0x17f: {  	[sflag:s30] =	ssyncset.done $0x0  }
0x180: {  	s10 =	simm.s32 $0x1200;
	[sflag:s30] =	ssyncadd.s32 $0xFFFFC800  }
0x181: {  	[spmem:s2] =	stream.indirect.scatter.add.f32 [tilespmem:s21], [sflag:$0x4], $0x80, s10, s24, $0xb8;
	[tilespmem:$0x1FC00] =	vst v63  }
0x182: {  	_ =	swait.ge [sflag:s31], $0x3800  }
0x183: {  	[sflag:s31] =	ssyncset.done $0x0  }
0x184: {  	s10 =	simm.s32 $0x780;
	[sflag:s31] =	ssyncadd.s32 $0xFFFFC800  }
0x185: {  	[tilespmem:s21], [sflag:$0x1] =	stream.indirect.gather [hbm4b:s1+s24], $0x80, s10, s24, $0xb8;
	[tilespmem:$0x1FC00] =	vst v63  }
0x186: {  	_ =	swait.ge [sflag:s3], $0x3800  }
0x187: {  	[sflag:s3] =	ssyncset.done $0x0  }
0x188: {  	s10 =	simm.s32 $0x1280;
	[sflag:s3] =	ssyncadd.s32 $0xFFFFC800  }
0x189: {  	[spmem:s2] =	stream.indirect.scatter.add.f32 [tilespmem:s26], [sflag:$0x5], $0x80, s10, s24, $0xb8;
	[tilespmem:$0x1FC00] =	vst v63  }
0x18a: {  	_ =	swait.ge [sflag:s7], $0x3800  }
0x18b: {  	[sflag:s7] =	ssyncset.done $0x0  }
0x18c: {  	s10 =	simm.s32 $0x800;
	[sflag:s7] =	ssyncadd.s32 $0xFFFFC800  }
0x18d: {  	[tilespmem:s26], [sflag:$0x2] =	stream.indirect.gather [hbm4b:s1+s24], $0x80, s10, s24, $0xb8;
	[tilespmem:$0x1FC00] =	vst v63  }
0x18e: {  	_ =	swait.ge [sflag:s9], $0x3800  }
0x18f: {  	[sflag:s9] =	ssyncset.done $0x0  }
0x190: {  	s10 =	simm.s32 $0x1300;
	[sflag:s9] =	ssyncadd.s32 $0xFFFFC800  }
0x191: {  	[spmem:s2] =	stream.indirect.scatter.add.f32 [tilespmem:s29], [sflag:$0x6], $0x80, s10, s24, $0xb8;
	[tilespmem:$0x1FC00] =	vst v63  }
0x192: {  	_ =	swait.ge [sflag:s11], $0x3800  }
0x193: {  	[sflag:s11] =	ssyncset.done $0x0  }
0x194: {  	s10 =	simm.s32 $0x880;
	[sflag:s11] =	ssyncadd.s32 $0xFFFFC800  }
0x195: {  	[tilespmem:s29], [sflag:$0x3] =	stream.indirect.gather [hbm4b:s1+s24], $0x80, s10, s24, $0xb8;
	[tilespmem:$0x1FC00] =	vst v63  }
0x196: {  	_ =	swait.ge [sflag:s30], $0x3800  }
0x197: {  	[sflag:s30] =	ssyncset.done $0x0  }
0x198: {  	s10 =	simm.s32 $0x1380;
	[sflag:s30] =	ssyncadd.s32 $0xFFFFC800  }
0x199: {  	[spmem:s2] =	stream.indirect.scatter.add.f32 [tilespmem:s21], [sflag:$0x4], $0x80, s10, s24, $0xb8;
	[tilespmem:$0x1FC00] =	vst v63  }
0x19a: {  	_ =	swait.ge [sflag:s31], $0x3800  }
0x19b: {  	[sflag:s31] =	ssyncset.done $0x0  }
0x19c: {  	s10 =	simm.s32 $0x900;
	[sflag:s31] =	ssyncadd.s32 $0xFFFFC800  }
0x19d: {  	[tilespmem:s21], [sflag:$0x1] =	stream.indirect.gather [hbm4b:s1+s24], $0x80, s10, s24, $0xb8;
	[tilespmem:$0x1FC00] =	vst v63  }
0x19e: {  	_ =	swait.ge [sflag:s3], $0x3800  }
0x19f: {  	[sflag:s3] =	ssyncset.done $0x0  }
0x1a0: {  	s10 =	simm.s32 $0x1400;
	[sflag:s3] =	ssyncadd.s32 $0xFFFFC800  }
0x1a1: {  	[spmem:s2] =	stream.indirect.scatter.add.f32 [tilespmem:s26], [sflag:$0x5], $0x80, s10, s24, $0xb8;
	[tilespmem:$0x1FC00] =	vst v63  }
0x1a2: {  	_ =	swait.ge [sflag:s7], $0x3800  }
0x1a3: {  	[sflag:s7] =	ssyncset.done $0x0  }
0x1a4: {  	s10 =	simm.s32 $0x980;
	[sflag:s7] =	ssyncadd.s32 $0xFFFFC800  }
0x1a5: {  	[tilespmem:s26], [sflag:$0x2] =	stream.indirect.gather [hbm4b:s1+s24], $0x80, s10, s24, $0xb8;
	[tilespmem:$0x1FC00] =	vst v63  }
0x1a6: {  	_ =	swait.ge [sflag:s9], $0x3800  }
0x1a7: {  	[sflag:s9] =	ssyncset.done $0x0  }
0x1a8: {  	s10 =	simm.s32 $0x1480;
	[sflag:s9] =	ssyncadd.s32 $0xFFFFC800  }
0x1a9: {  	[spmem:s2] =	stream.indirect.scatter.add.f32 [tilespmem:s29], [sflag:$0x6], $0x80, s10, s24, $0xb8;
	[tilespmem:$0x1FC00] =	vst v63  }
0x1aa: {  	_ =	swait.ge [sflag:s11], $0x3800  }
0x1ab: {  	[sflag:s11] =	ssyncset.done $0x0  }
0x1ac: {  	s10 =	simm.s32 $0xA00;
	[sflag:s11] =	ssyncadd.s32 $0xFFFFC800  }
0x1ad: {  	[tilespmem:s29], [sflag:$0x3] =	stream.indirect.gather [hbm4b:s1+s24], $0x80, s10, s24, $0xb8;
	[tilespmem:$0x1FC00] =	vst v63  }
0x1ae: {  	_ =	swait.ge [sflag:s30], $0x3800  }
0x1af: {  	[sflag:s30] =	ssyncset.done $0x0  }
0x1b0: {  	s10 =	simm.s32 $0x1500;
	[sflag:s30] =	ssyncadd.s32 $0xFFFFC800  }
0x1b1: {  	[spmem:s2] =	stream.indirect.scatter.add.f32 [tilespmem:s21], [sflag:$0x4], $0x80, s10, s24, $0xb8;
	[tilespmem:$0x1FC00] =	vst v63  }
0x1b2: {  	_ =	swait.ge [sflag:s31], $0x3800  }
0x1b3: {  	[sflag:s31] =	ssyncset.done $0x0  }
0x1b4: {  	s10 =	simm.s32 $0xA80;
	[sflag:s31] =	ssyncadd.s32 $0xFFFFC800  }
0x1b5: {  	[tilespmem:s21], [sflag:$0x1] =	stream.indirect.gather [hbm4b:s1+s24], $0x80, s10, s24, $0xb8;
	[tilespmem:$0x1FC00] =	vst v63  }
0x1b6: {  	_ =	swait.ge [sflag:s3], $0x3800  }
0x1b7: {  	[sflag:s3] =	ssyncset.done $0x0  }
0x1b8: {  	s10 =	simm.s32 $0x1580;
	[sflag:s3] =	ssyncadd.s32 $0xFFFFC800  }
0x1b9: {  	[spmem:s2] =	stream.indirect.scatter.add.f32 [tilespmem:s26], [sflag:$0x5], $0x80, s10, s24, $0xb8;
	[tilespmem:$0x1FC00] =	vst v63  }
0x1ba: {  	_ =	swait.ge [sflag:s7], $0x3800  }
0x1bb: {  	[sflag:s7] =	ssyncset.done $0x0  }
0x1bc: {  	s10 =	simm.s32 $0xB00;
	[sflag:s7] =	ssyncadd.s32 $0xFFFFC800  }
0x1bd: {  	[tilespmem:s26], [sflag:$0x2] =	stream.indirect.gather [hbm4b:s1+s24], $0x80, s10, s24, $0xb8;
	[tilespmem:$0x1FC00] =	vst v63  }
0x1be: {  	_ =	swait.ge [sflag:s9], $0x3800  }
0x1bf: {  	[sflag:s9] =	ssyncset.done $0x0  }
0x1c0: {  	s10 =	simm.s32 $0x1600;
	[sflag:s9] =	ssyncadd.s32 $0xFFFFC800  }
0x1c1: {  	[spmem:s2] =	stream.indirect.scatter.add.f32 [tilespmem:s29], [sflag:$0x6], $0x80, s10, s24, $0xb8;
	[tilespmem:$0x1FC00] =	vst v63  }
0x1c2: {  	_ =	swait.ge [sflag:s11], $0x3800  }
0x1c3: {  	[sflag:s11] =	ssyncset.done $0x0  }
0x1c4: {  	s10 =	simm.s32 $0xB80;
	[sflag:s11] =	ssyncadd.s32 $0xFFFFC800  }
0x1c5: {  	[tilespmem:s29], [sflag:$0x3] =	stream.indirect.gather [hbm4b:s1+s24], $0x80, s10, s24, $0xb8;
	[tilespmem:$0x1FC00] =	vst v63  }
0x1c6: {  	_ =	swait.ge [sflag:s30], $0x3800  }
0x1c7: {  	[sflag:s30] =	ssyncset.done $0x0  }
0x1c8: {  	s10 =	simm.s32 $0x1680;
	[sflag:s30] =	ssyncadd.s32 $0xFFFFC800  }
0x1c9: {  	[spmem:s2] =	stream.indirect.scatter.add.f32 [tilespmem:s21], [sflag:$0x4], $0x80, s10, s24, $0xb8;
	[tilespmem:$0x1FC00] =	vst v63  }
0x1ca: {  	_ =	swait.ge [sflag:s31], $0x3800  }
0x1cb: {  	[sflag:s31] =	ssyncset.done $0x0  }
0x1cc: {  	[sflag:s31] =	ssyncadd.s32 $0xFFFFC800  }
0x1cd: {  	_ =	swait.ge [sflag:s3], $0x3800  }
0x1ce: {  	[sflag:s3] =	ssyncset.done $0x0  }
0x1cf: {  	s10 =	simm.s32 $0x1700;
	[sflag:s3] =	ssyncadd.s32 $0xFFFFC800  }
0x1d0: {  	[spmem:s2] =	stream.indirect.scatter.add.f32 [tilespmem:s26], [sflag:$0x5], $0x80, s10, s24, $0xb8;
	[tilespmem:$0x1FC00] =	vst v63  }
0x1d1: {  	_ =	swait.ge [sflag:s7], $0x3800  }
0x1d2: {  	[sflag:s7] =	ssyncset.done $0x0  }
0x1d3: {  	[sflag:s7] =	ssyncadd.s32 $0xFFFFC800  }
0x1d4: {  	_ =	swait.ge [sflag:s9], $0x3800  }
0x1d5: {  	[sflag:s9] =	ssyncset.done $0x0  }
0x1d6: {  	s10 =	simm.s32 $0x1780;
	[sflag:s9] =	ssyncadd.s32 $0xFFFFC800  }
0x1d7: {  	[spmem:s2] =	stream.indirect.scatter.add.f32 [tilespmem:s29], [sflag:$0x6], $0x80, s10, s24, $0xb8;
	[tilespmem:$0x1FC00] =	vst v63  }
0x1d8: {  	_ =	swait.ge [sflag:s11], $0x3800  }
0x1d9: {  	[sflag:s11] =	ssyncset.done $0x0  }
0x1da: {  	s10 =	rddreg [dreg:$0x9];
	[sflag:s11] =	ssyncadd.s32 $0xFFFFC800  }
0x1db: {  	[tilespmem:s4], [sflag:$0x7] =	stream.linear.gather [hbm4b:s10+s4], $0xC00, $0x38;
	[tilespmem:$0x1FC00] =	vst v63  }
0x1dc: {  	_ =	swait.ge [sflag:s22], $0xC00  }
0x1dd: {  	[sflag:s22] =	ssyncset.done $0x0  }
0x1de: {  	s10 =	rddreg [dreg:$0xa];
	[sflag:s22] =	ssyncadd.s32 $0xFFFFF400  }
0x1df: {  	[tilespmem:s6], [sflag:$0x7] =	stream.linear.gather [hbm4b:s10+s4], $0xC00, $0x38;
	[tilespmem:$0x1FC00] =	vst v63  }
0x1e0: {  	_ =	swait.ge [sflag:s22], $0xC00  }
0x1e1: {  	[sflag:s22] =	ssyncset.done $0x0  }
0x1e2: {  	[sflag:s22] =	ssyncadd.s32 $0xFFFFF400  }
0x1e3: {  	[tilespmem:s21], [sflag:$0x1] =	stream.indirect.gather [hbm4b:s1+s24], $0x80, s4, s24, $0xb8;
	[tilespmem:$0x1FC00] =	vst v63  }
0x1e4: {  	_ = 	snop  }
0x1e5: {  	[tilespmem:s26], [sflag:$0x2] =	stream.indirect.gather [hbm4b:s1+s24], $0x80, s23, s24, $0xb8;
	[tilespmem:$0x1FC00] =	vst v63  }
0x1e6: {  	_ = 	snop  }
0x1e7: {  	[tilespmem:s29], [sflag:$0x3] =	stream.indirect.gather [hbm4b:s1+s24], $0x80, s28, s24, $0xb8;
	[tilespmem:$0x1FC00] =	vst v63  }
0x1e8: {  	_ =	swait.ge [sflag:s30], $0x3800  }
0x1e9: {  	[sflag:s30] =	ssyncset.done $0x0  }
0x1ea: {  	[sflag:s30] =	ssyncadd.s32 $0xFFFFC800  }
0x1eb: {  	[spmem:s2] =	stream.indirect.scatter.add.f32 [tilespmem:s21], [sflag:$0x4], $0x80, s6, s24, $0xb8;
	[tilespmem:$0x1FC00] =	vst v63  }
0x1ec: {  	_ =	swait.ge [sflag:s31], $0x3800  }
0x1ed: {  	[sflag:s31] =	ssyncset.done $0x0  }
0x1ee: {  	[sflag:s31] =	ssyncadd.s32 $0xFFFFC800  }
0x1ef: {  	[tilespmem:s21], [sflag:$0x1] =	stream.indirect.gather [hbm4b:s1+s24], $0x80, s25, s24, $0xb8;
	[tilespmem:$0x1FC00] =	vst v63  }
0x1f0: {  	_ =	swait.ge [sflag:s3], $0x3800  }
0x1f1: {  	[sflag:s3] =	ssyncset.done $0x0  }
0x1f2: {  	[sflag:s3] =	ssyncadd.s32 $0xFFFFC800  }
0x1f3: {  	[spmem:s2] =	stream.indirect.scatter.add.f32 [tilespmem:s26], [sflag:$0x5], $0x80, s0, s24, $0xb8;
	[tilespmem:$0x1FC00] =	vst v63  }
0x1f4: {  	_ =	swait.ge [sflag:s7], $0x3800  }
0x1f5: {  	[sflag:s7] =	ssyncset.done $0x0  }
0x1f6: {  	[sflag:s7] =	ssyncadd.s32 $0xFFFFC800  }
0x1f7: {  	[tilespmem:s26], [sflag:$0x2] =	stream.indirect.gather [hbm4b:s1+s24], $0x80, s5, s24, $0xb8;
	[tilespmem:$0x1FC00] =	vst v63  }
0x1f8: {  	_ =	swait.ge [sflag:s9], $0x3800  }
0x1f9: {  	[sflag:s9] =	ssyncset.done $0x0  }
0x1fa: {  	s0 =	simm.s32 $0xD00;
	[sflag:s9] =	ssyncadd.s32 $0xFFFFC800  }
0x1fb: {  	[spmem:s2] =	stream.indirect.scatter.add.f32 [tilespmem:s29], [sflag:$0x6], $0x80, s0, s24, $0xb8;
	[tilespmem:$0x1FC00] =	vst v63  }
0x1fc: {  	_ =	swait.ge [sflag:s11], $0x3800  }
0x1fd: {  	[sflag:s11] =	ssyncset.done $0x0  }
0x1fe: {  	[sflag:s11] =	ssyncadd.s32 $0xFFFFC800  }
0x1ff: {  	[tilespmem:s29], [sflag:$0x3] =	stream.indirect.gather [hbm4b:s1+s24], $0x80, s12, s24, $0xb8;
	[tilespmem:$0x1FC00] =	vst v63  }
0x200: {  	_ =	swait.ge [sflag:s30], $0x3800  }
0x201: {  	[sflag:s30] =	ssyncset.done $0x0  }
0x202: {  	[sflag:s30] =	ssyncadd.s32 $0xFFFFC800  }
0x203: {  	[spmem:s2] =	stream.indirect.scatter.add.f32 [tilespmem:s21], [sflag:$0x4], $0x80, s13, s24, $0xb8;
	[tilespmem:$0x1FC00] =	vst v63  }
0x204: {  	_ =	swait.ge [sflag:s31], $0x3800  }
0x205: {  	[sflag:s31] =	ssyncset.done $0x0  }
0x206: {  	[sflag:s31] =	ssyncadd.s32 $0xFFFFC800  }
0x207: {  	[tilespmem:s21], [sflag:$0x1] =	stream.indirect.gather [hbm4b:s1+s24], $0x80, s14, s24, $0xb8;
	[tilespmem:$0x1FC00] =	vst v63  }
0x208: {  	_ =	swait.ge [sflag:s3], $0x3800  }
0x209: {  	[sflag:s3] =	ssyncset.done $0x0  }
0x20a: {  	[sflag:s3] =	ssyncadd.s32 $0xFFFFC800  }
0x20b: {  	[spmem:s2] =	stream.indirect.scatter.add.f32 [tilespmem:s26], [sflag:$0x5], $0x80, s15, s24, $0xb8;
	[tilespmem:$0x1FC00] =	vst v63  }
0x20c: {  	_ =	swait.ge [sflag:s7], $0x3800  }
0x20d: {  	[sflag:s7] =	ssyncset.done $0x0  }
0x20e: {  	[sflag:s7] =	ssyncadd.s32 $0xFFFFC800  }
0x20f: {  	[tilespmem:s26], [sflag:$0x2] =	stream.indirect.gather [hbm4b:s1+s24], $0x80, s16, s24, $0xb8;
	[tilespmem:$0x1FC00] =	vst v63  }
0x210: {  	_ =	swait.ge [sflag:s9], $0x3800  }
0x211: {  	[sflag:s9] =	ssyncset.done $0x0  }
0x212: {  	[sflag:s9] =	ssyncadd.s32 $0xFFFFC800  }
0x213: {  	[spmem:s2] =	stream.indirect.scatter.add.f32 [tilespmem:s29], [sflag:$0x6], $0x80, s17, s24, $0xb8;
	[tilespmem:$0x1FC00] =	vst v63  }
0x214: {  	_ =	swait.ge [sflag:s11], $0x3800  }
0x215: {  	[sflag:s11] =	ssyncset.done $0x0  }
0x216: {  	[sflag:s11] =	ssyncadd.s32 $0xFFFFC800  }
0x217: {  	[tilespmem:s29], [sflag:$0x3] =	stream.indirect.gather [hbm4b:s1+s24], $0x80, s18, s24, $0xb8;
	[tilespmem:$0x1FC00] =	vst v63  }
0x218: {  	_ =	swait.ge [sflag:s30], $0x3800  }
0x219: {  	[sflag:s30] =	ssyncset.done $0x0  }
0x21a: {  	[sflag:s30] =	ssyncadd.s32 $0xFFFFC800  }
0x21b: {  	[spmem:s2] =	stream.indirect.scatter.add.f32 [tilespmem:s21], [sflag:$0x4], $0x80, s19, s24, $0xb8;
	[tilespmem:$0x1FC00] =	vst v63  }
0x21c: {  	_ =	swait.ge [sflag:s31], $0x3800  }
0x21d: {  	[sflag:s31] =	ssyncset.done $0x0  }
0x21e: {  	[sflag:s31] =	ssyncadd.s32 $0xFFFFC800  }
0x21f: {  	[tilespmem:s21], [sflag:$0x1] =	stream.indirect.gather [hbm4b:s1+s24], $0x80, s20, s24, $0xb8;
	[tilespmem:$0x1FC00] =	vst v63  }
0x220: {  	_ =	swait.ge [sflag:s3], $0x3800  }
0x221: {  	[sflag:s3] =	ssyncset.done $0x0  }
0x222: {  	s5 =	simm.s32 $0xF80;
	[sflag:s3] =	ssyncadd.s32 $0xFFFFC800  }
0x223: {  	[spmem:s2] =	stream.indirect.scatter.add.f32 [tilespmem:s26], [sflag:$0x5], $0x80, s5, s24, $0xb8;
	[tilespmem:$0x1FC00] =	vst v63  }
0x224: {  	_ =	swait.ge [sflag:s7], $0x3800  }
0x225: {  	[sflag:s7] =	ssyncset.done $0x0  }
0x226: {  	s0 =	simm.s32 $0x500;
	[sflag:s7] =	ssyncadd.s32 $0xFFFFC800  }
0x227: {  	[tilespmem:s26], [sflag:$0x2] =	stream.indirect.gather [hbm4b:s1+s24], $0x80, s0, s24, $0xb8;
	[tilespmem:$0x1FC00] =	vst v63  }
0x228: {  	_ =	swait.ge [sflag:s9], $0x3800  }
0x229: {  	[sflag:s9] =	ssyncset.done $0x0  }
0x22a: {  	s5 =	simm.s32 $0x1000;
	[sflag:s9] =	ssyncadd.s32 $0xFFFFC800  }
0x22b: {  	[spmem:s2] =	stream.indirect.scatter.add.f32 [tilespmem:s29], [sflag:$0x6], $0x80, s5, s24, $0xb8;
	[tilespmem:$0x1FC00] =	vst v63  }
0x22c: {  	_ =	swait.ge [sflag:s11], $0x3800  }
0x22d: {  	[sflag:s11] =	ssyncset.done $0x0  }
0x22e: {  	s0 =	simm.s32 $0x580;
	[sflag:s11] =	ssyncadd.s32 $0xFFFFC800  }
0x22f: {  	[tilespmem:s29], [sflag:$0x3] =	stream.indirect.gather [hbm4b:s1+s24], $0x80, s0, s24, $0xb8;
	[tilespmem:$0x1FC00] =	vst v63  }
0x230: {  	_ =	swait.ge [sflag:s30], $0x3800  }
0x231: {  	[sflag:s30] =	ssyncset.done $0x0  }
0x232: {  	s5 =	simm.s32 $0x1080;
	[sflag:s30] =	ssyncadd.s32 $0xFFFFC800  }
0x233: {  	[spmem:s2] =	stream.indirect.scatter.add.f32 [tilespmem:s21], [sflag:$0x4], $0x80, s5, s24, $0xb8;
	[tilespmem:$0x1FC00] =	vst v63  }
0x234: {  	_ =	swait.ge [sflag:s31], $0x3800  }
0x235: {  	[sflag:s31] =	ssyncset.done $0x0  }
0x236: {  	s0 =	simm.s32 $0x600;
	[sflag:s31] =	ssyncadd.s32 $0xFFFFC800  }
0x237: {  	[tilespmem:s21], [sflag:$0x1] =	stream.indirect.gather [hbm4b:s1+s24], $0x80, s0, s24, $0xb8;
	[tilespmem:$0x1FC00] =	vst v63  }
0x238: {  	_ =	swait.ge [sflag:s3], $0x3800  }
0x239: {  	[sflag:s3] =	ssyncset.done $0x0  }
0x23a: {  	s5 =	simm.s32 $0x1100;
	[sflag:s3] =	ssyncadd.s32 $0xFFFFC800  }
0x23b: {  	[spmem:s2] =	stream.indirect.scatter.add.f32 [tilespmem:s26], [sflag:$0x5], $0x80, s5, s24, $0xb8;
	[tilespmem:$0x1FC00] =	vst v63  }
0x23c: {  	_ =	swait.ge [sflag:s7], $0x3800  }
0x23d: {  	[sflag:s7] =	ssyncset.done $0x0  }
0x23e: {  	s0 =	simm.s32 $0x680;
	[sflag:s7] =	ssyncadd.s32 $0xFFFFC800  }
0x23f: {  	[tilespmem:s26], [sflag:$0x2] =	stream.indirect.gather [hbm4b:s1+s24], $0x80, s0, s24, $0xb8;
	[tilespmem:$0x1FC00] =	vst v63  }
0x240: {  	_ =	swait.ge [sflag:s9], $0x3800  }
0x241: {  	[sflag:s9] =	ssyncset.done $0x0  }
0x242: {  	s5 =	simm.s32 $0x1180;
	[sflag:s9] =	ssyncadd.s32 $0xFFFFC800  }
0x243: {  	[spmem:s2] =	stream.indirect.scatter.add.f32 [tilespmem:s29], [sflag:$0x6], $0x80, s5, s24, $0xb8;
	[tilespmem:$0x1FC00] =	vst v63  }
0x244: {  	_ =	swait.ge [sflag:s11], $0x3800  }
0x245: {  	[sflag:s11] =	ssyncset.done $0x0  }
0x246: {  	s0 =	simm.s32 $0x700;
	[sflag:s11] =	ssyncadd.s32 $0xFFFFC800  }
0x247: {  	[tilespmem:s29], [sflag:$0x3] =	stream.indirect.gather [hbm4b:s1+s24], $0x80, s0, s24, $0xb8;
	[tilespmem:$0x1FC00] =	vst v63  }
0x248: {  	_ =	swait.ge [sflag:s30], $0x3800  }
0x249: {  	[sflag:s30] =	ssyncset.done $0x0  }
0x24a: {  	s5 =	simm.s32 $0x1200;
	[sflag:s30] =	ssyncadd.s32 $0xFFFFC800  }
0x24b: {  	[spmem:s2] =	stream.indirect.scatter.add.f32 [tilespmem:s21], [sflag:$0x4], $0x80, s5, s24, $0xb8;
	[tilespmem:$0x1FC00] =	vst v63  }
0x24c: {  	_ =	swait.ge [sflag:s31], $0x3800  }
0x24d: {  	[sflag:s31] =	ssyncset.done $0x0  }
0x24e: {  	s0 =	simm.s32 $0x780;
	[sflag:s31] =	ssyncadd.s32 $0xFFFFC800  }
0x24f: {  	[tilespmem:s21], [sflag:$0x1] =	stream.indirect.gather [hbm4b:s1+s24], $0x80, s0, s24, $0xb8;
	[tilespmem:$0x1FC00] =	vst v63  }
0x250: {  	_ =	swait.ge [sflag:s3], $0x3800  }
0x251: {  	[sflag:s3] =	ssyncset.done $0x0  }
0x252: {  	s5 =	simm.s32 $0x1280;
	[sflag:s3] =	ssyncadd.s32 $0xFFFFC800  }
0x253: {  	[spmem:s2] =	stream.indirect.scatter.add.f32 [tilespmem:s26], [sflag:$0x5], $0x80, s5, s24, $0xb8;
	[tilespmem:$0x1FC00] =	vst v63  }
0x254: {  	_ =	swait.ge [sflag:s7], $0x3800  }
0x255: {  	[sflag:s7] =	ssyncset.done $0x0  }
0x256: {  	s0 =	simm.s32 $0x800;
	[sflag:s7] =	ssyncadd.s32 $0xFFFFC800  }
0x257: {  	[tilespmem:s26], [sflag:$0x2] =	stream.indirect.gather [hbm4b:s1+s24], $0x80, s0, s24, $0xb8;
	[tilespmem:$0x1FC00] =	vst v63  }
0x258: {  	_ =	swait.ge [sflag:s9], $0x3800  }
0x259: {  	[sflag:s9] =	ssyncset.done $0x0  }
0x25a: {  	s5 =	simm.s32 $0x1300;
	[sflag:s9] =	ssyncadd.s32 $0xFFFFC800  }
0x25b: {  	[spmem:s2] =	stream.indirect.scatter.add.f32 [tilespmem:s29], [sflag:$0x6], $0x80, s5, s24, $0xb8;
	[tilespmem:$0x1FC00] =	vst v63  }
0x25c: {  	_ =	swait.ge [sflag:s11], $0x3800  }
0x25d: {  	[sflag:s11] =	ssyncset.done $0x0  }
0x25e: {  	s0 =	simm.s32 $0x880;
	[sflag:s11] =	ssyncadd.s32 $0xFFFFC800  }
0x25f: {  	[tilespmem:s29], [sflag:$0x3] =	stream.indirect.gather [hbm4b:s1+s24], $0x80, s0, s24, $0xb8;
	[tilespmem:$0x1FC00] =	vst v63  }
0x260: {  	_ =	swait.ge [sflag:s30], $0x3800  }
0x261: {  	[sflag:s30] =	ssyncset.done $0x0  }
0x262: {  	s5 =	simm.s32 $0x1380;
	[sflag:s30] =	ssyncadd.s32 $0xFFFFC800  }
0x263: {  	[spmem:s2] =	stream.indirect.scatter.add.f32 [tilespmem:s21], [sflag:$0x4], $0x80, s5, s24, $0xb8;
	[tilespmem:$0x1FC00] =	vst v63  }
0x264: {  	_ =	swait.ge [sflag:s31], $0x3800  }
0x265: {  	[sflag:s31] =	ssyncset.done $0x0  }
0x266: {  	s10 =	simm.s32 $0x900;
	[sflag:s31] =	ssyncadd.s32 $0xFFFFC800  }
0x267: {  	[tilespmem:s21], [sflag:$0x1] =	stream.indirect.gather [hbm4b:s1+s24], $0x80, s10, s24, $0xb8;
	[tilespmem:$0x1FC00] =	vst v63  }
0x268: {  	_ =	swait.ge [sflag:s3], $0x3800  }
0x269: {  	[sflag:s3] =	ssyncset.done $0x0  }
0x26a: {  	s5 =	simm.s32 $0x1400;
	[sflag:s3] =	ssyncadd.s32 $0xFFFFC800  }
0x26b: {  	[spmem:s2] =	stream.indirect.scatter.add.f32 [tilespmem:s26], [sflag:$0x5], $0x80, s5, s24, $0xb8;
	[tilespmem:$0x1FC00] =	vst v63  }
0x26c: {  	_ =	swait.ge [sflag:s7], $0x3800  }
0x26d: {  	[sflag:s7] =	ssyncset.done $0x0  }
0x26e: {  	s10 =	simm.s32 $0x980;
	[sflag:s7] =	ssyncadd.s32 $0xFFFFC800  }
0x26f: {  	[tilespmem:s26], [sflag:$0x2] =	stream.indirect.gather [hbm4b:s1+s24], $0x80, s10, s24, $0xb8;
	[tilespmem:$0x1FC00] =	vst v63  }
0x270: {  	_ =	swait.ge [sflag:s9], $0x3800  }
0x271: {  	[sflag:s9] =	ssyncset.done $0x0  }
0x272: {  	s0 =	simm.s32 $0x1480;
	[sflag:s9] =	ssyncadd.s32 $0xFFFFC800  }
0x273: {  	[spmem:s2] =	stream.indirect.scatter.add.f32 [tilespmem:s29], [sflag:$0x6], $0x80, s0, s24, $0xb8;
	[tilespmem:$0x1FC00] =	vst v63  }
0x274: {  	_ =	swait.ge [sflag:s11], $0x3800  }
0x275: {  	[sflag:s11] =	ssyncset.done $0x0  }
0x276: {  	s10 =	simm.s32 $0xA00;
	[sflag:s11] =	ssyncadd.s32 $0xFFFFC800  }
0x277: {  	[tilespmem:s29], [sflag:$0x3] =	stream.indirect.gather [hbm4b:s1+s24], $0x80, s10, s24, $0xb8;
	[tilespmem:$0x1FC00] =	vst v63  }
0x278: {  	_ =	swait.ge [sflag:s30], $0x3800  }
0x279: {  	[sflag:s30] =	ssyncset.done $0x0  }
0x27a: {  	s10 =	simm.s32 $0x1500;
	[sflag:s30] =	ssyncadd.s32 $0xFFFFC800  }
0x27b: {  	[spmem:s2] =	stream.indirect.scatter.add.f32 [tilespmem:s21], [sflag:$0x4], $0x80, s10, s24, $0xb8;
	[tilespmem:$0x1FC00] =	vst v63  }
0x27c: {  	_ =	swait.ge [sflag:s31], $0x3800  }
0x27d: {  	[sflag:s31] =	ssyncset.done $0x0  }
0x27e: {  	s10 =	simm.s32 $0xA80;
	[sflag:s31] =	ssyncadd.s32 $0xFFFFC800  }
0x27f: {  	[tilespmem:s21], [sflag:$0x1] =	stream.indirect.gather [hbm4b:s1+s24], $0x80, s10, s24, $0xb8;
	[tilespmem:$0x1FC00] =	vst v63  }
0x280: {  	_ =	swait.ge [sflag:s3], $0x3800  }
0x281: {  	[sflag:s3] =	ssyncset.done $0x0  }
0x282: {  	s10 =	simm.s32 $0x1580;
	[sflag:s3] =	ssyncadd.s32 $0xFFFFC800  }
0x283: {  	[spmem:s2] =	stream.indirect.scatter.add.f32 [tilespmem:s26], [sflag:$0x5], $0x80, s10, s24, $0xb8;
	[tilespmem:$0x1FC00] =	vst v63  }
0x284: {  	_ =	swait.ge [sflag:s7], $0x3800  }
0x285: {  	[sflag:s7] =	ssyncset.done $0x0  }
0x286: {  	s10 =	simm.s32 $0xB00;
	[sflag:s7] =	ssyncadd.s32 $0xFFFFC800  }
0x287: {  	[tilespmem:s26], [sflag:$0x2] =	stream.indirect.gather [hbm4b:s1+s24], $0x80, s10, s24, $0xb8;
	[tilespmem:$0x1FC00] =	vst v63  }
0x288: {  	_ =	swait.ge [sflag:s9], $0x3800  }
0x289: {  	[sflag:s9] =	ssyncset.done $0x0  }
0x28a: {  	s10 =	simm.s32 $0x1600;
	[sflag:s9] =	ssyncadd.s32 $0xFFFFC800  }
0x28b: {  	[spmem:s2] =	stream.indirect.scatter.add.f32 [tilespmem:s29], [sflag:$0x6], $0x80, s10, s24, $0xb8;
	[tilespmem:$0x1FC00] =	vst v63  }
0x28c: {  	_ =	swait.ge [sflag:s11], $0x3800  }
0x28d: {  	[sflag:s11] =	ssyncset.done $0x0  }
0x28e: {  	s10 =	simm.s32 $0xB80;
	[sflag:s11] =	ssyncadd.s32 $0xFFFFC800  }
0x28f: {  	[tilespmem:s29], [sflag:$0x3] =	stream.indirect.gather [hbm4b:s1+s24], $0x80, s10, s24, $0xb8;
	[tilespmem:$0x1FC00] =	vst v63  }
0x290: {  	_ =	swait.ge [sflag:s30], $0x3800  }
0x291: {  	[sflag:s30] =	ssyncset.done $0x0  }
0x292: {  	s10 =	simm.s32 $0x1680;
	[sflag:s30] =	ssyncadd.s32 $0xFFFFC800  }
0x293: {  	[spmem:s2] =	stream.indirect.scatter.add.f32 [tilespmem:s21], [sflag:$0x4], $0x80, s10, s24, $0xb8;
	[tilespmem:$0x1FC00] =	vst v63  }
0x294: {  	_ =	swait.ge [sflag:s31], $0x3800  }
0x295: {  	[sflag:s31] =	ssyncset.done $0x0  }
0x296: {  	[sflag:s31] =	ssyncadd.s32 $0xFFFFC800  }
0x297: {  	_ =	swait.ge [sflag:s3], $0x3800  }
0x298: {  	[sflag:s3] =	ssyncset.done $0x0  }
0x299: {  	s10 =	simm.s32 $0x1700;
	[sflag:s3] =	ssyncadd.s32 $0xFFFFC800  }
0x29a: {  	[spmem:s2] =	stream.indirect.scatter.add.f32 [tilespmem:s26], [sflag:$0x5], $0x80, s10, s24, $0xb8;
	[tilespmem:$0x1FC00] =	vst v63  }
0x29b: {  	_ =	swait.ge [sflag:s7], $0x3800  }
0x29c: {  	[sflag:s7] =	ssyncset.done $0x0  }
0x29d: {  	[sflag:s7] =	ssyncadd.s32 $0xFFFFC800  }
0x29e: {  	_ =	swait.ge [sflag:s9], $0x3800  }
0x29f: {  	[sflag:s9] =	ssyncset.done $0x0  }
0x2a0: {  	s10 =	simm.s32 $0x1780;
	[sflag:s9] =	ssyncadd.s32 $0xFFFFC800  }
0x2a1: {  	[spmem:s2] =	stream.indirect.scatter.add.f32 [tilespmem:s29], [sflag:$0x6], $0x80, s10, s24, $0xb8;
	[tilespmem:$0x1FC00] =	vst v63  }
0x2a2: {  	_ =	swait.ge [sflag:s11], $0x3800  }
0x2a3: {  	[sflag:s11] =	ssyncset.done $0x0  }
0x2a4: {  	s10 =	rddreg [dreg:$0xb];
	[sflag:s11] =	ssyncadd.s32 $0xFFFFC800  }
0x2a5: {  	[tilespmem:s4], [sflag:$0x7] =	stream.linear.gather [hbm4b:s10+s4], $0x900, $0x38;
	[tilespmem:$0x1FC00] =	vst v63  }
0x2a6: {  	_ =	swait.ge [sflag:s22], $0x900  }
0x2a7: {  	[sflag:s22] =	ssyncset.done $0x0  }
0x2a8: {  	s10 =	rddreg [dreg:$0xc];
	[sflag:s22] =	ssyncadd.s32 $0xFFFFF700  }
0x2a9: {  	[tilespmem:s6], [sflag:$0x7] =	stream.linear.gather [hbm4b:s10+s4], $0x900, $0x38;
	[tilespmem:$0x1FC00] =	vst v63  }
0x2aa: {  	_ =	swait.ge [sflag:s22], $0x900  }
0x2ab: {  	[sflag:s22] =	ssyncset.done $0x0  }
0x2ac: {  	[sflag:s22] =	ssyncadd.s32 $0xFFFFF700  }
0x2ad: {  	[tilespmem:s21], [sflag:$0x1] =	stream.indirect.gather [hbm4b:s1+s24], $0x80, s4, s24, $0xb8;
	[tilespmem:$0x1FC00] =	vst v63  }
0x2ae: {  	s23 =	simm.s32 $0x80  }
0x2af: {  	[tilespmem:s26], [sflag:$0x2] =	stream.indirect.gather [hbm4b:s1+s24], $0x80, s23, s24, $0xb8;
	[tilespmem:$0x1FC00] =	vst v63  }
0x2b0: {  	s28 =	simm.s32 $0x100  }
0x2b1: {  	[tilespmem:s29], [sflag:$0x3] =	stream.indirect.gather [hbm4b:s1+s24], $0x80, s28, s24, $0xb8;
	[tilespmem:$0x1FC00] =	vst v63  }
0x2b2: {  	_ =	swait.ge [sflag:s30], $0x3800  }
0x2b3: {  	[sflag:s30] =	ssyncset.done $0x0  }
0x2b4: {  	[sflag:s30] =	ssyncadd.s32 $0xFFFFC800  }
0x2b5: {  	[spmem:s2] =	stream.indirect.scatter.add.f32 [tilespmem:s21], [sflag:$0x4], $0x80, s6, s24, $0xb8;
	[tilespmem:$0x1FC00] =	vst v63  }
0x2b6: {  	_ =	swait.ge [sflag:s31], $0x3800  }
0x2b7: {  	[sflag:s31] =	ssyncset.done $0x0  }
0x2b8: {  	s25 =	simm.s32 $0x180;
	[sflag:s31] =	ssyncadd.s32 $0xFFFFC800  }
0x2b9: {  	[tilespmem:s21], [sflag:$0x1] =	stream.indirect.gather [hbm4b:s1+s24], $0x80, s25, s24, $0xb8;
	[tilespmem:$0x1FC00] =	vst v63  }
0x2ba: {  	_ =	swait.ge [sflag:s3], $0x3800  }
0x2bb: {  	[sflag:s3] =	ssyncset.done $0x0  }
0x2bc: {  	s25 =	simm.s32 $0xC80;
	[sflag:s3] =	ssyncadd.s32 $0xFFFFC800  }
0x2bd: {  	[spmem:s2] =	stream.indirect.scatter.add.f32 [tilespmem:s26], [sflag:$0x5], $0x80, s25, s24, $0xb8;
	[tilespmem:$0x1FC00] =	vst v63  }
0x2be: {  	_ =	swait.ge [sflag:s7], $0x3800  }
0x2bf: {  	[sflag:s7] =	ssyncset.done $0x0  }
0x2c0: {  	s28 =	simm.s32 $0x200;
	[sflag:s7] =	ssyncadd.s32 $0xFFFFC800  }
0x2c1: {  	[tilespmem:s26], [sflag:$0x2] =	stream.indirect.gather [hbm4b:s1+s24], $0x80, s28, s24, $0xb8;
	[tilespmem:$0x1FC00] =	vst v63  }
0x2c2: {  	_ =	swait.ge [sflag:s9], $0x3800  }
0x2c3: {  	[sflag:s9] =	ssyncset.done $0x0  }
0x2c4: {  	s10 =	simm.s32 $0xD00;
	[sflag:s9] =	ssyncadd.s32 $0xFFFFC800  }
0x2c5: {  	[spmem:s2] =	stream.indirect.scatter.add.f32 [tilespmem:s29], [sflag:$0x6], $0x80, s10, s24, $0xb8;
	[tilespmem:$0x1FC00] =	vst v63  }
0x2c6: {  	_ =	swait.ge [sflag:s11], $0x3800  }
0x2c7: {  	[sflag:s11] =	ssyncset.done $0x0  }
0x2c8: {  	s12 =	simm.s32 $0x280;
	[sflag:s11] =	ssyncadd.s32 $0xFFFFC800  }
0x2c9: {  	[tilespmem:s29], [sflag:$0x3] =	stream.indirect.gather [hbm4b:s1+s24], $0x80, s12, s24, $0xb8;
	[tilespmem:$0x1FC00] =	vst v63  }
0x2ca: {  	_ =	swait.ge [sflag:s30], $0x3800  }
0x2cb: {  	[sflag:s30] =	ssyncset.done $0x0  }
0x2cc: {  	s13 =	simm.s32 $0xD80;
	[sflag:s30] =	ssyncadd.s32 $0xFFFFC800  }
0x2cd: {  	[spmem:s2] =	stream.indirect.scatter.add.f32 [tilespmem:s21], [sflag:$0x4], $0x80, s13, s24, $0xb8;
	[tilespmem:$0x1FC00] =	vst v63  }
0x2ce: {  	_ =	swait.ge [sflag:s31], $0x3800  }
0x2cf: {  	[sflag:s31] =	ssyncset.done $0x0  }
0x2d0: {  	s14 =	simm.s32 $0x300;
	[sflag:s31] =	ssyncadd.s32 $0xFFFFC800  }
0x2d1: {  	[tilespmem:s21], [sflag:$0x1] =	stream.indirect.gather [hbm4b:s1+s24], $0x80, s14, s24, $0xb8;
	[tilespmem:$0x1FC00] =	vst v63  }
0x2d2: {  	_ =	swait.ge [sflag:s3], $0x3800  }
0x2d3: {  	[sflag:s3] =	ssyncset.done $0x0  }
0x2d4: {  	s15 =	simm.s32 $0xE00;
	[sflag:s3] =	ssyncadd.s32 $0xFFFFC800  }
0x2d5: {  	[spmem:s2] =	stream.indirect.scatter.add.f32 [tilespmem:s26], [sflag:$0x5], $0x80, s15, s24, $0xb8;
	[tilespmem:$0x1FC00] =	vst v63  }
0x2d6: {  	_ =	swait.ge [sflag:s7], $0x3800  }
0x2d7: {  	[sflag:s7] =	ssyncset.done $0x0  }
0x2d8: {  	s16 =	simm.s32 $0x380;
	[sflag:s7] =	ssyncadd.s32 $0xFFFFC800  }
0x2d9: {  	[tilespmem:s26], [sflag:$0x2] =	stream.indirect.gather [hbm4b:s1+s24], $0x80, s16, s24, $0xb8;
	[tilespmem:$0x1FC00] =	vst v63  }
0x2da: {  	_ =	swait.ge [sflag:s9], $0x3800  }
0x2db: {  	[sflag:s9] =	ssyncset.done $0x0  }
0x2dc: {  	s17 =	simm.s32 $0xE80;
	[sflag:s9] =	ssyncadd.s32 $0xFFFFC800  }
0x2dd: {  	[spmem:s2] =	stream.indirect.scatter.add.f32 [tilespmem:s29], [sflag:$0x6], $0x80, s17, s24, $0xb8;
	[tilespmem:$0x1FC00] =	vst v63  }
0x2de: {  	_ =	swait.ge [sflag:s11], $0x3800  }
0x2df: {  	[sflag:s11] =	ssyncset.done $0x0  }
0x2e0: {  	s18 =	simm.s32 $0x400;
	[sflag:s11] =	ssyncadd.s32 $0xFFFFC800  }
0x2e1: {  	[tilespmem:s29], [sflag:$0x3] =	stream.indirect.gather [hbm4b:s1+s24], $0x80, s18, s24, $0xb8;
	[tilespmem:$0x1FC00] =	vst v63  }
0x2e2: {  	_ =	swait.ge [sflag:s30], $0x3800  }
0x2e3: {  	[sflag:s30] =	ssyncset.done $0x0  }
0x2e4: {  	s19 =	simm.s32 $0xF00;
	[sflag:s30] =	ssyncadd.s32 $0xFFFFC800  }
0x2e5: {  	[spmem:s2] =	stream.indirect.scatter.add.f32 [tilespmem:s21], [sflag:$0x4], $0x80, s19, s24, $0xb8;
	[tilespmem:$0x1FC00] =	vst v63  }
0x2e6: {  	_ =	swait.ge [sflag:s31], $0x3800  }
0x2e7: {  	[sflag:s31] =	ssyncset.done $0x0  }
0x2e8: {  	s20 =	simm.s32 $0x480;
	[sflag:s31] =	ssyncadd.s32 $0xFFFFC800  }
0x2e9: {  	[tilespmem:s21], [sflag:$0x1] =	stream.indirect.gather [hbm4b:s1+s24], $0x80, s20, s24, $0xb8;
	[tilespmem:$0x1FC00] =	vst v63  }
0x2ea: {  	_ =	swait.ge [sflag:s3], $0x3800  }
0x2eb: {  	[sflag:s3] =	ssyncset.done $0x0  }
0x2ec: {  	s15 =	simm.s32 $0xF80;
	[sflag:s3] =	ssyncadd.s32 $0xFFFFC800  }
0x2ed: {  	[spmem:s2] =	stream.indirect.scatter.add.f32 [tilespmem:s26], [sflag:$0x5], $0x80, s15, s24, $0xb8;
	[tilespmem:$0x1FC00] =	vst v63  }
0x2ee: {  	_ =	swait.ge [sflag:s7], $0x3800  }
0x2ef: {  	[sflag:s7] =	ssyncset.done $0x0  }
0x2f0: {  	s16 =	simm.s32 $0x500;
	[sflag:s7] =	ssyncadd.s32 $0xFFFFC800  }
0x2f1: {  	[tilespmem:s26], [sflag:$0x2] =	stream.indirect.gather [hbm4b:s1+s24], $0x80, s16, s24, $0xb8;
	[tilespmem:$0x1FC00] =	vst v63  }
0x2f2: {  	_ =	swait.ge [sflag:s9], $0x3800  }
0x2f3: {  	[sflag:s9] =	ssyncset.done $0x0  }
0x2f4: {  	s17 =	simm.s32 $0x1000;
	[sflag:s9] =	ssyncadd.s32 $0xFFFFC800  }
0x2f5: {  	[spmem:s2] =	stream.indirect.scatter.add.f32 [tilespmem:s29], [sflag:$0x6], $0x80, s17, s24, $0xb8;
	[tilespmem:$0x1FC00] =	vst v63  }
0x2f6: {  	_ =	swait.ge [sflag:s11], $0x3800  }
0x2f7: {  	[sflag:s11] =	ssyncset.done $0x0  }
0x2f8: {  	s18 =	simm.s32 $0x580;
	[sflag:s11] =	ssyncadd.s32 $0xFFFFC800  }
0x2f9: {  	[tilespmem:s29], [sflag:$0x3] =	stream.indirect.gather [hbm4b:s1+s24], $0x80, s18, s24, $0xb8;
	[tilespmem:$0x1FC00] =	vst v63  }
0x2fa: {  	_ =	swait.ge [sflag:s30], $0x3800  }
0x2fb: {  	[sflag:s30] =	ssyncset.done $0x0  }
0x2fc: {  	s19 =	simm.s32 $0x1080;
	[sflag:s30] =	ssyncadd.s32 $0xFFFFC800  }
0x2fd: {  	[spmem:s2] =	stream.indirect.scatter.add.f32 [tilespmem:s21], [sflag:$0x4], $0x80, s19, s24, $0xb8;
	[tilespmem:$0x1FC00] =	vst v63  }
0x2fe: {  	_ =	swait.ge [sflag:s31], $0x3800  }
0x2ff: {  	[sflag:s31] =	ssyncset.done $0x0  }
0x300: {  	s20 =	simm.s32 $0x600;
	[sflag:s31] =	ssyncadd.s32 $0xFFFFC800  }
0x301: {  	[tilespmem:s21], [sflag:$0x1] =	stream.indirect.gather [hbm4b:s1+s24], $0x80, s20, s24, $0xb8;
	[tilespmem:$0x1FC00] =	vst v63  }
0x302: {  	_ =	swait.ge [sflag:s3], $0x3800  }
0x303: {  	[sflag:s3] =	ssyncset.done $0x0  }
0x304: {  	s23 =	simm.s32 $0x1100;
	[sflag:s3] =	ssyncadd.s32 $0xFFFFC800  }
0x305: {  	[spmem:s2] =	stream.indirect.scatter.add.f32 [tilespmem:s26], [sflag:$0x5], $0x80, s23, s24, $0xb8;
	[tilespmem:$0x1FC00] =	vst v63  }
0x306: {  	_ =	swait.ge [sflag:s7], $0x3800  }
0x307: {  	[sflag:s7] =	ssyncset.done $0x0  }
0x308: {  	s25 =	simm.s32 $0x680;
	[sflag:s7] =	ssyncadd.s32 $0xFFFFC800  }
0x309: {  	[tilespmem:s26], [sflag:$0x2] =	stream.indirect.gather [hbm4b:s1+s24], $0x80, s25, s24, $0xb8;
	[tilespmem:$0x1FC00] =	vst v63  }
0x30a: {  	_ =	swait.ge [sflag:s9], $0x3800  }
0x30b: {  	[sflag:s9] =	ssyncset.done $0x0  }
0x30c: {  	s28 =	simm.s32 $0x1180;
	[sflag:s9] =	ssyncadd.s32 $0xFFFFC800  }
0x30d: {  	[spmem:s2] =	stream.indirect.scatter.add.f32 [tilespmem:s29], [sflag:$0x6], $0x80, s28, s24, $0xb8;
	[tilespmem:$0x1FC00] =	vst v63  }
0x30e: {  	_ =	swait.ge [sflag:s11], $0x3800  }
0x30f: {  	[sflag:s11] =	ssyncset.done $0x0  }
0x310: {  	s10 =	simm.s32 $0x700;
	[sflag:s11] =	ssyncadd.s32 $0xFFFFC800  }
0x311: {  	[tilespmem:s29], [sflag:$0x3] =	stream.indirect.gather [hbm4b:s1+s24], $0x80, s10, s24, $0xb8;
	[tilespmem:$0x1FC00] =	vst v63  }
0x312: {  	_ =	swait.ge [sflag:s30], $0x3800  }
0x313: {  	[sflag:s30] =	ssyncset.done $0x0  }
0x314: {  	s12 =	simm.s32 $0x1200;
	[sflag:s30] =	ssyncadd.s32 $0xFFFFC800  }
0x315: {  	[spmem:s2] =	stream.indirect.scatter.add.f32 [tilespmem:s21], [sflag:$0x4], $0x80, s12, s24, $0xb8;
	[tilespmem:$0x1FC00] =	vst v63  }
0x316: {  	_ =	swait.ge [sflag:s31], $0x3800  }
0x317: {  	[sflag:s31] =	ssyncset.done $0x0  }
0x318: {  	s13 =	simm.s32 $0x780;
	[sflag:s31] =	ssyncadd.s32 $0xFFFFC800  }
0x319: {  	[tilespmem:s21], [sflag:$0x1] =	stream.indirect.gather [hbm4b:s1+s24], $0x80, s13, s24, $0xb8;
	[tilespmem:$0x1FC00] =	vst v63  }
0x31a: {  	_ =	swait.ge [sflag:s3], $0x3800  }
0x31b: {  	[sflag:s3] =	ssyncset.done $0x0  }
0x31c: {  	s14 =	simm.s32 $0x1280;
	[sflag:s3] =	ssyncadd.s32 $0xFFFFC800  }
0x31d: {  	[spmem:s2] =	stream.indirect.scatter.add.f32 [tilespmem:s26], [sflag:$0x5], $0x80, s14, s24, $0xb8;
	[tilespmem:$0x1FC00] =	vst v63  }
0x31e: {  	_ =	swait.ge [sflag:s7], $0x3800  }
0x31f: {  	[sflag:s7] =	ssyncset.done $0x0  }
0x320: {  	s15 =	simm.s32 $0x800;
	[sflag:s7] =	ssyncadd.s32 $0xFFFFC800  }
0x321: {  	[tilespmem:s26], [sflag:$0x2] =	stream.indirect.gather [hbm4b:s1+s24], $0x80, s15, s24, $0xb8;
	[tilespmem:$0x1FC00] =	vst v63  }
0x322: {  	_ =	swait.ge [sflag:s9], $0x3800  }
0x323: {  	[sflag:s9] =	ssyncset.done $0x0  }
0x324: {  	s16 =	simm.s32 $0x1300;
	[sflag:s9] =	ssyncadd.s32 $0xFFFFC800  }
0x325: {  	[spmem:s2] =	stream.indirect.scatter.add.f32 [tilespmem:s29], [sflag:$0x6], $0x80, s16, s24, $0xb8;
	[tilespmem:$0x1FC00] =	vst v63  }
0x326: {  	_ =	swait.ge [sflag:s11], $0x3800  }
0x327: {  	[sflag:s11] =	ssyncset.done $0x0  }
0x328: {  	s17 =	simm.s32 $0x880;
	[sflag:s11] =	ssyncadd.s32 $0xFFFFC800  }
0x329: {  	[tilespmem:s29], [sflag:$0x3] =	stream.indirect.gather [hbm4b:s1+s24], $0x80, s17, s24, $0xb8;
	[tilespmem:$0x1FC00] =	vst v63  }
0x32a: {  	_ =	swait.ge [sflag:s30], $0x3800  }
0x32b: {  	[sflag:s30] =	ssyncset.done $0x0  }
0x32c: {  	s18 =	simm.s32 $0x1380;
	[sflag:s30] =	ssyncadd.s32 $0xFFFFC800  }
0x32d: {  	[spmem:s2] =	stream.indirect.scatter.add.f32 [tilespmem:s21], [sflag:$0x4], $0x80, s18, s24, $0xb8;
	[tilespmem:$0x1FC00] =	vst v63  }
0x32e: {  	_ =	swait.ge [sflag:s31], $0x3800  }
0x32f: {  	[sflag:s31] =	ssyncset.done $0x0  }
0x330: {  	[sflag:s31] =	ssyncadd.s32 $0xFFFFC800  }
0x331: {  	_ =	swait.ge [sflag:s3], $0x3800  }
0x332: {  	[sflag:s3] =	ssyncset.done $0x0  }
0x333: {  	s5 =	simm.s32 $0x1400;
	[sflag:s3] =	ssyncadd.s32 $0xFFFFC800  }
0x334: {  	[spmem:s2] =	stream.indirect.scatter.add.f32 [tilespmem:s26], [sflag:$0x5], $0x80, s5, s24, $0xb8;
	[tilespmem:$0x1FC00] =	vst v63  }
0x335: {  	_ =	swait.ge [sflag:s7], $0x3800  }
0x336: {  	[sflag:s7] =	ssyncset.done $0x0  }
0x337: {  	[sflag:s7] =	ssyncadd.s32 $0xFFFFC800  }
0x338: {  	_ =	swait.ge [sflag:s9], $0x3800  }
0x339: {  	[sflag:s9] =	ssyncset.done $0x0  }
0x33a: {  	[sflag:s9] =	ssyncadd.s32 $0xFFFFC800  }
0x33b: {  	[spmem:s2] =	stream.indirect.scatter.add.f32 [tilespmem:s29], [sflag:$0x6], $0x80, s0, s24, $0xb8;
	[tilespmem:$0x1FC00] =	vst v63  }
0x33c: {  	_ =	swait.ge [sflag:s11], $0x3800  }
0x33d: {  	[sflag:s11] =	ssyncset.done $0x0  }
0x33e: {  	[sflag:s11] =	ssyncadd.s32 $0xFFFFC800  }
0x33f: {  	s19 =	stileid.u32;
	[bflag:$0x0] =	sbarrier.arrive $0xFFFF  }
0x340: {  	s10 =	sshll.u32 s19, $0x6;
	s20 =	rddreg [dreg:$0x13]  }
0x341: {  	s10 =	sor.u32 $0x1C07, s10;
	s25 =	rddreg [dreg:$0xd];
	s23 =	sshrl.u32 s20, $0x3  }
0x342: {  	[hbm:s25], [sflag:s10] =	dma.local [spmem:s23], $0x2780  }
0x343: {  	_ =	swait.ge [sflag:s22], $0x2780  }
0x344: {  	s8 =	sadd.s32 $0x1, s8;
	s28 =	rddreg [dreg:$0xe]  }
0x345: {  	p0 =	sne.s32 s8, s28  }
.Ltmp1:
0x346: {  	_ = 	snop;
	(pc) =	sbr.rel @p0 .LBB2_1-.Ltmp1, $3  }
0x347: {  	_ =	sdelay $0x1  }
0x348: {  	[sflag:s22] =	ssyncset.done $0x0  }
0x349: {  	[sflag:s22] =	ssyncadd.s32 $0xFFFFD880  }
0x34a: {  	_ =	sfence.sel $0x180000  }
0x34b: {  	[bflag:$0x0] =	sbarrier.arrive $0xFFFF  }
0x34c: {  	_ =	strace $0x9000004A  }
0x34d: {  	s0 =	stileid.u32;
	[bflag:$0x2] =	sbarrier.arrive $0xFFFF  }
0x34e: {  	p0 =	sne.s32 s0, $0x0;
	s0 =	rddreg [dreg:$0x3]  }
0x34f: {  	s0 =	sadd.s32 @!p0 $0x100000, s0  }
0x350: {  	[sflag:s0] =	ssyncadd.tile.s32 @!p0 $0x1;
	_ =	shalt  }
.Lfunc_end2:
_tile_overlayer_lowered:
.L_overlay_start_2:
0x351: {  	(tag) =	ssettag $0x2  }
0x352: {  	s0 =	rddreg [dreg:$0x0];
	s2 =	stileid.u32  }
0x353: {  	s1 =	rddreg [dreg:$0x1];
	p0 =	sne.s32 s2, $0x0  }
0x354: {  	s3 =	rddreg [dreg:$0x2];
	[bflag:$0x3] =	sbarrier.arrive $0xFFFF;
	s2 =	simm.s32 @!p0 $0x1C07  }
0x355: {  	[timem:s3], [sflag:s2] =	dma.local @!p0 [hbm:s0], s1  }
0x356: {  	s0 =	simm.s32 @!p0 $0x7  }
0x357: {  	_ =	swait.ge @!p0 [sflag:s0], s1  }
0x358: {  	s1 =	ssub.s32 @!p0 $0x0, s1;
	[sflag:s0] =	ssyncset.done @!p0 $0x0  }
0x359: {  	[sflag:s0] =	ssyncadd.s32 @!p0 s1  }
0x35a: {  	[bflag:$0x3] =	sbarrier.arrive $0xFFFF  }
0x35b: {  	_ =	shalt  }

</sc_bundles>
